<compile_context>
chip_gen: v7x
topology: tpu7x:2x2x1
jax: 0.10.2.dev20260603
libtpu: 0.0.44.dev20260713+nightly
codegen_flags: <defaults>
</compile_context>

<pallas_src>
import functools

import jax
import jax.numpy as jnp
from jax import lax
from jax.experimental import pallas as pl
from jax.experimental.pallas import tpu as pltpu
from jax.experimental.pallas import tpu_sc as plsc

NC = 2
NS = 16
L = 16
N = 10000
P = 320000
F = 128
F3 = 3 * F
N2 = N // 2
E = 80
CH = 40
NCHUNK = P // E
NCHUNK2 = NCHUNK // NC
EM = 40
NCHM = P // EM
NCHM2 = NCHM // NC


def _mlp_body(q_ref, w1_ref, b1_ref, w2_ref, b2_ref, xa_ref, xc_ref):
    h = jnp.dot(q_ref[...], w1_ref[...], preferred_element_type=jnp.float32)
    h = h + b1_ref[...]
    h = h * jax.nn.sigmoid(h)
    x = jnp.dot(h, w2_ref[...], preferred_element_type=jnp.float32)
    x = x + b2_ref[...]
    xa_ref[...] = x[:, 0:F]
    xc_ref[...] = x[:, F:F3]


def _mlp(q2, W1, b1r, W2, b2r):
    BR = 2000
    return pl.pallas_call(
        _mlp_body,
        grid=(N // BR,),
        in_specs=[
            pl.BlockSpec((BR, F), lambda i: (i, 0)),
            pl.BlockSpec((F, F), lambda i: (0, 0)),
            pl.BlockSpec((1, F), lambda i: (0, 0)),
            pl.BlockSpec((F, F3), lambda i: (0, 0)),
            pl.BlockSpec((1, F3), lambda i: (0, 0)),
        ],
        out_specs=[
            pl.BlockSpec((BR, F), lambda i: (i, 0)),
            pl.BlockSpec((BR, 2 * F), lambda i: (i, 0)),
        ],
        out_shape=[
            jax.ShapeDtypeStruct((N, F), jnp.float32),
            jax.ShapeDtypeStruct((N, 2 * F), jnp.float32),
        ],
    )(q2, W1, b1r, W2, b2r)


def _epilogue_body(q_ref, mu_ref, p0_ref, p1_ref,
                   a0_ref, a1_ref, a2_ref, b0_ref, b1_ref, b2_ref,
                   qo_ref, mo_ref):
    qo_ref[...] = q_ref[...] + p0_ref[...] + p1_ref[...]
    a_refs = (a0_ref, a1_ref, a2_ref)
    b_refs = (b0_ref, b1_ref, b2_ref)
    for d in range(3):
        sl = pl.ds(d * F, F)
        mo_ref[:, sl] = mu_ref[:, sl] + a_refs[d][...] + b_refs[d][...]


def _epilogue(q2, mu_f, p0, p1, dmu_parts):
    BR = 2000
    nb = N // BR
    return pl.pallas_call(
        _epilogue_body,
        grid=(nb,),
        in_specs=[
            pl.BlockSpec((BR, F), lambda i: (i, 0)),
            pl.BlockSpec((BR, F3), lambda i: (i, 0)),
        ] + [pl.BlockSpec((BR, F), lambda i: (i, 0))] * 8,
        out_specs=[
            pl.BlockSpec((BR, F), lambda i: (i, 0)),
            pl.BlockSpec((BR, F3), lambda i: (i, 0)),
        ],
        out_shape=[
            jax.ShapeDtypeStruct((N, F), jnp.float32),
            jax.ShapeDtypeStruct((N, F3), jnp.float32),
        ],
    )(q2, mu_f, p0, p1, *dmu_parts)


def _for_each_chunk(s, fn, nch):
    def body(t, _):
        c = t * NS + s

        @pl.when(c < nch)
        def _():
            fn(pl.multiple_of(c * CH, 8))

        return 0

    lax.fori_loop(0, (nch + NS - 1) // NS, body, 0)


def _zero_fill(zbuf, width):
    def zrow(r, _):
        for g in range(width // L):
            zbuf[r, pl.ds(g * L, L)] = jnp.zeros((L,), jnp.float32)
        return 0

    lax.fori_loop(0, CH, zrow, 0)


_sc_mesh = plsc.VectorSubcoreMesh(
    core_axis_name="c", subcore_axis_name="s", num_cores=NC, num_subcores=NS
)


@functools.partial(
    pl.kernel,
    out_type=[jax.ShapeDtypeStruct((N, F), jnp.float32)] * NC,
    mesh=_sc_mesh,
    scratch_types=[
        pltpu.VMEM((E,), jnp.int32),
        pltpu.VMEM((E,), jnp.int32),
        pltpu.VMEM((E, F), jnp.float32),
        pltpu.VMEM((E, F), jnp.float32),
        pltpu.VMEM((E, F), jnp.float32),
        pltpu.VMEM((CH, F), jnp.float32),
        pltpu.VMEM_SHARED((N + 8, F), jnp.float32),
        pltpu.SemaphoreType.DMA,
    ],
)
def _dq_kernel(xa_hbm, w_hbm, idxi_hbm, idxj_hbm, out0_hbm, out1_hbm,
               idxj_v, idxi_v, rows_v, w_v, contrib_v, zbuf, acc, sem):
    c = lax.axis_index("c")
    s = lax.axis_index("s")

    _zero_fill(zbuf, F)
    _for_each_chunk(s, lambda r0: pltpu.sync_copy(zbuf, acc.at[pl.ds(r0, CH)]),
                    N // CH)
    plsc.subcore_barrier()

    def chunk_body(t, _):
        k = c * NCHUNK2 + t * NS + s
        base = pl.multiple_of(k * E, 8)
        pltpu.sync_copy(idxj_hbm.at[pl.ds(base, E)], idxj_v)
        pltpu.sync_copy(idxi_hbm.at[pl.ds(base, E)], idxi_v)
        cp_x = pltpu.async_copy(xa_hbm.at[idxj_v], rows_v, sem)
        cp_w = pltpu.async_copy(w_hbm.at[pl.ds(base, E), pl.ds(0, F)], w_v, sem)
        cp_x.wait()
        cp_w.wait()

        def e_body(e, _):
            for g in range(F // L):
                sl = pl.ds(g * L, L)
                contrib_v[e, sl] = rows_v[e, sl] * w_v[e, sl]
            return 0

        lax.fori_loop(0, E, e_body, 0)
        pltpu.sync_copy(contrib_v, acc.at[idxi_v], add=True)
        return 0

    lax.fori_loop(0, NCHUNK2 // NS, chunk_body, 0)
    plsc.subcore_barrier()

    def copy_out(r0):
        @pl.when(c == 0)
        def _():
            pltpu.sync_copy(acc.at[pl.ds(r0, CH)], out0_hbm.at[pl.ds(r0, CH)])

        @pl.when(c == 1)
        def _():
            pltpu.sync_copy(acc.at[pl.ds(r0, CH)], out1_hbm.at[pl.ds(r0, CH)])

    _for_each_chunk(s, copy_out, N // CH)


@functools.partial(
    pl.kernel,
    out_type=[jax.ShapeDtypeStruct((N, F), jnp.float32)] * 6,
    mesh=_sc_mesh,
    scratch_types=[
        pltpu.VMEM((EM,), jnp.int32),
        pltpu.VMEM((EM,), jnp.int32),
        pltpu.VMEM((EM, 2 * F), jnp.float32),
        pltpu.VMEM((EM, F3), jnp.float32),
        pltpu.VMEM((EM, 2 * F), jnp.float32),
        pltpu.VMEM((3 * EM * L,), jnp.float32),
        pltpu.VMEM((EM, F), jnp.float32),
        pltpu.VMEM((CH, F), jnp.float32),
        pltpu.VMEM_SHARED((N + 8, F), jnp.float32),
        pltpu.SemaphoreType.DMA,
    ],
)
def _dmu_kernel(xc_hbm, mu_hbm, w_hbm, dir_hbm, idxi_hbm, idxj_hbm,
                o00, o01, o02, o10, o11, o12,
                idxj_v, idxi_v, xc_v, mug_v, w2_v, dir_v,
                contrib_v, zbuf, acc, sem):
    c = lax.axis_index("c")
    s = lax.axis_index("s")
    outs = ((o00, o01, o02), (o10, o11, o12))

    _zero_fill(zbuf, F)

    for d in range(3):
        _for_each_chunk(
            s, lambda r0: pltpu.sync_copy(zbuf, acc.at[pl.ds(r0, CH)]),
            N // CH)
        plsc.subcore_barrier()

        def chunk_body(t, _):
            k = c * NCHM2 + t * NS + s
            base = pl.multiple_of(k * EM, 8)
            pltpu.sync_copy(idxj_hbm.at[pl.ds(base, EM)], idxj_v)
            pltpu.sync_copy(idxi_hbm.at[pl.ds(base, EM)], idxi_v)
            pltpu.sync_copy(
                dir_hbm.at[pl.ds(pl.multiple_of(3 * L * base, 8),
                                 3 * L * EM)],
                dir_v)
            cp_x = pltpu.async_copy(xc_hbm.at[idxj_v], xc_v, sem)
            cp_m = pltpu.async_copy(mu_hbm.at[idxj_v], mug_v, sem)
            cp_w = pltpu.async_copy(
                w_hbm.at[pl.ds(base, EM), pl.ds(F, 2 * F)], w2_v, sem)
            cp_x.wait()
            cp_m.wait()
            cp_w.wait()

            def e_body(e, _):
                off = 3 * L * e
                for g in range(F // L):
                    slg = pl.ds(g * L, L)
                    dmur = xc_v[e, slg] * w2_v[e, slg]
                    dmum = (xc_v[e, pl.ds(F + g * L, L)]
                            * w2_v[e, pl.ds(F + g * L, L)])
                    contrib_v[e, slg] = (
                        dmur * dir_v[pl.ds(off + d * L, L)]
                        + dmum * mug_v[e, pl.ds(d * F + g * L, L)])
                return 0

            lax.fori_loop(0, EM, e_body, 0)
            pltpu.sync_copy(contrib_v, acc.at[idxi_v], add=True)
            return 0

        lax.fori_loop(0, NCHM2 // NS, chunk_body, 0)
        plsc.subcore_barrier()

        def copy_out(r0):
            @pl.when(c == 0)
            def _():
                pltpu.sync_copy(acc.at[pl.ds(r0, CH)],
                                outs[0][d].at[pl.ds(r0, CH)])

            @pl.when(c == 1)
            def _():
                pltpu.sync_copy(acc.at[pl.ds(r0, CH)],
                                outs[1][d].at[pl.ds(r0, CH)])

        _for_each_chunk(s, copy_out, N // CH)
        plsc.subcore_barrier()


def kernel(q, mu, W_ij, dir_ij, pairlist, W1, b1, W2, b2):
    q2 = q.reshape(N, F)
    mu_f = mu.reshape(N, F3)
    xa, xc = _mlp(q2, W1, b1.reshape(1, F), W2, b2.reshape(1, F3))
    idx_i = pairlist[0]
    idx_j = pairlist[1]
    dir_b = jnp.broadcast_to(dir_ij[:, :, None], (P, 3, L)).reshape(-1)

    p0, p1 = _dq_kernel(xa, W_ij, idx_i, idx_j)
    dmu_parts = _dmu_kernel(xc, mu_f, W_ij, dir_b, idx_i, idx_j)

    qo, mo = _epilogue(q2, mu_f, p0, p1, dmu_parts)
    return (qo.reshape(N, 1, F), mo.reshape(N, 3, F))

# --- scband reference (transcript-rebuilt; emitter-appended) ---
"""Pipeline reference for scband-pai-nninteraction-19035295055909 (READ-ONLY COPY).

The authoritative reference and input builder live on the scoring server;
editing this copy changes nothing except your own understanding.
"""

import jax, jax.numpy as jnp
import numpy as np

N = 10000
P = 320000
F = 128

def setup_inputs(seed: int = 0) -> dict:
    key = jax.random.key(seed)
    ks = jax.random.split(key, 8)
    q = jax.random.normal(ks[0], (N, 1, F), dtype=jnp.float32)
    mu = jax.random.normal(ks[1], (N, 3, F), dtype=jnp.float32)
    W_ij = jax.random.normal(ks[2], (P, 3 * F), dtype=jnp.float32)
    dir_ij = jax.random.normal(ks[3], (P, 3), dtype=jnp.float32)
    dir_ij = dir_ij / (jnp.linalg.norm(dir_ij, axis=-1, keepdims=True) + 1e-9)
    pairlist = jax.random.randint(ks[4], (2, P), 0, N, dtype=jnp.int32)
    # Learned params: Dense(F->F, silu), Dense(F->3F)
    W1 = jax.random.normal(ks[5], (F, F), dtype=jnp.float32) * (1.0 / np.sqrt(F))
    b1 = jnp.zeros((F,), dtype=jnp.float32)
    W2 = jax.random.normal(ks[6], (F, 3 * F), dtype=jnp.float32) * (1.0 / np.sqrt(F))
    b2 = jnp.zeros((3 * F,), dtype=jnp.float32)
    return {"q": q, "mu": mu, "W_ij": W_ij, "dir_ij": dir_ij, "pairlist": pairlist,
            "W1": W1, "b1": b1, "W2": W2, "b2": b2}

def reference(q, mu, W_ij, dir_ij, pairlist, W1, b1, W2, b2):
    idx_i = pairlist[0]
    idx_j = pairlist[1]
    nr_of_atoms = q.shape[0]
    # interatomic_net: Dense(F->F, silu) then Dense(F->3F)
    x = jax.nn.silu(jnp.matmul(q, W1) + b1)
    x = jnp.matmul(x, W2) + b2  # [N, 1, 3F]
    xj = x[idx_j]               # [P, 1, 3F]
    muj = mu[idx_j]             # [P, 3, F]
    Wij = W_ij[:, None, :]      # [P, 1, 3F]
    x = Wij * xj                # [P, 1, 3F]
    dq, dmuR, dmumu = jnp.split(x, 3, axis=-1)  # each [P, 1, F]
    dq = jax.ops.segment_sum(dq, idx_i, num_segments=nr_of_atoms)  # [N, 1, F]
    dmu = dmuR * dir_ij[..., None] + dmumu * muj                   # [P, 3, F]
    dmu = jax.ops.segment_sum(dmu, idx_i, num_segments=nr_of_atoms)  # [N, 3, F]
    q_out = q + dq
    mu_out = mu + dmu
    return (q_out, mu_out)

if __name__ == "__main__":
    import jax
    _d = setup_inputs()
    print(jax.jit(kernel)(*tuple(_d.values())))

</pallas_src>

<mosaic_0001>
#map = affine_map<(d0, d1) -> (0, 0)>
#map1 = affine_map<(d0, d1) -> (0)>
module attributes {stable_mosaic.version = 14 : i64} {
  func.func @_dmu_kernel(%arg0: i32, %arg1: i32, %arg2: memref<10000x256xf32, #tpu.memory_space<hbm>>, %arg3: memref<10000x384xf32, #tpu.memory_space<hbm>>, %arg4: memref<320000x384xf32, #tpu.memory_space<hbm>>, %arg5: memref<15360000xf32, #tpu.memory_space<hbm>>, %arg6: memref<320000xi32, #tpu.memory_space<hbm>>, %arg7: memref<320000xi32, #tpu.memory_space<hbm>>, %arg8: memref<10000x128xf32, #tpu.memory_space<hbm>>, %arg9: memref<10000x128xf32, #tpu.memory_space<hbm>>, %arg10: memref<10000x128xf32, #tpu.memory_space<hbm>>, %arg11: memref<10000x128xf32, #tpu.memory_space<hbm>>, %arg12: memref<10000x128xf32, #tpu.memory_space<hbm>>, %arg13: memref<10000x128xf32, #tpu.memory_space<hbm>>, %arg14: memref<40xi32, #tpu.memory_space<vmem>>, %arg15: memref<40xi32, #tpu.memory_space<vmem>>, %arg16: memref<40x256xf32, #tpu.memory_space<vmem>>, %arg17: memref<40x384xf32, #tpu.memory_space<vmem>>, %arg18: memref<40x256xf32, #tpu.memory_space<vmem>>, %arg19: memref<1920xf32, #tpu.memory_space<vmem>>, %arg20: memref<40x128xf32, #tpu.memory_space<vmem>>, %arg21: memref<40x128xf32, #tpu.memory_space<vmem>>, %arg22: memref<10008x128xf32, #tpu.memory_space<vmem_shared>>, %arg23: memref<!tpu.dma_semaphore, #tpu.memory_space<semaphore_mem>>) attributes {dimension_semantics = [#tpu.dimension_semantics<core_parallel>, #tpu.dimension_semantics<subcore_parallel>], iteration_bounds = array<i64: 2, 16>, scalar_prefetch = 0 : i64, scratch_operands = 10 : i64, tpu.core_type = #tpu.core_type<sc_vector_subcore>, window_params = [{transform_indices = #map}, {transform_indices = #map}, {transform_indices = #map}, {transform_indices = #map1}, {transform_indices = #map1}, {transform_indices = #map1}, {transform_indices = #map}, {transform_indices = #map}, {transform_indices = #map}, {transform_indices = #map}, {transform_indices = #map}, {transform_indices = #map}]} {
    %scan3A = arith.constant 0 : i32
    %scan3A_0 = arith.constant 0 : i32
    %scan3A_1 = arith.constant 40 : i32
    %scan3A_2 = arith.addi %scan3A_0, %scan3A_1 : i32
    %scan3A_3 = arith.constant 1 : i32
    %scan3A_4 = scf.for %scan3A_77 = %scan3A_0 to %scan3A_2 step %scan3A_3 iter_args(%scan3A_78 = %scan3A) -> (i32)  : i32 {
      %broadcast_in_dim3A = arith.constant 0.000000e+00 : f32
      %broadcast_in_dim3A_79 = vector.broadcast %broadcast_in_dim3A : f32 to vector<16xf32>
      %swap3A = arith.index_cast %scan3A_77 : i32 to index
      %swap3A_80 = arith.constant 0 : index
      %swap3A_81 = tpu.vector_load %arg21[%swap3A, %swap3A_80] {strides = array<i32>} : memref<40x128xf32, #tpu.memory_space<vmem>>, vector<1x16xf32>,
      %swap3A_82 = vector.shape_cast %swap3A_81 : vector<1x16xf32> to vector<16xf32>
      %swap3A_83 = vector.shape_cast %broadcast_in_dim3A_79 : vector<16xf32> to vector<1x16xf32>
      tpu.vector_store %arg21[%swap3A, %swap3A_80], %swap3A_83 {strides = array<i32>} : memref<40x128xf32, #tpu.memory_space<vmem>>, vector<1x16xf32>,
      %broadcast_in_dim3A_84 = arith.constant 0.000000e+00 : f32
      %broadcast_in_dim3A_85 = vector.broadcast %broadcast_in_dim3A_84 : f32 to vector<16xf32>
      %swap3A_86 = arith.index_cast %scan3A_77 : i32 to index
      %swap3A_87 = arith.constant 16 : index
      %swap3A_88 = tpu.vector_load %arg21[%swap3A_86, %swap3A_87] {strides = array<i32>} : memref<40x128xf32, #tpu.memory_space<vmem>>, vector<1x16xf32>,
      %swap3A_89 = vector.shape_cast %swap3A_88 : vector<1x16xf32> to vector<16xf32>
      %swap3A_90 = vector.shape_cast %broadcast_in_dim3A_85 : vector<16xf32> to vector<1x16xf32>
      tpu.vector_store %arg21[%swap3A_86, %swap3A_87], %swap3A_90 {strides = array<i32>} : memref<40x128xf32, #tpu.memory_space<vmem>>, vector<1x16xf32>,
      %broadcast_in_dim3A_91 = arith.constant 0.000000e+00 : f32
      %broadcast_in_dim3A_92 = vector.broadcast %broadcast_in_dim3A_91 : f32 to vector<16xf32>
      %swap3A_93 = arith.index_cast %scan3A_77 : i32 to index
      %swap3A_94 = arith.constant 32 : index
      %swap3A_95 = tpu.vector_load %arg21[%swap3A_93, %swap3A_94] {strides = array<i32>} : memref<40x128xf32, #tpu.memory_space<vmem>>, vector<1x16xf32>,
      %swap3A_96 = vector.shape_cast %swap3A_95 : vector<1x16xf32> to vector<16xf32>
      %swap3A_97 = vector.shape_cast %broadcast_in_dim3A_92 : vector<16xf32> to vector<1x16xf32>
      tpu.vector_store %arg21[%swap3A_93, %swap3A_94], %swap3A_97 {strides = array<i32>} : memref<40x128xf32, #tpu.memory_space<vmem>>, vector<1x16xf32>,
      %broadcast_in_dim3A_98 = arith.constant 0.000000e+00 : f32
      %broadcast_in_dim3A_99 = vector.broadcast %broadcast_in_dim3A_98 : f32 to vector<16xf32>
      %swap3A_100 = arith.index_cast %scan3A_77 : i32 to index
      %swap3A_101 = arith.constant 48 : index
      %swap3A_102 = tpu.vector_load %arg21[%swap3A_100, %swap3A_101] {strides = array<i32>} : memref<40x128xf32, #tpu.memory_space<vmem>>, vector<1x16xf32>,
      %swap3A_103 = vector.shape_cast %swap3A_102 : vector<1x16xf32> to vector<16xf32>
      %swap3A_104 = vector.shape_cast %broadcast_in_dim3A_99 : vector<16xf32> to vector<1x16xf32>
      tpu.vector_store %arg21[%swap3A_100, %swap3A_101], %swap3A_104 {strides = array<i32>} : memref<40x128xf32, #tpu.memory_space<vmem>>, vector<1x16xf32>,
      %broadcast_in_dim3A_105 = arith.constant 0.000000e+00 : f32
      %broadcast_in_dim3A_106 = vector.broadcast %broadcast_in_dim3A_105 : f32 to vector<16xf32>
      %swap3A_107 = arith.index_cast %scan3A_77 : i32 to index
      %swap3A_108 = arith.constant 64 : index
      %swap3A_109 = tpu.vector_load %arg21[%swap3A_107, %swap3A_108] {strides = array<i32>} : memref<40x128xf32, #tpu.memory_space<vmem>>, vector<1x16xf32>,
      %swap3A_110 = vector.shape_cast %swap3A_109 : vector<1x16xf32> to vector<16xf32>
      %swap3A_111 = vector.shape_cast %broadcast_in_dim3A_106 : vector<16xf32> to vector<1x16xf32>
      tpu.vector_store %arg21[%swap3A_107, %swap3A_108], %swap3A_111 {strides = array<i32>} : memref<40x128xf32, #tpu.memory_space<vmem>>, vector<1x16xf32>,
      %broadcast_in_dim3A_112 = arith.constant 0.000000e+00 : f32
      %broadcast_in_dim3A_113 = vector.broadcast %broadcast_in_dim3A_112 : f32 to vector<16xf32>
      %swap3A_114 = arith.index_cast %scan3A_77 : i32 to index
      %swap3A_115 = arith.constant 80 : index
      %swap3A_116 = tpu.vector_load %arg21[%swap3A_114, %swap3A_115] {strides = array<i32>} : memref<40x128xf32, #tpu.memory_space<vmem>>, vector<1x16xf32>,
      %swap3A_117 = vector.shape_cast %swap3A_116 : vector<1x16xf32> to vector<16xf32>
      %swap3A_118 = vector.shape_cast %broadcast_in_dim3A_113 : vector<16xf32> to vector<1x16xf32>
      tpu.vector_store %arg21[%swap3A_114, %swap3A_115], %swap3A_118 {strides = array<i32>} : memref<40x128xf32, #tpu.memory_space<vmem>>, vector<1x16xf32>,
      %broadcast_in_dim3A_119 = arith.constant 0.000000e+00 : f32
      %broadcast_in_dim3A_120 = vector.broadcast %broadcast_in_dim3A_119 : f32 to vector<16xf32>
      %swap3A_121 = arith.index_cast %scan3A_77 : i32 to index
      %swap3A_122 = arith.constant 96 : index
      %swap3A_123 = tpu.vector_load %arg21[%swap3A_121, %swap3A_122] {strides = array<i32>} : memref<40x128xf32, #tpu.memory_space<vmem>>, vector<1x16xf32>,
      %swap3A_124 = vector.shape_cast %swap3A_123 : vector<1x16xf32> to vector<16xf32>
      %swap3A_125 = vector.shape_cast %broadcast_in_dim3A_120 : vector<16xf32> to vector<1x16xf32>
      tpu.vector_store %arg21[%swap3A_121, %swap3A_122], %swap3A_125 {strides = array<i32>} : memref<40x128xf32, #tpu.memory_space<vmem>>, vector<1x16xf32>,
      %broadcast_in_dim3A_126 = arith.constant 0.000000e+00 : f32
      %broadcast_in_dim3A_127 = vector.broadcast %broadcast_in_dim3A_126 : f32 to vector<16xf32>
      %swap3A_128 = arith.index_cast %scan3A_77 : i32 to index
      %swap3A_129 = arith.constant 112 : index
      %swap3A_130 = tpu.vector_load %arg21[%swap3A_128, %swap3A_129] {strides = array<i32>} : memref<40x128xf32, #tpu.memory_space<vmem>>, vector<1x16xf32>,
      %swap3A_131 = vector.shape_cast %swap3A_130 : vector<1x16xf32> to vector<16xf32>
      %swap3A_132 = vector.shape_cast %broadcast_in_dim3A_127 : vector<16xf32> to vector<1x16xf32>
      tpu.vector_store %arg21[%swap3A_128, %swap3A_129], %swap3A_132 {strides = array<i32>} : memref<40x128xf32, #tpu.memory_space<vmem>>, vector<1x16xf32>,
      %scan3A_133 = arith.constant 0 : i32
      scf.yield %scan3A_133 : i32
    }
    %scan3A_5 = arith.constant 40 : i32
    %scan3A_6 = arith.constant 0 : i32
    %scan3A_7 = arith.constant 0 : i32
    %scan3A_8 = arith.constant 16 : i32
    %scan3A_9 = arith.addi %scan3A_7, %scan3A_8 : i32
    %scan3A_10 = arith.constant 1 : i32
    %scan3A_11 = scf.for %scan3A_77 = %scan3A_7 to %scan3A_9 step %scan3A_10 iter_args(%scan3A_78 = %scan3A_6) -> (i32)  : i32 {
      %mul3A = arith.constant 16 : i32
      %mul3A_79 = arith.muli %scan3A_77, %mul3A : i32
      %add3A = arith.addi %mul3A_79, %arg1 : i32
      %lt3A = arith.constant 250 : i32
      %lt3A_80 = arith.cmpi slt, %add3A, %lt3A : i32
      %convert_element_type3A = arith.extui %lt3A_80 : i1 to i32
      %cond3A = arith.constant 0 : i32
      %cond3A_81 = arith.cmpi ne, %convert_element_type3A, %cond3A : i32
      scf.if %cond3A_81 {
        %mul3A_83 = arith.constant 40 : i32
        %mul3A_84 = arith.muli %add3A, %mul3A_83 : i32
        %multiple_of3A = tpu.assume_multiple %mul3A_84, 8 : i32
        "tpu.region"() ({
          %run_scoped3A = tpu.sem_alloc : memref<!tpu.dma_semaphore, #tpu.memory_space<semaphore_mem>>
          %dma_start3A = arith.constant 0 : i32
          %dma_start3A_85 = tpu.memref_slice %arg22[%multiple_of3A, %dma_start3A] : memref<10008x128xf32, #tpu.memory_space<vmem_shared>> -> memref<40x128xf32, #tpu.memory_space<vmem_shared>>
          %dma_start3A_86 = arith.constant 0 : i32
          %dma_start3A_87 = tpu.memref_slice %arg22[%multiple_of3A, %dma_start3A_86] : memref<10008x128xf32, #tpu.memory_space<vmem_shared>> -> memref<40x128xf32, #tpu.memory_space<vmem_shared>>
          tpu.enqueue_dma source(%arg21 : memref<40x128xf32, #tpu.memory_space<vmem>>) target(%dma_start3A_87 : memref<40x128xf32, #tpu.memory_space<vmem_shared>>) target_semaphore(%run_scoped3A : memref<!tpu.dma_semaphore, #tpu.memory_space<semaphore_mem>>)
          %dma_wait3A = arith.constant 0 : i32
          %dma_wait3A_88 = tpu.memref_slice %arg22[%multiple_of3A, %dma_wait3A] : memref<10008x128xf32, #tpu.memory_space<vmem_shared>> -> memref<40x128xf32, #tpu.memory_space<vmem_shared>>
          %dma_wait3A_89 = arith.constant 0 : i32
          %dma_wait3A_90 = tpu.memref_slice %arg22[%multiple_of3A, %dma_wait3A_89] : memref<10008x128xf32, #tpu.memory_space<vmem_shared>> -> memref<40x128xf32, #tpu.memory_space<vmem_shared>>
          tpu.wait_dma2 semaphore(%run_scoped3A : memref<!tpu.dma_semaphore, #tpu.memory_space<semaphore_mem>>) src(%arg21 : memref<40x128xf32, #tpu.memory_space<vmem>>) dst(%dma_wait3A_90 : memref<40x128xf32, #tpu.memory_space<vmem_shared>>)
          tpu.yield
        }) : () -> ()
      } else {
      }
      %scan3A_82 = arith.constant 0 : i32
      scf.yield %scan3A_82 : i32
    }
    %scan3A_12 = arith.constant 16 : i32
    %barrier3A = arith.constant 0 : index
    tpu.barrier barrier_id(%barrier3A)
    %scan3A_13 = arith.constant 0 : i32
    %scan3A_14 = arith.constant 0 : i32
    %scan3A_15 = arith.constant 250 : i32
    %scan3A_16 = arith.addi %scan3A_14, %scan3A_15 : i32
    %scan3A_17 = arith.constant 1 : i32
    %scan3A_18 = scf.for %scan3A_77 = %scan3A_14 to %scan3A_16 step %scan3A_17 iter_args(%scan3A_78 = %scan3A_13) -> (i32)  : i32 {
      %mul3A = arith.constant 4000 : i32
      %mul3A_79 = arith.muli %arg0, %mul3A : i32
      %mul3A_80 = arith.constant 16 : i32
      %mul3A_81 = arith.muli %scan3A_77, %mul3A_80 : i32
      %add3A = arith.addi %mul3A_79, %mul3A_81 : i32
      %add3A_82 = arith.addi %add3A, %arg1 : i32
      %mul3A_83 = arith.constant 40 : i32
      %mul3A_84 = arith.muli %add3A_82, %mul3A_83 : i32
      %multiple_of3A = tpu.assume_multiple %mul3A_84, 8 : i32
      "tpu.region"() ({
        %run_scoped3A = tpu.sem_alloc : memref<!tpu.dma_semaphore, #tpu.memory_space<semaphore_mem>>
        %dma_start3A_114 = tpu.memref_slice %arg7[%multiple_of3A] : memref<320000xi32, #tpu.memory_space<hbm>> -> memref<40xi32, #tpu.memory_space<hbm>>
        %dma_start3A_115 = tpu.memref_slice %arg7[%multiple_of3A] : memref<320000xi32, #tpu.memory_space<hbm>> -> memref<40xi32, #tpu.memory_space<hbm>>
        tpu.enqueue_dma source(%dma_start3A_115 : memref<40xi32, #tpu.memory_space<hbm>>) target(%arg14 : memref<40xi32, #tpu.memory_space<vmem>>) target_semaphore(%run_scoped3A : memref<!tpu.dma_semaphore, #tpu.memory_space<semaphore_mem>>)
        %dma_wait3A_116 = tpu.memref_slice %arg7[%multiple_of3A] : memref<320000xi32, #tpu.memory_space<hbm>> -> memref<40xi32, #tpu.memory_space<hbm>>
        %dma_wait3A_117 = tpu.memref_slice %arg7[%multiple_of3A] : memref<320000xi32, #tpu.memory_space<hbm>> -> memref<40xi32, #tpu.memory_space<hbm>>
        tpu.wait_dma2 semaphore(%run_scoped3A : memref<!tpu.dma_semaphore, #tpu.memory_space<semaphore_mem>>) src(%dma_wait3A_117 : memref<40xi32, #tpu.memory_space<hbm>>) dst(%arg14 : memref<40xi32, #tpu.memory_space<vmem>>)
        tpu.yield
      }) : () -> ()
      "tpu.region"() ({
        %run_scoped3A = tpu.sem_alloc : memref<!tpu.dma_semaphore, #tpu.memory_space<semaphore_mem>>
        %dma_start3A_114 = tpu.memref_slice %arg6[%multiple_of3A] : memref<320000xi32, #tpu.memory_space<hbm>> -> memref<40xi32, #tpu.memory_space<hbm>>
        %dma_start3A_115 = tpu.memref_slice %arg6[%multiple_of3A] : memref<320000xi32, #tpu.memory_space<hbm>> -> memref<40xi32, #tpu.memory_space<hbm>>
        tpu.enqueue_dma source(%dma_start3A_115 : memref<40xi32, #tpu.memory_space<hbm>>) target(%arg15 : memref<40xi32, #tpu.memory_space<vmem>>) target_semaphore(%run_scoped3A : memref<!tpu.dma_semaphore, #tpu.memory_space<semaphore_mem>>)
        %dma_wait3A_116 = tpu.memref_slice %arg6[%multiple_of3A] : memref<320000xi32, #tpu.memory_space<hbm>> -> memref<40xi32, #tpu.memory_space<hbm>>
        %dma_wait3A_117 = tpu.memref_slice %arg6[%multiple_of3A] : memref<320000xi32, #tpu.memory_space<hbm>> -> memref<40xi32, #tpu.memory_space<hbm>>
        tpu.wait_dma2 semaphore(%run_scoped3A : memref<!tpu.dma_semaphore, #tpu.memory_space<semaphore_mem>>) src(%dma_wait3A_117 : memref<40xi32, #tpu.memory_space<hbm>>) dst(%arg15 : memref<40xi32, #tpu.memory_space<vmem>>)
        tpu.yield
      }) : () -> ()
      %mul3A_85 = arith.constant 48 : i32
      %mul3A_86 = arith.muli %mul3A_85, %multiple_of3A : i32
      %multiple_of3A_87 = tpu.assume_multiple %mul3A_86, 8 : i32
      "tpu.region"() ({
        %run_scoped3A = tpu.sem_alloc : memref<!tpu.dma_semaphore, #tpu.memory_space<semaphore_mem>>
        %dma_start3A_114 = tpu.memref_slice %arg5[%multiple_of3A_87] : memref<15360000xf32, #tpu.memory_space<hbm>> -> memref<1920xf32, #tpu.memory_space<hbm>>
        %dma_start3A_115 = tpu.memref_slice %arg5[%multiple_of3A_87] : memref<15360000xf32, #tpu.memory_space<hbm>> -> memref<1920xf32, #tpu.memory_space<hbm>>
        tpu.enqueue_dma source(%dma_start3A_115 : memref<1920xf32, #tpu.memory_space<hbm>>) target(%arg19 : memref<1920xf32, #tpu.memory_space<vmem>>) target_semaphore(%run_scoped3A : memref<!tpu.dma_semaphore, #tpu.memory_space<semaphore_mem>>)
        %dma_wait3A_116 = tpu.memref_slice %arg5[%multiple_of3A_87] : memref<15360000xf32, #tpu.memory_space<hbm>> -> memref<1920xf32, #tpu.memory_space<hbm>>
        %dma_wait3A_117 = tpu.memref_slice %arg5[%multiple_of3A_87] : memref<15360000xf32, #tpu.memory_space<hbm>> -> memref<1920xf32, #tpu.memory_space<hbm>>
        tpu.wait_dma2 semaphore(%run_scoped3A : memref<!tpu.dma_semaphore, #tpu.memory_space<semaphore_mem>>) src(%dma_wait3A_117 : memref<1920xf32, #tpu.memory_space<hbm>>) dst(%arg19 : memref<1920xf32, #tpu.memory_space<vmem>>)
        tpu.yield
      }) : () -> ()
      %dma_start3A = arith.constant 0 : i32
      %dma_start3A_88 = arith.constant 0 : i32
      %dma_start3A_89 = tpu.memref_slice %arg2[%dma_start3A, %dma_start3A_88] : memref<10000x256xf32, #tpu.memory_space<hbm>> -> memref<10000x256xf32, #tpu.memory_space<hbm>>
      tpu.enqueue_indirect_dma source(%dma_start3A_89 : memref<10000x256xf32, #tpu.memory_space<hbm>>) target(%arg16 : memref<40x256xf32, #tpu.memory_space<vmem>>) offsets(%arg14 : memref<40xi32, #tpu.memory_space<vmem>>) semaphore(%arg23 : memref<!tpu.dma_semaphore, #tpu.memory_space<semaphore_mem>>)
      %dma_start3A_90 = arith.constant 0 : i32
      %dma_start3A_91 = arith.constant 0 : i32
      %dma_start3A_92 = tpu.memref_slice %arg3[%dma_start3A_90, %dma_start3A_91] : memref<10000x384xf32, #tpu.memory_space<hbm>> -> memref<10000x384xf32, #tpu.memory_space<hbm>>
      tpu.enqueue_indirect_dma source(%dma_start3A_92 : memref<10000x384xf32, #tpu.memory_space<hbm>>) target(%arg17 : memref<40x384xf32, #tpu.memory_space<vmem>>) offsets(%arg14 : memref<40xi32, #tpu.memory_space<vmem>>) semaphore(%arg23 : memref<!tpu.dma_semaphore, #tpu.memory_space<semaphore_mem>>)
      %dma_start3A_93 = arith.constant 128 : i32
      %dma_start3A_94 = tpu.memref_slice %arg4[%multiple_of3A, %dma_start3A_93] : memref<320000x384xf32, #tpu.memory_space<hbm>> -> memref<40x256xf32, #tpu.memory_space<hbm>>
      %dma_start3A_95 = arith.constant 128 : i32
      %dma_start3A_96 = tpu.memref_slice %arg4[%multiple_of3A, %dma_start3A_95] : memref<320000x384xf32, #tpu.memory_space<hbm>> -> memref<40x256xf32, #tpu.memory_space<hbm>>
      tpu.enqueue_dma source(%dma_start3A_96 : memref<40x256xf32, #tpu.memory_space<hbm>>) target(%arg18 : memref<40x256xf32, #tpu.memory_space<vmem>>) target_semaphore(%arg23 : memref<!tpu.dma_semaphore, #tpu.memory_space<semaphore_mem>>)
      %dma_wait3A = arith.constant 0 : i32
      %dma_wait3A_97 = arith.constant 0 : i32
      %dma_wait3A_98 = tpu.memref_slice %arg2[%dma_wait3A, %dma_wait3A_97] : memref<10000x256xf32, #tpu.memory_space<hbm>> -> memref<10000x256xf32, #tpu.memory_space<hbm>>
      tpu.wait_indirect_dma semaphore(%arg23 : memref<!tpu.dma_semaphore, #tpu.memory_space<semaphore_mem>>) src(%dma_wait3A_98 : memref<10000x256xf32, #tpu.memory_space<hbm>>) dst(%arg16 : memref<40x256xf32, #tpu.memory_space<vmem>>)
      %dma_wait3A_99 = arith.constant 0 : i32
      %dma_wait3A_100 = arith.constant 0 : i32
      %dma_wait3A_101 = tpu.memref_slice %arg3[%dma_wait3A_99, %dma_wait3A_100] : memref<10000x384xf32, #tpu.memory_space<hbm>> -> memref<10000x384xf32, #tpu.memory_space<hbm>>
      tpu.wait_indirect_dma semaphore(%arg23 : memref<!tpu.dma_semaphore, #tpu.memory_space<semaphore_mem>>) src(%dma_wait3A_101 : memref<10000x384xf32, #tpu.memory_space<hbm>>) dst(%arg17 : memref<40x384xf32, #tpu.memory_space<vmem>>)
      %dma_wait3A_102 = arith.constant 128 : i32
      %dma_wait3A_103 = tpu.memref_slice %arg4[%multiple_of3A, %dma_wait3A_102] : memref<320000x384xf32, #tpu.memory_space<hbm>> -> memref<40x256xf32, #tpu.memory_space<hbm>>
      %dma_wait3A_104 = arith.constant 128 : i32
      %dma_wait3A_105 = tpu.memref_slice %arg4[%multiple_of3A, %dma_wait3A_104] : memref<320000x384xf32, #tpu.memory_space<hbm>> -> memref<40x256xf32, #tpu.memory_space<hbm>>
      tpu.wait_dma2 semaphore(%arg23 : memref<!tpu.dma_semaphore, #tpu.memory_space<semaphore_mem>>) src(%dma_wait3A_105 : memref<40x256xf32, #tpu.memory_space<hbm>>) dst(%arg18 : memref<40x256xf32, #tpu.memory_space<vmem>>)
      %scan3A_106 = arith.constant 0 : i32
      %scan3A_107 = arith.constant 0 : i32
      %scan3A_108 = arith.constant 40 : i32
      %scan3A_109 = arith.addi %scan3A_107, %scan3A_108 : i32
      %scan3A_110 = arith.constant 1 : i32
      %scan3A_111 = scf.for %scan3A_114 = %scan3A_107 to %scan3A_109 step %scan3A_110 iter_args(%scan3A_115 = %scan3A_106) -> (i32)  : i32 {
        %mul3A_116 = arith.constant 48 : i32
        %mul3A_117 = arith.muli %mul3A_116, %scan3A_114 : i32
        %get3A = arith.index_cast %scan3A_114 : i32 to index
        %get3A_118 = arith.constant 0 : index
        %get3A_119 = tpu.vector_load %arg16[%get3A, %get3A_118] {strides = array<i32>} : memref<40x256xf32, #tpu.memory_space<vmem>>, vector<1x16xf32>,
        %get3A_120 = vector.shape_cast %get3A_119 : vector<1x16xf32> to vector<16xf32>
        %get3A_121 = arith.index_cast %scan3A_114 : i32 to index
        %get3A_122 = arith.constant 0 : index
        %get3A_123 = tpu.vector_load %arg18[%get3A_121, %get3A_122] {strides = array<i32>} : memref<40x256xf32, #tpu.memory_space<vmem>>, vector<1x16xf32>,
        %get3A_124 = vector.shape_cast %get3A_123 : vector<1x16xf32> to vector<16xf32>
        %mul3A_125 = arith.mulf %get3A_120, %get3A_124 : vector<16xf32>
        %get3A_126 = arith.index_cast %scan3A_114 : i32 to index
        %get3A_127 = arith.constant 128 : index
        %get3A_128 = tpu.vector_load %arg16[%get3A_126, %get3A_127] {strides = array<i32>} : memref<40x256xf32, #tpu.memory_space<vmem>>, vector<1x16xf32>,
        %get3A_129 = vector.shape_cast %get3A_128 : vector<1x16xf32> to vector<16xf32>
        %get3A_130 = arith.index_cast %scan3A_114 : i32 to index
        %get3A_131 = arith.constant 128 : index
        %get3A_132 = tpu.vector_load %arg18[%get3A_130, %get3A_131] {strides = array<i32>} : memref<40x256xf32, #tpu.memory_space<vmem>>, vector<1x16xf32>,
        %get3A_133 = vector.shape_cast %get3A_132 : vector<1x16xf32> to vector<16xf32>
        %mul3A_134 = arith.mulf %get3A_129, %get3A_133 : vector<16xf32>
        %add3A_135 = arith.constant 0 : i32
        %add3A_136 = arith.addi %mul3A_117, %add3A_135 : i32
        %get3A_137 = arith.index_cast %add3A_136 : i32 to index
        %get3A_138 = tpu.vector_load %arg19[%get3A_137] {strides = array<i32>} : memref<1920xf32, #tpu.memory_space<vmem>>, vector<16xf32>,
        %get3A_139 = vector.shape_cast %get3A_138 : vector<16xf32> to vector<16xf32>
        %mul3A_140 = arith.mulf %mul3A_125, %get3A_139 : vector<16xf32>
        %get3A_141 = arith.index_cast %scan3A_114 : i32 to index
        %get3A_142 = arith.constant 0 : index
        %get3A_143 = tpu.vector_load %arg17[%get3A_141, %get3A_142] {strides = array<i32>} : memref<40x384xf32, #tpu.memory_space<vmem>>, vector<1x16xf32>,
        %get3A_144 = vector.shape_cast %get3A_143 : vector<1x16xf32> to vector<16xf32>
        %mul3A_145 = arith.mulf %mul3A_134, %get3A_144 : vector<16xf32>
        %add3A_146 = arith.addf %mul3A_140, %mul3A_145 : vector<16xf32>
        %swap3A = arith.index_cast %scan3A_114 : i32 to index
        %swap3A_147 = arith.constant 0 : index
        %swap3A_148 = tpu.vector_load %arg20[%swap3A, %swap3A_147] {strides = array<i32>} : memref<40x128xf32, #tpu.memory_space<vmem>>, vector<1x16xf32>,
        %swap3A_149 = vector.shape_cast %swap3A_148 : vector<1x16xf32> to vector<16xf32>
        %swap3A_150 = vector.shape_cast %add3A_146 : vector<16xf32> to vector<1x16xf32>
        tpu.vector_store %arg20[%swap3A, %swap3A_147], %swap3A_150 {strides = array<i32>} : memref<40x128xf32, #tpu.memory_space<vmem>>, vector<1x16xf32>,
        %get3A_151 = arith.index_cast %scan3A_114 : i32 to index
        %get3A_152 = arith.constant 16 : index
        %get3A_153 = tpu.vector_load %arg16[%get3A_151, %get3A_152] {strides = array<i32>} : memref<40x256xf32, #tpu.memory_space<vmem>>, vector<1x16xf32>,
        %get3A_154 = vector.shape_cast %get3A_153 : vector<1x16xf32> to vector<16xf32>
        %get3A_155 = arith.index_cast %scan3A_114 : i32 to index
        %get3A_156 = arith.constant 16 : index
        %get3A_157 = tpu.vector_load %arg18[%get3A_155, %get3A_156] {strides = array<i32>} : memref<40x256xf32, #tpu.memory_space<vmem>>, vector<1x16xf32>,
        %get3A_158 = vector.shape_cast %get3A_157 : vector<1x16xf32> to vector<16xf32>
        %mul3A_159 = arith.mulf %get3A_154, %get3A_158 : vector<16xf32>
        %get3A_160 = arith.index_cast %scan3A_114 : i32 to index
        %get3A_161 = arith.constant 144 : index
        %get3A_162 = tpu.vector_load %arg16[%get3A_160, %get3A_161] {strides = array<i32>} : memref<40x256xf32, #tpu.memory_space<vmem>>, vector<1x16xf32>,
        %get3A_163 = vector.shape_cast %get3A_162 : vector<1x16xf32> to vector<16xf32>
        %get3A_164 = arith.index_cast %scan3A_114 : i32 to index
        %get3A_165 = arith.constant 144 : index
        %get3A_166 = tpu.vector_load %arg18[%get3A_164, %get3A_165] {strides = array<i32>} : memref<40x256xf32, #tpu.memory_space<vmem>>, vector<1x16xf32>,
        %get3A_167 = vector.shape_cast %get3A_166 : vector<1x16xf32> to vector<16xf32>
        %mul3A_168 = arith.mulf %get3A_163, %get3A_167 : vector<16xf32>
        %add3A_169 = arith.constant 0 : i32
        %add3A_170 = arith.addi %mul3A_117, %add3A_169 : i32
        %get3A_171 = arith.index_cast %add3A_170 : i32 to index
        %get3A_172 = tpu.vector_load %arg19[%get3A_171] {strides = array<i32>} : memref<1920xf32, #tpu.memory_space<vmem>>, vector<16xf32>,
        %get3A_173 = vector.shape_cast %get3A_172 : vector<16xf32> to vector<16xf32>
        %mul3A_174 = arith.mulf %mul3A_159, %get3A_173 : vector<16xf32>
        %get3A_175 = arith.index_cast %scan3A_114 : i32 to index
        %get3A_176 = arith.constant 16 : index
        %get3A_177 = tpu.vector_load %arg17[%get3A_175, %get3A_176] {strides = array<i32>} : memref<40x384xf32, #tpu.memory_space<vmem>>, vector<1x16xf32>,
        %get3A_178 = vector.shape_cast %get3A_177 : vector<1x16xf32> to vector<16xf32>
        %mul3A_179 = arith.mulf %mul3A_168, %get3A_178 : vector<16xf32>
        %add3A_180 = arith.addf %mul3A_174, %mul3A_179 : vector<16xf32>
        %swap3A_181 = arith.index_cast %scan3A_114 : i32 to index
        %swap3A_182 = arith.constant 16 : index
        %swap3A_183 = tpu.vector_load %arg20[%swap3A_181, %swap3A_182] {strides = array<i32>} : memref<40x128xf32, #tpu.memory_space<vmem>>, vector<1x16xf32>,
        %swap3A_184 = vector.shape_cast %swap3A_183 : vector<1x16xf32> to vector<16xf32>
        %swap3A_185 = vector.shape_cast %add3A_180 : vector<16xf32> to vector<1x16xf32>
        tpu.vector_store %arg20[%swap3A_181, %swap3A_182], %swap3A_185 {strides = array<i32>} : memref<40x128xf32, #tpu.memory_space<vmem>>, vector<1x16xf32>,
        %get3A_186 = arith.index_cast %scan3A_114 : i32 to index
        %get3A_187 = arith.constant 32 : index
        %get3A_188 = tpu.vector_load %arg16[%get3A_186, %get3A_187] {strides = array<i32>} : memref<40x256xf32, #tpu.memory_space<vmem>>, vector<1x16xf32>,
        %get3A_189 = vector.shape_cast %get3A_188 : vector<1x16xf32> to vector<16xf32>
        %get3A_190 = arith.index_cast %scan3A_114 : i32 to index
        %get3A_191 = arith.constant 32 : index
        %get3A_192 = tpu.vector_load %arg18[%get3A_190, %get3A_191] {strides = array<i32>} : memref<40x256xf32, #tpu.memory_space<vmem>>, vector<1x16xf32>,
        %get3A_193 = vector.shape_cast %get3A_192 : vector<1x16xf32> to vector<16xf32>
        %mul3A_194 = arith.mulf %get3A_189, %get3A_193 : vector<16xf32>
        %get3A_195 = arith.index_cast %scan3A_114 : i32 to index
        %get3A_196 = arith.constant 160 : index
        %get3A_197 = tpu.vector_load %arg16[%get3A_195, %get3A_196] {strides = array<i32>} : memref<40x256xf32, #tpu.memory_space<vmem>>, vector<1x16xf32>,
        %get3A_198 = vector.shape_cast %get3A_197 : vector<1x16xf32> to vector<16xf32>
        %get3A_199 = arith.index_cast %scan3A_114 : i32 to index
        %get3A_200 = arith.constant 160 : index
        %get3A_201 = tpu.vector_load %arg18[%get3A_199, %get3A_200] {strides = array<i32>} : memref<40x256xf32, #tpu.memory_space<vmem>>, vector<1x16xf32>,
        %get3A_202 = vector.shape_cast %get3A_201 : vector<1x16xf32> to vector<16xf32>
        %mul3A_203 = arith.mulf %get3A_198, %get3A_202 : vector<16xf32>
        %add3A_204 = arith.constant 0 : i32
        %add3A_205 = arith.addi %mul3A_117, %add3A_204 : i32
        %get3A_206 = arith.index_cast %add3A_205 : i32 to index
        %get3A_207 = tpu.vector_load %arg19[%get3A_206] {strides = array<i32>} : memref<1920xf32, #tpu.memory_space<vmem>>, vector<16xf32>,
        %get3A_208 = vector.shape_cast %get3A_207 : vector<16xf32> to vector<16xf32>
        %mul3A_209 = arith.mulf %mul3A_194, %get3A_208 : vector<16xf32>
        %get3A_210 = arith.index_cast %scan3A_114 : i32 to index
        %get3A_211 = arith.constant 32 : index
        %get3A_212 = tpu.vector_load %arg17[%get3A_210, %get3A_211] {strides = array<i32>} : memref<40x384xf32, #tpu.memory_space<vmem>>, vector<1x16xf32>,
        %get3A_213 = vector.shape_cast %get3A_212 : vector<1x16xf32> to vector<16xf32>
        %mul3A_214 = arith.mulf %mul3A_203, %get3A_213 : vector<16xf32>
        %add3A_215 = arith.addf %mul3A_209, %mul3A_214 : vector<16xf32>
        %swap3A_216 = arith.index_cast %scan3A_114 : i32 to index
        %swap3A_217 = arith.constant 32 : index
        %swap3A_218 = tpu.vector_load %arg20[%swap3A_216, %swap3A_217] {strides = array<i32>} : memref<40x128xf32, #tpu.memory_space<vmem>>, vector<1x16xf32>,
        %swap3A_219 = vector.shape_cast %swap3A_218 : vector<1x16xf32> to vector<16xf32>
        %swap3A_220 = vector.shape_cast %add3A_215 : vector<16xf32> to vector<1x16xf32>
        tpu.vector_store %arg20[%swap3A_216, %swap3A_217], %swap3A_220 {strides = array<i32>} : memref<40x128xf32, #tpu.memory_space<vmem>>, vector<1x16xf32>,
        %get3A_221 = arith.index_cast %scan3A_114 : i32 to index
        %get3A_222 = arith.constant 48 : index
        %get3A_223 = tpu.vector_load %arg16[%get3A_221, %get3A_222] {strides = array<i32>} : memref<40x256xf32, #tpu.memory_space<vmem>>, vector<1x16xf32>,
        %get3A_224 = vector.shape_cast %get3A_223 : vector<1x16xf32> to vector<16xf32>
        %get3A_225 = arith.index_cast %scan3A_114 : i32 to index
        %get3A_226 = arith.constant 48 : index
        %get3A_227 = tpu.vector_load %arg18[%get3A_225, %get3A_226] {strides = array<i32>} : memref<40x256xf32, #tpu.memory_space<vmem>>, vector<1x16xf32>,
        %get3A_228 = vector.shape_cast %get3A_227 : vector<1x16xf32> to vector<16xf32>
        %mul3A_229 = arith.mulf %get3A_224, %get3A_228 : vector<16xf32>
        %get3A_230 = arith.index_cast %scan3A_114 : i32 to index
        %get3A_231 = arith.constant 176 : index
        %get3A_232 = tpu.vector_load %arg16[%get3A_230, %get3A_231] {strides = array<i32>} : memref<40x256xf32, #tpu.memory_space<vmem>>, vector<1x16xf32>,
        %get3A_233 = vector.shape_cast %get3A_232 : vector<1x16xf32> to vector<16xf32>
        %get3A_234 = arith.index_cast %scan3A_114 : i32 to index
        %get3A_235 = arith.constant 176 : index
        %get3A_236 = tpu.vector_load %arg18[%get3A_234, %get3A_235] {strides = array<i32>} : memref<40x256xf32, #tpu.memory_space<vmem>>, vector<1x16xf32>,
        %get3A_237 = vector.shape_cast %get3A_236 : vector<1x16xf32> to vector<16xf32>
        %mul3A_238 = arith.mulf %get3A_233, %get3A_237 : vector<16xf32>
        %add3A_239 = arith.constant 0 : i32
        %add3A_240 = arith.addi %mul3A_117, %add3A_239 : i32
        %get3A_241 = arith.index_cast %add3A_240 : i32 to index
        %get3A_242 = tpu.vector_load %arg19[%get3A_241] {strides = array<i32>} : memref<1920xf32, #tpu.memory_space<vmem>>, vector<16xf32>,
        %get3A_243 = vector.shape_cast %get3A_242 : vector<16xf32> to vector<16xf32>
        %mul3A_244 = arith.mulf %mul3A_229, %get3A_243 : vector<16xf32>
        %get3A_245 = arith.index_cast %scan3A_114 : i32 to index
        %get3A_246 = arith.constant 48 : index
        %get3A_247 = tpu.vector_load %arg17[%get3A_245, %get3A_246] {strides = array<i32>} : memref<40x384xf32, #tpu.memory_space<vmem>>, vector<1x16xf32>,
        %get3A_248 = vector.shape_cast %get3A_247 : vector<1x16xf32> to vector<16xf32>
        %mul3A_249 = arith.mulf %mul3A_238, %get3A_248 : vector<16xf32>
        %add3A_250 = arith.addf %mul3A_244, %mul3A_249 : vector<16xf32>
        %swap3A_251 = arith.index_cast %scan3A_114 : i32 to index
        %swap3A_252 = arith.constant 48 : index
        %swap3A_253 = tpu.vector_load %arg20[%swap3A_251, %swap3A_252] {strides = array<i32>} : memref<40x128xf32, #tpu.memory_space<vmem>>, vector<1x16xf32>,
        %swap3A_254 = vector.shape_cast %swap3A_253 : vector<1x16xf32> to vector<16xf32>
        %swap3A_255 = vector.shape_cast %add3A_250 : vector<16xf32> to vector<1x16xf32>
        tpu.vector_store %arg20[%swap3A_251, %swap3A_252], %swap3A_255 {strides = array<i32>} : memref<40x128xf32, #tpu.memory_space<vmem>>, vector<1x16xf32>,
        %get3A_256 = arith.index_cast %scan3A_114 : i32 to index
        %get3A_257 = arith.constant 64 : index
        %get3A_258 = tpu.vector_load %arg16[%get3A_256, %get3A_257] {strides = array<i32>} : memref<40x256xf32, #tpu.memory_space<vmem>>, vector<1x16xf32>,
        %get3A_259 = vector.shape_cast %get3A_258 : vector<1x16xf32> to vector<16xf32>
        %get3A_260 = arith.index_cast %scan3A_114 : i32 to index
        %get3A_261 = arith.constant 64 : index
        %get3A_262 = tpu.vector_load %arg18[%get3A_260, %get3A_261] {strides = array<i32>} : memref<40x256xf32, #tpu.memory_space<vmem>>, vector<1x16xf32>,
        %get3A_263 = vector.shape_cast %get3A_262 : vector<1x16xf32> to vector<16xf32>
        %mul3A_264 = arith.mulf %get3A_259, %get3A_263 : vector<16xf32>
        %get3A_265 = arith.index_cast %scan3A_114 : i32 to index
        %get3A_266 = arith.constant 192 : index
        %get3A_267 = tpu.vector_load %arg16[%get3A_265, %get3A_266] {strides = array<i32>} : memref<40x256xf32, #tpu.memory_space<vmem>>, vector<1x16xf32>,
        %get3A_268 = vector.shape_cast %get3A_267 : vector<1x16xf32> to vector<16xf32>
        %get3A_269 = arith.index_cast %scan3A_114 : i32 to index
        %get3A_270 = arith.constant 192 : index
        %get3A_271 = tpu.vector_load %arg18[%get3A_269, %get3A_270] {strides = array<i32>} : memref<40x256xf32, #tpu.memory_space<vmem>>, vector<1x16xf32>,
        %get3A_272 = vector.shape_cast %get3A_271 : vector<1x16xf32> to vector<16xf32>
        %mul3A_273 = arith.mulf %get3A_268, %get3A_272 : vector<16xf32>
        %add3A_274 = arith.constant 0 : i32
        %add3A_275 = arith.addi %mul3A_117, %add3A_274 : i32
        %get3A_276 = arith.index_cast %add3A_275 : i32 to index
        %get3A_277 = tpu.vector_load %arg19[%get3A_276] {strides = array<i32>} : memref<1920xf32, #tpu.memory_space<vmem>>, vector<16xf32>,
        %get3A_278 = vector.shape_cast %get3A_277 : vector<16xf32> to vector<16xf32>
        %mul3A_279 = arith.mulf %mul3A_264, %get3A_278 : vector<16xf32>
        %get3A_280 = arith.index_cast %scan3A_114 : i32 to index
        %get3A_281 = arith.constant 64 : index
        %get3A_282 = tpu.vector_load %arg17[%get3A_280, %get3A_281] {strides = array<i32>} : memref<40x384xf32, #tpu.memory_space<vmem>>, vector<1x16xf32>,
        %get3A_283 = vector.shape_cast %get3A_282 : vector<1x16xf32> to vector<16xf32>
        %mul3A_284 = arith.mulf %mul3A_273, %get3A_283 : vector<16xf32>
        %add3A_285 = arith.addf %mul3A_279, %mul3A_284 : vector<16xf32>
        %swap3A_286 = arith.index_cast %scan3A_114 : i32 to index
        %swap3A_287 = arith.constant 64 : index
        %swap3A_288 = tpu.vector_load %arg20[%swap3A_286, %swap3A_287] {strides = array<i32>} : memref<40x128xf32, #tpu.memory_space<vmem>>, vector<1x16xf32>,
        %swap3A_289 = vector.shape_cast %swap3A_288 : vector<1x16xf32> to vector<16xf32>
        %swap3A_290 = vector.shape_cast %add3A_285 : vector<16xf32> to vector<1x16xf32>
        tpu.vector_store %arg20[%swap3A_286, %swap3A_287], %swap3A_290 {strides = array<i32>} : memref<40x128xf32, #tpu.memory_space<vmem>>, vector<1x16xf32>,
        %get3A_291 = arith.index_cast %scan3A_114 : i32 to index
        %get3A_292 = arith.constant 80 : index
        %get3A_293 = tpu.vector_load %arg16[%get3A_291, %get3A_292] {strides = array<i32>} : memref<40x256xf32, #tpu.memory_space<vmem>>, vector<1x16xf32>,
        %get3A_294 = vector.shape_cast %get3A_293 : vector<1x16xf32> to vector<16xf32>
        %get3A_295 = arith.index_cast %scan3A_114 : i32 to index
        %get3A_296 = arith.constant 80 : index
        %get3A_297 = tpu.vector_load %arg18[%get3A_295, %get3A_296] {strides = array<i32>} : memref<40x256xf32, #tpu.memory_space<vmem>>, vector<1x16xf32>,
        %get3A_298 = vector.shape_cast %get3A_297 : vector<1x16xf32> to vector<16xf32>
        %mul3A_299 = arith.mulf %get3A_294, %get3A_298 : vector<16xf32>
        %get3A_300 = arith.index_cast %scan3A_114 : i32 to index
        %get3A_301 = arith.constant 208 : index
        %get3A_302 = tpu.vector_load %arg16[%get3A_300, %get3A_301] {strides = array<i32>} : memref<40x256xf32, #tpu.memory_space<vmem>>, vector<1x16xf32>,
        %get3A_303 = vector.shape_cast %get3A_302 : vector<1x16xf32> to vector<16xf32>
        %get3A_304 = arith.index_cast %scan3A_114 : i32 to index
        %get3A_305 = arith.constant 208 : index
        %get3A_306 = tpu.vector_load %arg18[%get3A_304, %get3A_305] {strides = array<i32>} : memref<40x256xf32, #tpu.memory_space<vmem>>, vector<1x16xf32>,
        %get3A_307 = vector.shape_cast %get3A_306 : vector<1x16xf32> to vector<16xf32>
        %mul3A_308 = arith.mulf %get3A_303, %get3A_307 : vector<16xf32>
        %add3A_309 = arith.constant 0 : i32
        %add3A_310 = arith.addi %mul3A_117, %add3A_309 : i32
        %get3A_311 = arith.index_cast %add3A_310 : i32 to index
        %get3A_312 = tpu.vector_load %arg19[%get3A_311] {strides = array<i32>} : memref<1920xf32, #tpu.memory_space<vmem>>, vector<16xf32>,
        %get3A_313 = vector.shape_cast %get3A_312 : vector<16xf32> to vector<16xf32>
        %mul3A_314 = arith.mulf %mul3A_299, %get3A_313 : vector<16xf32>
        %get3A_315 = arith.index_cast %scan3A_114 : i32 to index
        %get3A_316 = arith.constant 80 : index
        %get3A_317 = tpu.vector_load %arg17[%get3A_315, %get3A_316] {strides = array<i32>} : memref<40x384xf32, #tpu.memory_space<vmem>>, vector<1x16xf32>,
        %get3A_318 = vector.shape_cast %get3A_317 : vector<1x16xf32> to vector<16xf32>
        %mul3A_319 = arith.mulf %mul3A_308, %get3A_318 : vector<16xf32>
        %add3A_320 = arith.addf %mul3A_314, %mul3A_319 : vector<16xf32>
        %swap3A_321 = arith.index_cast %scan3A_114 : i32 to index
        %swap3A_322 = arith.constant 80 : index
        %swap3A_323 = tpu.vector_load %arg20[%swap3A_321, %swap3A_322] {strides = array<i32>} : memref<40x128xf32, #tpu.memory_space<vmem>>, vector<1x16xf32>,
        %swap3A_324 = vector.shape_cast %swap3A_323 : vector<1x16xf32> to vector<16xf32>
        %swap3A_325 = vector.shape_cast %add3A_320 : vector<16xf32> to vector<1x16xf32>
        tpu.vector_store %arg20[%swap3A_321, %swap3A_322], %swap3A_325 {strides = array<i32>} : memref<40x128xf32, #tpu.memory_space<vmem>>, vector<1x16xf32>,
        %get3A_326 = arith.index_cast %scan3A_114 : i32 to index
        %get3A_327 = arith.constant 96 : index
        %get3A_328 = tpu.vector_load %arg16[%get3A_326, %get3A_327] {strides = array<i32>} : memref<40x256xf32, #tpu.memory_space<vmem>>, vector<1x16xf32>,
        %get3A_329 = vector.shape_cast %get3A_328 : vector<1x16xf32> to vector<16xf32>
        %get3A_330 = arith.index_cast %scan3A_114 : i32 to index
        %get3A_331 = arith.constant 96 : index
        %get3A_332 = tpu.vector_load %arg18[%get3A_330, %get3A_331] {strides = array<i32>} : memref<40x256xf32, #tpu.memory_space<vmem>>, vector<1x16xf32>,
        %get3A_333 = vector.shape_cast %get3A_332 : vector<1x16xf32> to vector<16xf32>
        %mul3A_334 = arith.mulf %get3A_329, %get3A_333 : vector<16xf32>
        %get3A_335 = arith.index_cast %scan3A_114 : i32 to index
        %get3A_336 = arith.constant 224 : index
        %get3A_337 = tpu.vector_load %arg16[%get3A_335, %get3A_336] {strides = array<i32>} : memref<40x256xf32, #tpu.memory_space<vmem>>, vector<1x16xf32>,
        %get3A_338 = vector.shape_cast %get3A_337 : vector<1x16xf32> to vector<16xf32>
        %get3A_339 = arith.index_cast %scan3A_114 : i32 to index
        %get3A_340 = arith.constant 224 : index
        %get3A_341 = tpu.vector_load %arg18[%get3A_339, %get3A_340] {strides = array<i32>} : memref<40x256xf32, #tpu.memory_space<vmem>>, vector<1x16xf32>,
        %get3A_342 = vector.shape_cast %get3A_341 : vector<1x16xf32> to vector<16xf32>
        %mul3A_343 = arith.mulf %get3A_338, %get3A_342 : vector<16xf32>
        %add3A_344 = arith.constant 0 : i32
        %add3A_345 = arith.addi %mul3A_117, %add3A_344 : i32
        %get3A_346 = arith.index_cast %add3A_345 : i32 to index
        %get3A_347 = tpu.vector_load %arg19[%get3A_346] {strides = array<i32>} : memref<1920xf32, #tpu.memory_space<vmem>>, vector<16xf32>,
        %get3A_348 = vector.shape_cast %get3A_347 : vector<16xf32> to vector<16xf32>
        %mul3A_349 = arith.mulf %mul3A_334, %get3A_348 : vector<16xf32>
        %get3A_350 = arith.index_cast %scan3A_114 : i32 to index
        %get3A_351 = arith.constant 96 : index
        %get3A_352 = tpu.vector_load %arg17[%get3A_350, %get3A_351] {strides = array<i32>} : memref<40x384xf32, #tpu.memory_space<vmem>>, vector<1x16xf32>,
        %get3A_353 = vector.shape_cast %get3A_352 : vector<1x16xf32> to vector<16xf32>
        %mul3A_354 = arith.mulf %mul3A_343, %get3A_353 : vector<16xf32>
        %add3A_355 = arith.addf %mul3A_349, %mul3A_354 : vector<16xf32>
        %swap3A_356 = arith.index_cast %scan3A_114 : i32 to index
        %swap3A_357 = arith.constant 96 : index
        %swap3A_358 = tpu.vector_load %arg20[%swap3A_356, %swap3A_357] {strides = array<i32>} : memref<40x128xf32, #tpu.memory_space<vmem>>, vector<1x16xf32>,
        %swap3A_359 = vector.shape_cast %swap3A_358 : vector<1x16xf32> to vector<16xf32>
        %swap3A_360 = vector.shape_cast %add3A_355 : vector<16xf32> to vector<1x16xf32>
        tpu.vector_store %arg20[%swap3A_356, %swap3A_357], %swap3A_360 {strides = array<i32>} : memref<40x128xf32, #tpu.memory_space<vmem>>, vector<1x16xf32>,
        %get3A_361 = arith.index_cast %scan3A_114 : i32 to index
        %get3A_362 = arith.constant 112 : index
        %get3A_363 = tpu.vector_load %arg16[%get3A_361, %get3A_362] {strides = array<i32>} : memref<40x256xf32, #tpu.memory_space<vmem>>, vector<1x16xf32>,
        %get3A_364 = vector.shape_cast %get3A_363 : vector<1x16xf32> to vector<16xf32>
        %get3A_365 = arith.index_cast %scan3A_114 : i32 to index
        %get3A_366 = arith.constant 112 : index
        %get3A_367 = tpu.vector_load %arg18[%get3A_365, %get3A_366] {strides = array<i32>} : memref<40x256xf32, #tpu.memory_space<vmem>>, vector<1x16xf32>,
        %get3A_368 = vector.shape_cast %get3A_367 : vector<1x16xf32> to vector<16xf32>
        %mul3A_369 = arith.mulf %get3A_364, %get3A_368 : vector<16xf32>
        %get3A_370 = arith.index_cast %scan3A_114 : i32 to index
        %get3A_371 = arith.constant 240 : index
        %get3A_372 = tpu.vector_load %arg16[%get3A_370, %get3A_371] {strides = array<i32>} : memref<40x256xf32, #tpu.memory_space<vmem>>, vector<1x16xf32>,
        %get3A_373 = vector.shape_cast %get3A_372 : vector<1x16xf32> to vector<16xf32>
        %get3A_374 = arith.index_cast %scan3A_114 : i32 to index
        %get3A_375 = arith.constant 240 : index
        %get3A_376 = tpu.vector_load %arg18[%get3A_374, %get3A_375] {strides = array<i32>} : memref<40x256xf32, #tpu.memory_space<vmem>>, vector<1x16xf32>,
        %get3A_377 = vector.shape_cast %get3A_376 : vector<1x16xf32> to vector<16xf32>
        %mul3A_378 = arith.mulf %get3A_373, %get3A_377 : vector<16xf32>
        %add3A_379 = arith.constant 0 : i32
        %add3A_380 = arith.addi %mul3A_117, %add3A_379 : i32
        %get3A_381 = arith.index_cast %add3A_380 : i32 to index
        %get3A_382 = tpu.vector_load %arg19[%get3A_381] {strides = array<i32>} : memref<1920xf32, #tpu.memory_space<vmem>>, vector<16xf32>,
        %get3A_383 = vector.shape_cast %get3A_382 : vector<16xf32> to vector<16xf32>
        %mul3A_384 = arith.mulf %mul3A_369, %get3A_383 : vector<16xf32>
        %get3A_385 = arith.index_cast %scan3A_114 : i32 to index
        %get3A_386 = arith.constant 112 : index
        %get3A_387 = tpu.vector_load %arg17[%get3A_385, %get3A_386] {strides = array<i32>} : memref<40x384xf32, #tpu.memory_space<vmem>>, vector<1x16xf32>,
        %get3A_388 = vector.shape_cast %get3A_387 : vector<1x16xf32> to vector<16xf32>
        %mul3A_389 = arith.mulf %mul3A_378, %get3A_388 : vector<16xf32>
        %add3A_390 = arith.addf %mul3A_384, %mul3A_389 : vector<16xf32>
        %swap3A_391 = arith.index_cast %scan3A_114 : i32 to index
        %swap3A_392 = arith.constant 112 : index
        %swap3A_393 = tpu.vector_load %arg20[%swap3A_391, %swap3A_392] {strides = array<i32>} : memref<40x128xf32, #tpu.memory_space<vmem>>, vector<1x16xf32>,
        %swap3A_394 = vector.shape_cast %swap3A_393 : vector<1x16xf32> to vector<16xf32>
        %swap3A_395 = vector.shape_cast %add3A_390 : vector<16xf32> to vector<1x16xf32>
        tpu.vector_store %arg20[%swap3A_391, %swap3A_392], %swap3A_395 {strides = array<i32>} : memref<40x128xf32, #tpu.memory_space<vmem>>, vector<1x16xf32>,
        %scan3A_396 = arith.constant 0 : i32
        scf.yield %scan3A_396 : i32
      }
      %scan3A_112 = arith.constant 40 : i32
      "tpu.region"() ({
        %run_scoped3A = tpu.sem_alloc : memref<!tpu.dma_semaphore, #tpu.memory_space<semaphore_mem>>
        %dma_start3A_114 = arith.constant 0 : i32
        %dma_start3A_115 = arith.constant 0 : i32
        %dma_start3A_116 = tpu.memref_slice %arg22[%dma_start3A_114, %dma_start3A_115] : memref<10008x128xf32, #tpu.memory_space<vmem_shared>> -> memref<10008x128xf32, #tpu.memory_space<vmem_shared>>
        tpu.enqueue_indirect_dma source(%arg20 : memref<40x128xf32, #tpu.memory_space<vmem>>) target(%dma_start3A_116 : memref<10008x128xf32, #tpu.memory_space<vmem_shared>>) offsets(%arg15 : memref<40xi32, #tpu.memory_space<vmem>>) semaphore(%run_scoped3A : memref<!tpu.dma_semaphore, #tpu.memory_space<semaphore_mem>>) {add = true}
        %dma_wait3A_117 = arith.constant 0 : i32
        %dma_wait3A_118 = arith.constant 0 : i32
        %dma_wait3A_119 = tpu.memref_slice %arg22[%dma_wait3A_117, %dma_wait3A_118] : memref<10008x128xf32, #tpu.memory_space<vmem_shared>> -> memref<10008x128xf32, #tpu.memory_space<vmem_shared>>
        tpu.wait_indirect_dma semaphore(%run_scoped3A : memref<!tpu.dma_semaphore, #tpu.memory_space<semaphore_mem>>) src(%arg20 : memref<40x128xf32, #tpu.memory_space<vmem>>) dst(%dma_wait3A_119 : memref<10008x128xf32, #tpu.memory_space<vmem_shared>>)
        tpu.yield
      }) : () -> ()
      %scan3A_113 = arith.constant 0 : i32
      scf.yield %scan3A_113 : i32
    }
    %scan3A_19 = arith.constant 250 : i32
    %barrier3A_20 = arith.constant 0 : index
    tpu.barrier barrier_id(%barrier3A_20)
    %scan3A_21 = arith.constant 0 : i32
    %scan3A_22 = arith.constant 0 : i32
    %scan3A_23 = arith.constant 16 : i32
    %scan3A_24 = arith.addi %scan3A_22, %scan3A_23 : i32
    %scan3A_25 = arith.constant 1 : i32
    %scan3A_26 = scf.for %scan3A_77 = %scan3A_22 to %scan3A_24 step %scan3A_25 iter_args(%scan3A_78 = %scan3A_21) -> (i32)  : i32 {
      %mul3A = arith.constant 16 : i32
      %mul3A_79 = arith.muli %scan3A_77, %mul3A : i32
      %add3A = arith.addi %mul3A_79, %arg1 : i32
      %lt3A = arith.constant 250 : i32
      %lt3A_80 = arith.cmpi slt, %add3A, %lt3A : i32
      %convert_element_type3A = arith.extui %lt3A_80 : i1 to i32
      %cond3A = arith.constant 0 : i32
      %cond3A_81 = arith.cmpi ne, %convert_element_type3A, %cond3A : i32
      scf.if %cond3A_81 {
        %mul3A_83 = arith.constant 40 : i32
        %mul3A_84 = arith.muli %add3A, %mul3A_83 : i32
        %multiple_of3A = tpu.assume_multiple %mul3A_84, 8 : i32
        %eq3A = arith.constant 0 : i32
        %eq3A_85 = arith.cmpi eq, %arg0, %eq3A : i32
        %convert_element_type3A_86 = arith.extui %eq3A_85 : i1 to i32
        %cond3A_87 = arith.constant 0 : i32
        %cond3A_88 = arith.cmpi ne, %convert_element_type3A_86, %cond3A_87 : i32
        scf.if %cond3A_88 {
          "tpu.region"() ({
            %run_scoped3A = tpu.sem_alloc : memref<!tpu.dma_semaphore, #tpu.memory_space<semaphore_mem>>
            %dma_start3A = arith.constant 0 : i32
            %dma_start3A_94 = tpu.memref_slice %arg8[%multiple_of3A, %dma_start3A] : memref<10000x128xf32, #tpu.memory_space<hbm>> -> memref<40x128xf32, #tpu.memory_space<hbm>>
            %dma_start3A_95 = arith.constant 0 : i32
            %dma_start3A_96 = tpu.memref_slice %arg22[%multiple_of3A, %dma_start3A_95] : memref<10008x128xf32, #tpu.memory_space<vmem_shared>> -> memref<40x128xf32, #tpu.memory_space<vmem_shared>>
            tpu.enqueue_dma source(%dma_start3A_96 : memref<40x128xf32, #tpu.memory_space<vmem_shared>>) target(%dma_start3A_94 : memref<40x128xf32, #tpu.memory_space<hbm>>) target_semaphore(%run_scoped3A : memref<!tpu.dma_semaphore, #tpu.memory_space<semaphore_mem>>)
            %dma_wait3A = arith.constant 0 : i32
            %dma_wait3A_97 = tpu.memref_slice %arg8[%multiple_of3A, %dma_wait3A] : memref<10000x128xf32, #tpu.memory_space<hbm>> -> memref<40x128xf32, #tpu.memory_space<hbm>>
            %dma_wait3A_98 = arith.constant 0 : i32
            %dma_wait3A_99 = tpu.memref_slice %arg22[%multiple_of3A, %dma_wait3A_98] : memref<10008x128xf32, #tpu.memory_space<vmem_shared>> -> memref<40x128xf32, #tpu.memory_space<vmem_shared>>
            tpu.wait_dma2 semaphore(%run_scoped3A : memref<!tpu.dma_semaphore, #tpu.memory_space<semaphore_mem>>) src(%dma_wait3A_99 : memref<40x128xf32, #tpu.memory_space<vmem_shared>>) dst(%dma_wait3A_97 : memref<40x128xf32, #tpu.memory_space<hbm>>)
            tpu.yield
          }) : () -> ()
        } else {
        }
        %eq3A_89 = arith.constant 1 : i32
        %eq3A_90 = arith.cmpi eq, %arg0, %eq3A_89 : i32
        %convert_element_type3A_91 = arith.extui %eq3A_90 : i1 to i32
        %cond3A_92 = arith.constant 0 : i32
        %cond3A_93 = arith.cmpi ne, %convert_element_type3A_91, %cond3A_92 : i32
        scf.if %cond3A_93 {
          "tpu.region"() ({
            %run_scoped3A = tpu.sem_alloc : memref<!tpu.dma_semaphore, #tpu.memory_space<semaphore_mem>>
            %dma_start3A = arith.constant 0 : i32
            %dma_start3A_94 = tpu.memref_slice %arg11[%multiple_of3A, %dma_start3A] : memref<10000x128xf32, #tpu.memory_space<hbm>> -> memref<40x128xf32, #tpu.memory_space<hbm>>
            %dma_start3A_95 = arith.constant 0 : i32
            %dma_start3A_96 = tpu.memref_slice %arg22[%multiple_of3A, %dma_start3A_95] : memref<10008x128xf32, #tpu.memory_space<vmem_shared>> -> memref<40x128xf32, #tpu.memory_space<vmem_shared>>
            tpu.enqueue_dma source(%dma_start3A_96 : memref<40x128xf32, #tpu.memory_space<vmem_shared>>) target(%dma_start3A_94 : memref<40x128xf32, #tpu.memory_space<hbm>>) target_semaphore(%run_scoped3A : memref<!tpu.dma_semaphore, #tpu.memory_space<semaphore_mem>>)
            %dma_wait3A = arith.constant 0 : i32
            %dma_wait3A_97 = tpu.memref_slice %arg11[%multiple_of3A, %dma_wait3A] : memref<10000x128xf32, #tpu.memory_space<hbm>> -> memref<40x128xf32, #tpu.memory_space<hbm>>
            %dma_wait3A_98 = arith.constant 0 : i32
            %dma_wait3A_99 = tpu.memref_slice %arg22[%multiple_of3A, %dma_wait3A_98] : memref<10008x128xf32, #tpu.memory_space<vmem_shared>> -> memref<40x128xf32, #tpu.memory_space<vmem_shared>>
            tpu.wait_dma2 semaphore(%run_scoped3A : memref<!tpu.dma_semaphore, #tpu.memory_space<semaphore_mem>>) src(%dma_wait3A_99 : memref<40x128xf32, #tpu.memory_space<vmem_shared>>) dst(%dma_wait3A_97 : memref<40x128xf32, #tpu.memory_space<hbm>>)
            tpu.yield
          }) : () -> ()
        } else {
        }
      } else {
      }
      %scan3A_82 = arith.constant 0 : i32
      scf.yield %scan3A_82 : i32
    }
    %scan3A_27 = arith.constant 16 : i32
    %barrier3A_28 = arith.constant 0 : index
    tpu.barrier barrier_id(%barrier3A_28)
    %scan3A_29 = arith.constant 0 : i32
    %scan3A_30 = arith.constant 0 : i32
    %scan3A_31 = arith.constant 16 : i32
    %scan3A_32 = arith.addi %scan3A_30, %scan3A_31 : i32
    %scan3A_33 = arith.constant 1 : i32
    %scan3A_34 = scf.for %scan3A_77 = %scan3A_30 to %scan3A_32 step %scan3A_33 iter_args(%scan3A_78 = %scan3A_29) -> (i32)  : i32 {
      %mul3A = arith.constant 16 : i32
      %mul3A_79 = arith.muli %scan3A_77, %mul3A : i32
      %add3A = arith.addi %mul3A_79, %arg1 : i32
      %lt3A = arith.constant 250 : i32
      %lt3A_80 = arith.cmpi slt, %add3A, %lt3A : i32
      %convert_element_type3A = arith.extui %lt3A_80 : i1 to i32
      %cond3A = arith.constant 0 : i32
      %cond3A_81 = arith.cmpi ne, %convert_element_type3A, %cond3A : i32
      scf.if %cond3A_81 {
        %mul3A_83 = arith.constant 40 : i32
        %mul3A_84 = arith.muli %add3A, %mul3A_83 : i32
        %multiple_of3A = tpu.assume_multiple %mul3A_84, 8 : i32
        "tpu.region"() ({
          %run_scoped3A = tpu.sem_alloc : memref<!tpu.dma_semaphore, #tpu.memory_space<semaphore_mem>>
          %dma_start3A = arith.constant 0 : i32
          %dma_start3A_85 = tpu.memref_slice %arg22[%multiple_of3A, %dma_start3A] : memref<10008x128xf32, #tpu.memory_space<vmem_shared>> -> memref<40x128xf32, #tpu.memory_space<vmem_shared>>
          %dma_start3A_86 = arith.constant 0 : i32
          %dma_start3A_87 = tpu.memref_slice %arg22[%multiple_of3A, %dma_start3A_86] : memref<10008x128xf32, #tpu.memory_space<vmem_shared>> -> memref<40x128xf32, #tpu.memory_space<vmem_shared>>
          tpu.enqueue_dma source(%arg21 : memref<40x128xf32, #tpu.memory_space<vmem>>) target(%dma_start3A_87 : memref<40x128xf32, #tpu.memory_space<vmem_shared>>) target_semaphore(%run_scoped3A : memref<!tpu.dma_semaphore, #tpu.memory_space<semaphore_mem>>)
          %dma_wait3A = arith.constant 0 : i32
          %dma_wait3A_88 = tpu.memref_slice %arg22[%multiple_of3A, %dma_wait3A] : memref<10008x128xf32, #tpu.memory_space<vmem_shared>> -> memref<40x128xf32, #tpu.memory_space<vmem_shared>>
          %dma_wait3A_89 = arith.constant 0 : i32
          %dma_wait3A_90 = tpu.memref_slice %arg22[%multiple_of3A, %dma_wait3A_89] : memref<10008x128xf32, #tpu.memory_space<vmem_shared>> -> memref<40x128xf32, #tpu.memory_space<vmem_shared>>
          tpu.wait_dma2 semaphore(%run_scoped3A : memref<!tpu.dma_semaphore, #tpu.memory_space<semaphore_mem>>) src(%arg21 : memref<40x128xf32, #tpu.memory_space<vmem>>) dst(%dma_wait3A_90 : memref<40x128xf32, #tpu.memory_space<vmem_shared>>)
          tpu.yield
        }) : () -> ()
      } else {
      }
      %scan3A_82 = arith.constant 0 : i32
      scf.yield %scan3A_82 : i32
    }
    %scan3A_35 = arith.constant 16 : i32
    %barrier3A_36 = arith.constant 0 : index
    tpu.barrier barrier_id(%barrier3A_36)
    %scan3A_37 = arith.constant 0 : i32
    %scan3A_38 = arith.constant 0 : i32
    %scan3A_39 = arith.constant 250 : i32
    %scan3A_40 = arith.addi %scan3A_38, %scan3A_39 : i32
    %scan3A_41 = arith.constant 1 : i32
    %scan3A_42 = scf.for %scan3A_77 = %scan3A_38 to %scan3A_40 step %scan3A_41 iter_args(%scan3A_78 = %scan3A_37) -> (i32)  : i32 {
      %mul3A = arith.constant 4000 : i32
      %mul3A_79 = arith.muli %arg0, %mul3A : i32
      %mul3A_80 = arith.constant 16 : i32
      %mul3A_81 = arith.muli %scan3A_77, %mul3A_80 : i32
      %add3A = arith.addi %mul3A_79, %mul3A_81 : i32
      %add3A_82 = arith.addi %add3A, %arg1 : i32
      %mul3A_83 = arith.constant 40 : i32
      %mul3A_84 = arith.muli %add3A_82, %mul3A_83 : i32
      %multiple_of3A = tpu.assume_multiple %mul3A_84, 8 : i32
      "tpu.region"() ({
        %run_scoped3A = tpu.sem_alloc : memref<!tpu.dma_semaphore, #tpu.memory_space<semaphore_mem>>
        %dma_start3A_114 = tpu.memref_slice %arg7[%multiple_of3A] : memref<320000xi32, #tpu.memory_space<hbm>> -> memref<40xi32, #tpu.memory_space<hbm>>
        %dma_start3A_115 = tpu.memref_slice %arg7[%multiple_of3A] : memref<320000xi32, #tpu.memory_space<hbm>> -> memref<40xi32, #tpu.memory_space<hbm>>
        tpu.enqueue_dma source(%dma_start3A_115 : memref<40xi32, #tpu.memory_space<hbm>>) target(%arg14 : memref<40xi32, #tpu.memory_space<vmem>>) target_semaphore(%run_scoped3A : memref<!tpu.dma_semaphore, #tpu.memory_space<semaphore_mem>>)
        %dma_wait3A_116 = tpu.memref_slice %arg7[%multiple_of3A] : memref<320000xi32, #tpu.memory_space<hbm>> -> memref<40xi32, #tpu.memory_space<hbm>>
        %dma_wait3A_117 = tpu.memref_slice %arg7[%multiple_of3A] : memref<320000xi32, #tpu.memory_space<hbm>> -> memref<40xi32, #tpu.memory_space<hbm>>
        tpu.wait_dma2 semaphore(%run_scoped3A : memref<!tpu.dma_semaphore, #tpu.memory_space<semaphore_mem>>) src(%dma_wait3A_117 : memref<40xi32, #tpu.memory_space<hbm>>) dst(%arg14 : memref<40xi32, #tpu.memory_space<vmem>>)
        tpu.yield
      }) : () -> ()
      "tpu.region"() ({
        %run_scoped3A = tpu.sem_alloc : memref<!tpu.dma_semaphore, #tpu.memory_space<semaphore_mem>>
        %dma_start3A_114 = tpu.memref_slice %arg6[%multiple_of3A] : memref<320000xi32, #tpu.memory_space<hbm>> -> memref<40xi32, #tpu.memory_space<hbm>>
        %dma_start3A_115 = tpu.memref_slice %arg6[%multiple_of3A] : memref<320000xi32, #tpu.memory_space<hbm>> -> memref<40xi32, #tpu.memory_space<hbm>>
        tpu.enqueue_dma source(%dma_start3A_115 : memref<40xi32, #tpu.memory_space<hbm>>) target(%arg15 : memref<40xi32, #tpu.memory_space<vmem>>) target_semaphore(%run_scoped3A : memref<!tpu.dma_semaphore, #tpu.memory_space<semaphore_mem>>)
        %dma_wait3A_116 = tpu.memref_slice %arg6[%multiple_of3A] : memref<320000xi32, #tpu.memory_space<hbm>> -> memref<40xi32, #tpu.memory_space<hbm>>
        %dma_wait3A_117 = tpu.memref_slice %arg6[%multiple_of3A] : memref<320000xi32, #tpu.memory_space<hbm>> -> memref<40xi32, #tpu.memory_space<hbm>>
        tpu.wait_dma2 semaphore(%run_scoped3A : memref<!tpu.dma_semaphore, #tpu.memory_space<semaphore_mem>>) src(%dma_wait3A_117 : memref<40xi32, #tpu.memory_space<hbm>>) dst(%arg15 : memref<40xi32, #tpu.memory_space<vmem>>)
        tpu.yield
      }) : () -> ()
      %mul3A_85 = arith.constant 48 : i32
      %mul3A_86 = arith.muli %mul3A_85, %multiple_of3A : i32
      %multiple_of3A_87 = tpu.assume_multiple %mul3A_86, 8 : i32
      "tpu.region"() ({
        %run_scoped3A = tpu.sem_alloc : memref<!tpu.dma_semaphore, #tpu.memory_space<semaphore_mem>>
        %dma_start3A_114 = tpu.memref_slice %arg5[%multiple_of3A_87] : memref<15360000xf32, #tpu.memory_space<hbm>> -> memref<1920xf32, #tpu.memory_space<hbm>>
        %dma_start3A_115 = tpu.memref_slice %arg5[%multiple_of3A_87] : memref<15360000xf32, #tpu.memory_space<hbm>> -> memref<1920xf32, #tpu.memory_space<hbm>>
        tpu.enqueue_dma source(%dma_start3A_115 : memref<1920xf32, #tpu.memory_space<hbm>>) target(%arg19 : memref<1920xf32, #tpu.memory_space<vmem>>) target_semaphore(%run_scoped3A : memref<!tpu.dma_semaphore, #tpu.memory_space<semaphore_mem>>)
        %dma_wait3A_116 = tpu.memref_slice %arg5[%multiple_of3A_87] : memref<15360000xf32, #tpu.memory_space<hbm>> -> memref<1920xf32, #tpu.memory_space<hbm>>
        %dma_wait3A_117 = tpu.memref_slice %arg5[%multiple_of3A_87] : memref<15360000xf32, #tpu.memory_space<hbm>> -> memref<1920xf32, #tpu.memory_space<hbm>>
        tpu.wait_dma2 semaphore(%run_scoped3A : memref<!tpu.dma_semaphore, #tpu.memory_space<semaphore_mem>>) src(%dma_wait3A_117 : memref<1920xf32, #tpu.memory_space<hbm>>) dst(%arg19 : memref<1920xf32, #tpu.memory_space<vmem>>)
        tpu.yield
      }) : () -> ()
      %dma_start3A = arith.constant 0 : i32
      %dma_start3A_88 = arith.constant 0 : i32
      %dma_start3A_89 = tpu.memref_slice %arg2[%dma_start3A, %dma_start3A_88] : memref<10000x256xf32, #tpu.memory_space<hbm>> -> memref<10000x256xf32, #tpu.memory_space<hbm>>
      tpu.enqueue_indirect_dma source(%dma_start3A_89 : memref<10000x256xf32, #tpu.memory_space<hbm>>) target(%arg16 : memref<40x256xf32, #tpu.memory_space<vmem>>) offsets(%arg14 : memref<40xi32, #tpu.memory_space<vmem>>) semaphore(%arg23 : memref<!tpu.dma_semaphore, #tpu.memory_space<semaphore_mem>>)
      %dma_start3A_90 = arith.constant 0 : i32
      %dma_start3A_91 = arith.constant 0 : i32
      %dma_start3A_92 = tpu.memref_slice %arg3[%dma_start3A_90, %dma_start3A_91] : memref<10000x384xf32, #tpu.memory_space<hbm>> -> memref<10000x384xf32, #tpu.memory_space<hbm>>
      tpu.enqueue_indirect_dma source(%dma_start3A_92 : memref<10000x384xf32, #tpu.memory_space<hbm>>) target(%arg17 : memref<40x384xf32, #tpu.memory_space<vmem>>) offsets(%arg14 : memref<40xi32, #tpu.memory_space<vmem>>) semaphore(%arg23 : memref<!tpu.dma_semaphore, #tpu.memory_space<semaphore_mem>>)
      %dma_start3A_93 = arith.constant 128 : i32
      %dma_start3A_94 = tpu.memref_slice %arg4[%multiple_of3A, %dma_start3A_93] : memref<320000x384xf32, #tpu.memory_space<hbm>> -> memref<40x256xf32, #tpu.memory_space<hbm>>
      %dma_start3A_95 = arith.constant 128 : i32
      %dma_start3A_96 = tpu.memref_slice %arg4[%multiple_of3A, %dma_start3A_95] : memref<320000x384xf32, #tpu.memory_space<hbm>> -> memref<40x256xf32, #tpu.memory_space<hbm>>
      tpu.enqueue_dma source(%dma_start3A_96 : memref<40x256xf32, #tpu.memory_space<hbm>>) target(%arg18 : memref<40x256xf32, #tpu.memory_space<vmem>>) target_semaphore(%arg23 : memref<!tpu.dma_semaphore, #tpu.memory_space<semaphore_mem>>)
      %dma_wait3A = arith.constant 0 : i32
      %dma_wait3A_97 = arith.constant 0 : i32
      %dma_wait3A_98 = tpu.memref_slice %arg2[%dma_wait3A, %dma_wait3A_97] : memref<10000x256xf32, #tpu.memory_space<hbm>> -> memref<10000x256xf32, #tpu.memory_space<hbm>>
      tpu.wait_indirect_dma semaphore(%arg23 : memref<!tpu.dma_semaphore, #tpu.memory_space<semaphore_mem>>) src(%dma_wait3A_98 : memref<10000x256xf32, #tpu.memory_space<hbm>>) dst(%arg16 : memref<40x256xf32, #tpu.memory_space<vmem>>)
      %dma_wait3A_99 = arith.constant 0 : i32
      %dma_wait3A_100 = arith.constant 0 : i32
      %dma_wait3A_101 = tpu.memref_slice %arg3[%dma_wait3A_99, %dma_wait3A_100] : memref<10000x384xf32, #tpu.memory_space<hbm>> -> memref<10000x384xf32, #tpu.memory_space<hbm>>
      tpu.wait_indirect_dma semaphore(%arg23 : memref<!tpu.dma_semaphore, #tpu.memory_space<semaphore_mem>>) src(%dma_wait3A_101 : memref<10000x384xf32, #tpu.memory_space<hbm>>) dst(%arg17 : memref<40x384xf32, #tpu.memory_space<vmem>>)
      %dma_wait3A_102 = arith.constant 128 : i32
      %dma_wait3A_103 = tpu.memref_slice %arg4[%multiple_of3A, %dma_wait3A_102] : memref<320000x384xf32, #tpu.memory_space<hbm>> -> memref<40x256xf32, #tpu.memory_space<hbm>>
      %dma_wait3A_104 = arith.constant 128 : i32
      %dma_wait3A_105 = tpu.memref_slice %arg4[%multiple_of3A, %dma_wait3A_104] : memref<320000x384xf32, #tpu.memory_space<hbm>> -> memref<40x256xf32, #tpu.memory_space<hbm>>
      tpu.wait_dma2 semaphore(%arg23 : memref<!tpu.dma_semaphore, #tpu.memory_space<semaphore_mem>>) src(%dma_wait3A_105 : memref<40x256xf32, #tpu.memory_space<hbm>>) dst(%arg18 : memref<40x256xf32, #tpu.memory_space<vmem>>)
      %scan3A_106 = arith.constant 0 : i32
      %scan3A_107 = arith.constant 0 : i32
      %scan3A_108 = arith.constant 40 : i32
      %scan3A_109 = arith.addi %scan3A_107, %scan3A_108 : i32
      %scan3A_110 = arith.constant 1 : i32
      %scan3A_111 = scf.for %scan3A_114 = %scan3A_107 to %scan3A_109 step %scan3A_110 iter_args(%scan3A_115 = %scan3A_106) -> (i32)  : i32 {
        %mul3A_116 = arith.constant 48 : i32
        %mul3A_117 = arith.muli %mul3A_116, %scan3A_114 : i32
        %get3A = arith.index_cast %scan3A_114 : i32 to index
        %get3A_118 = arith.constant 0 : index
        %get3A_119 = tpu.vector_load %arg16[%get3A, %get3A_118] {strides = array<i32>} : memref<40x256xf32, #tpu.memory_space<vmem>>, vector<1x16xf32>,
        %get3A_120 = vector.shape_cast %get3A_119 : vector<1x16xf32> to vector<16xf32>
        %get3A_121 = arith.index_cast %scan3A_114 : i32 to index
        %get3A_122 = arith.constant 0 : index
        %get3A_123 = tpu.vector_load %arg18[%get3A_121, %get3A_122] {strides = array<i32>} : memref<40x256xf32, #tpu.memory_space<vmem>>, vector<1x16xf32>,
        %get3A_124 = vector.shape_cast %get3A_123 : vector<1x16xf32> to vector<16xf32>
        %mul3A_125 = arith.mulf %get3A_120, %get3A_124 : vector<16xf32>
        %get3A_126 = arith.index_cast %scan3A_114 : i32 to index
        %get3A_127 = arith.constant 128 : index
        %get3A_128 = tpu.vector_load %arg16[%get3A_126, %get3A_127] {strides = array<i32>} : memref<40x256xf32, #tpu.memory_space<vmem>>, vector<1x16xf32>,
        %get3A_129 = vector.shape_cast %get3A_128 : vector<1x16xf32> to vector<16xf32>
        %get3A_130 = arith.index_cast %scan3A_114 : i32 to index
        %get3A_131 = arith.constant 128 : index
        %get3A_132 = tpu.vector_load %arg18[%get3A_130, %get3A_131] {strides = array<i32>} : memref<40x256xf32, #tpu.memory_space<vmem>>, vector<1x16xf32>,
        %get3A_133 = vector.shape_cast %get3A_132 : vector<1x16xf32> to vector<16xf32>
        %mul3A_134 = arith.mulf %get3A_129, %get3A_133 : vector<16xf32>
        %add3A_135 = arith.constant 16 : i32
        %add3A_136 = arith.addi %mul3A_117, %add3A_135 : i32
        %get3A_137 = arith.index_cast %add3A_136 : i32 to index
        %get3A_138 = tpu.vector_load %arg19[%get3A_137] {strides = array<i32>} : memref<1920xf32, #tpu.memory_space<vmem>>, vector<16xf32>,
        %get3A_139 = vector.shape_cast %get3A_138 : vector<16xf32> to vector<16xf32>
        %mul3A_140 = arith.mulf %mul3A_125, %get3A_139 : vector<16xf32>
        %get3A_141 = arith.index_cast %scan3A_114 : i32 to index
        %get3A_142 = arith.constant 128 : index
        %get3A_143 = tpu.vector_load %arg17[%get3A_141, %get3A_142] {strides = array<i32>} : memref<40x384xf32, #tpu.memory_space<vmem>>, vector<1x16xf32>,
        %get3A_144 = vector.shape_cast %get3A_143 : vector<1x16xf32> to vector<16xf32>
        %mul3A_145 = arith.mulf %mul3A_134, %get3A_144 : vector<16xf32>
        %add3A_146 = arith.addf %mul3A_140, %mul3A_145 : vector<16xf32>
        %swap3A = arith.index_cast %scan3A_114 : i32 to index
        %swap3A_147 = arith.constant 0 : index
        %swap3A_148 = tpu.vector_load %arg20[%swap3A, %swap3A_147] {strides = array<i32>} : memref<40x128xf32, #tpu.memory_space<vmem>>, vector<1x16xf32>,
        %swap3A_149 = vector.shape_cast %swap3A_148 : vector<1x16xf32> to vector<16xf32>
        %swap3A_150 = vector.shape_cast %add3A_146 : vector<16xf32> to vector<1x16xf32>
        tpu.vector_store %arg20[%swap3A, %swap3A_147], %swap3A_150 {strides = array<i32>} : memref<40x128xf32, #tpu.memory_space<vmem>>, vector<1x16xf32>,
        %get3A_151 = arith.index_cast %scan3A_114 : i32 to index
        %get3A_152 = arith.constant 16 : index
        %get3A_153 = tpu.vector_load %arg16[%get3A_151, %get3A_152] {strides = array<i32>} : memref<40x256xf32, #tpu.memory_space<vmem>>, vector<1x16xf32>,
        %get3A_154 = vector.shape_cast %get3A_153 : vector<1x16xf32> to vector<16xf32>
        %get3A_155 = arith.index_cast %scan3A_114 : i32 to index
        %get3A_156 = arith.constant 16 : index
        %get3A_157 = tpu.vector_load %arg18[%get3A_155, %get3A_156] {strides = array<i32>} : memref<40x256xf32, #tpu.memory_space<vmem>>, vector<1x16xf32>,
        %get3A_158 = vector.shape_cast %get3A_157 : vector<1x16xf32> to vector<16xf32>
        %mul3A_159 = arith.mulf %get3A_154, %get3A_158 : vector<16xf32>
        %get3A_160 = arith.index_cast %scan3A_114 : i32 to index
        %get3A_161 = arith.constant 144 : index
        %get3A_162 = tpu.vector_load %arg16[%get3A_160, %get3A_161] {strides = array<i32>} : memref<40x256xf32, #tpu.memory_space<vmem>>, vector<1x16xf32>,
        %get3A_163 = vector.shape_cast %get3A_162 : vector<1x16xf32> to vector<16xf32>
        %get3A_164 = arith.index_cast %scan3A_114 : i32 to index
        %get3A_165 = arith.constant 144 : index
        %get3A_166 = tpu.vector_load %arg18[%get3A_164, %get3A_165] {strides = array<i32>} : memref<40x256xf32, #tpu.memory_space<vmem>>, vector<1x16xf32>,
        %get3A_167 = vector.shape_cast %get3A_166 : vector<1x16xf32> to vector<16xf32>
        %mul3A_168 = arith.mulf %get3A_163, %get3A_167 : vector<16xf32>
        %add3A_169 = arith.constant 16 : i32
        %add3A_170 = arith.addi %mul3A_117, %add3A_169 : i32
        %get3A_171 = arith.index_cast %add3A_170 : i32 to index
        %get3A_172 = tpu.vector_load %arg19[%get3A_171] {strides = array<i32>} : memref<1920xf32, #tpu.memory_space<vmem>>, vector<16xf32>,
        %get3A_173 = vector.shape_cast %get3A_172 : vector<16xf32> to vector<16xf32>
        %mul3A_174 = arith.mulf %mul3A_159, %get3A_173 : vector<16xf32>
        %get3A_175 = arith.index_cast %scan3A_114 : i32 to index
        %get3A_176 = arith.constant 144 : index
        %get3A_177 = tpu.vector_load %arg17[%get3A_175, %get3A_176] {strides = array<i32>} : memref<40x384xf32, #tpu.memory_space<vmem>>, vector<1x16xf32>,
        %get3A_178 = vector.shape_cast %get3A_177 : vector<1x16xf32> to vector<16xf32>
        %mul3A_179 = arith.mulf %mul3A_168, %get3A_178 : vector<16xf32>
        %add3A_180 = arith.addf %mul3A_174, %mul3A_179 : vector<16xf32>
        %swap3A_181 = arith.index_cast %scan3A_114 : i32 to index
        %swap3A_182 = arith.constant 16 : index
        %swap3A_183 = tpu.vector_load %arg20[%swap3A_181, %swap3A_182] {strides = array<i32>} : memref<40x128xf32, #tpu.memory_space<vmem>>, vector<1x16xf32>,
        %swap3A_184 = vector.shape_cast %swap3A_183 : vector<1x16xf32> to vector<16xf32>
        %swap3A_185 = vector.shape_cast %add3A_180 : vector<16xf32> to vector<1x16xf32>
        tpu.vector_store %arg20[%swap3A_181, %swap3A_182], %swap3A_185 {strides = array<i32>} : memref<40x128xf32, #tpu.memory_space<vmem>>, vector<1x16xf32>,
        %get3A_186 = arith.index_cast %scan3A_114 : i32 to index
        %get3A_187 = arith.constant 32 : index
        %get3A_188 = tpu.vector_load %arg16[%get3A_186, %get3A_187] {strides = array<i32>} : memref<40x256xf32, #tpu.memory_space<vmem>>, vector<1x16xf32>,
        %get3A_189 = vector.shape_cast %get3A_188 : vector<1x16xf32> to vector<16xf32>
        %get3A_190 = arith.index_cast %scan3A_114 : i32 to index
        %get3A_191 = arith.constant 32 : index
        %get3A_192 = tpu.vector_load %arg18[%get3A_190, %get3A_191] {strides = array<i32>} : memref<40x256xf32, #tpu.memory_space<vmem>>, vector<1x16xf32>,
        %get3A_193 = vector.shape_cast %get3A_192 : vector<1x16xf32> to vector<16xf32>
        %mul3A_194 = arith.mulf %get3A_189, %get3A_193 : vector<16xf32>
        %get3A_195 = arith.index_cast %scan3A_114 : i32 to index
        %get3A_196 = arith.constant 160 : index
        %get3A_197 = tpu.vector_load %arg16[%get3A_195, %get3A_196] {strides = array<i32>} : memref<40x256xf32, #tpu.memory_space<vmem>>, vector<1x16xf32>,
        %get3A_198 = vector.shape_cast %get3A_197 : vector<1x16xf32> to vector<16xf32>
        %get3A_199 = arith.index_cast %scan3A_114 : i32 to index
        %get3A_200 = arith.constant 160 : index
        %get3A_201 = tpu.vector_load %arg18[%get3A_199, %get3A_200] {strides = array<i32>} : memref<40x256xf32, #tpu.memory_space<vmem>>, vector<1x16xf32>,
        %get3A_202 = vector.shape_cast %get3A_201 : vector<1x16xf32> to vector<16xf32>
        %mul3A_203 = arith.mulf %get3A_198, %get3A_202 : vector<16xf32>
        %add3A_204 = arith.constant 16 : i32
        %add3A_205 = arith.addi %mul3A_117, %add3A_204 : i32
        %get3A_206 = arith.index_cast %add3A_205 : i32 to index
        %get3A_207 = tpu.vector_load %arg19[%get3A_206] {strides = array<i32>} : memref<1920xf32, #tpu.memory_space<vmem>>, vector<16xf32>,
        %get3A_208 = vector.shape_cast %get3A_207 : vector<16xf32> to vector<16xf32>
        %mul3A_209 = arith.mulf %mul3A_194, %get3A_208 : vector<16xf32>
        %get3A_210 = arith.index_cast %scan3A_114 : i32 to index
        %get3A_211 = arith.constant 160 : index
        %get3A_212 = tpu.vector_load %arg17[%get3A_210, %get3A_211] {strides = array<i32>} : memref<40x384xf32, #tpu.memory_space<vmem>>, vector<1x16xf32>,
        %get3A_213 = vector.shape_cast %get3A_212 : vector<1x16xf32> to vector<16xf32>
        %mul3A_214 = arith.mulf %mul3A_203, %get3A_213 : vector<16xf32>
        %add3A_215 = arith.addf %mul3A_209, %mul3A_214 : vector<16xf32>
        %swap3A_216 = arith.index_cast %scan3A_114 : i32 to index
        %swap3A_217 = arith.constant 32 : index
        %swap3A_218 = tpu.vector_load %arg20[%swap3A_216, %swap3A_217] {strides = array<i32>} : memref<40x128xf32, #tpu.memory_space<vmem>>, vector<1x16xf32>,
        %swap3A_219 = vector.shape_cast %swap3A_218 : vector<1x16xf32> to vector<16xf32>
        %swap3A_220 = vector.shape_cast %add3A_215 : vector<16xf32> to vector<1x16xf32>
        tpu.vector_store %arg20[%swap3A_216, %swap3A_217], %swap3A_220 {strides = array<i32>} : memref<40x128xf32, #tpu.memory_space<vmem>>, vector<1x16xf32>,
        %get3A_221 = arith.index_cast %scan3A_114 : i32 to index
        %get3A_222 = arith.constant 48 : index
        %get3A_223 = tpu.vector_load %arg16[%get3A_221, %get3A_222] {strides = array<i32>} : memref<40x256xf32, #tpu.memory_space<vmem>>, vector<1x16xf32>,
        %get3A_224 = vector.shape_cast %get3A_223 : vector<1x16xf32> to vector<16xf32>
        %get3A_225 = arith.index_cast %scan3A_114 : i32 to index
        %get3A_226 = arith.constant 48 : index
        %get3A_227 = tpu.vector_load %arg18[%get3A_225, %get3A_226] {strides = array<i32>} : memref<40x256xf32, #tpu.memory_space<vmem>>, vector<1x16xf32>,
        %get3A_228 = vector.shape_cast %get3A_227 : vector<1x16xf32> to vector<16xf32>
        %mul3A_229 = arith.mulf %get3A_224, %get3A_228 : vector<16xf32>
        %get3A_230 = arith.index_cast %scan3A_114 : i32 to index
        %get3A_231 = arith.constant 176 : index
        %get3A_232 = tpu.vector_load %arg16[%get3A_230, %get3A_231] {strides = array<i32>} : memref<40x256xf32, #tpu.memory_space<vmem>>, vector<1x16xf32>,
        %get3A_233 = vector.shape_cast %get3A_232 : vector<1x16xf32> to vector<16xf32>
        %get3A_234 = arith.index_cast %scan3A_114 : i32 to index
        %get3A_235 = arith.constant 176 : index
        %get3A_236 = tpu.vector_load %arg18[%get3A_234, %get3A_235] {strides = array<i32>} : memref<40x256xf32, #tpu.memory_space<vmem>>, vector<1x16xf32>,
        %get3A_237 = vector.shape_cast %get3A_236 : vector<1x16xf32> to vector<16xf32>
        %mul3A_238 = arith.mulf %get3A_233, %get3A_237 : vector<16xf32>
        %add3A_239 = arith.constant 16 : i32
        %add3A_240 = arith.addi %mul3A_117, %add3A_239 : i32
        %get3A_241 = arith.index_cast %add3A_240 : i32 to index
        %get3A_242 = tpu.vector_load %arg19[%get3A_241] {strides = array<i32>} : memref<1920xf32, #tpu.memory_space<vmem>>, vector<16xf32>,
        %get3A_243 = vector.shape_cast %get3A_242 : vector<16xf32> to vector<16xf32>
        %mul3A_244 = arith.mulf %mul3A_229, %get3A_243 : vector<16xf32>
        %get3A_245 = arith.index_cast %scan3A_114 : i32 to index
        %get3A_246 = arith.constant 176 : index
        %get3A_247 = tpu.vector_load %arg17[%get3A_245, %get3A_246] {strides = array<i32>} : memref<40x384xf32, #tpu.memory_space<vmem>>, vector<1x16xf32>,
        %get3A_248 = vector.shape_cast %get3A_247 : vector<1x16xf32> to vector<16xf32>
        %mul3A_249 = arith.mulf %mul3A_238, %get3A_248 : vector<16xf32>
        %add3A_250 = arith.addf %mul3A_244, %mul3A_249 : vector<16xf32>
        %swap3A_251 = arith.index_cast %scan3A_114 : i32 to index
        %swap3A_252 = arith.constant 48 : index
        %swap3A_253 = tpu.vector_load %arg20[%swap3A_251, %swap3A_252] {strides = array<i32>} : memref<40x128xf32, #tpu.memory_space<vmem>>, vector<1x16xf32>,
        %swap3A_254 = vector.shape_cast %swap3A_253 : vector<1x16xf32> to vector<16xf32>
        %swap3A_255 = vector.shape_cast %add3A_250 : vector<16xf32> to vector<1x16xf32>
        tpu.vector_store %arg20[%swap3A_251, %swap3A_252], %swap3A_255 {strides = array<i32>} : memref<40x128xf32, #tpu.memory_space<vmem>>, vector<1x16xf32>,
        %get3A_256 = arith.index_cast %scan3A_114 : i32 to index
        %get3A_257 = arith.constant 64 : index
        %get3A_258 = tpu.vector_load %arg16[%get3A_256, %get3A_257] {strides = array<i32>} : memref<40x256xf32, #tpu.memory_space<vmem>>, vector<1x16xf32>,
        %get3A_259 = vector.shape_cast %get3A_258 : vector<1x16xf32> to vector<16xf32>
        %get3A_260 = arith.index_cast %scan3A_114 : i32 to index
        %get3A_261 = arith.constant 64 : index
        %get3A_262 = tpu.vector_load %arg18[%get3A_260, %get3A_261] {strides = array<i32>} : memref<40x256xf32, #tpu.memory_space<vmem>>, vector<1x16xf32>,
        %get3A_263 = vector.shape_cast %get3A_262 : vector<1x16xf32> to vector<16xf32>
        %mul3A_264 = arith.mulf %get3A_259, %get3A_263 : vector<16xf32>
        %get3A_265 = arith.index_cast %scan3A_114 : i32 to index
        %get3A_266 = arith.constant 192 : index
        %get3A_267 = tpu.vector_load %arg16[%get3A_265, %get3A_266] {strides = array<i32>} : memref<40x256xf32, #tpu.memory_space<vmem>>, vector<1x16xf32>,
        %get3A_268 = vector.shape_cast %get3A_267 : vector<1x16xf32> to vector<16xf32>
        %get3A_269 = arith.index_cast %scan3A_114 : i32 to index
        %get3A_270 = arith.constant 192 : index
        %get3A_271 = tpu.vector_load %arg18[%get3A_269, %get3A_270] {strides = array<i32>} : memref<40x256xf32, #tpu.memory_space<vmem>>, vector<1x16xf32>,
        %get3A_272 = vector.shape_cast %get3A_271 : vector<1x16xf32> to vector<16xf32>
        %mul3A_273 = arith.mulf %get3A_268, %get3A_272 : vector<16xf32>
        %add3A_274 = arith.constant 16 : i32
        %add3A_275 = arith.addi %mul3A_117, %add3A_274 : i32
        %get3A_276 = arith.index_cast %add3A_275 : i32 to index
        %get3A_277 = tpu.vector_load %arg19[%get3A_276] {strides = array<i32>} : memref<1920xf32, #tpu.memory_space<vmem>>, vector<16xf32>,
        %get3A_278 = vector.shape_cast %get3A_277 : vector<16xf32> to vector<16xf32>
        %mul3A_279 = arith.mulf %mul3A_264, %get3A_278 : vector<16xf32>
        %get3A_280 = arith.index_cast %scan3A_114 : i32 to index
        %get3A_281 = arith.constant 192 : index
        %get3A_282 = tpu.vector_load %arg17[%get3A_280, %get3A_281] {strides = array<i32>} : memref<40x384xf32, #tpu.memory_space<vmem>>, vector<1x16xf32>,
        %get3A_283 = vector.shape_cast %get3A_282 : vector<1x16xf32> to vector<16xf32>
        %mul3A_284 = arith.mulf %mul3A_273, %get3A_283 : vector<16xf32>
        %add3A_285 = arith.addf %mul3A_279, %mul3A_284 : vector<16xf32>
        %swap3A_286 = arith.index_cast %scan3A_114 : i32 to index
        %swap3A_287 = arith.constant 64 : index
        %swap3A_288 = tpu.vector_load %arg20[%swap3A_286, %swap3A_287] {strides = array<i32>} : memref<40x128xf32, #tpu.memory_space<vmem>>, vector<1x16xf32>,
        %swap3A_289 = vector.shape_cast %swap3A_288 : vector<1x16xf32> to vector<16xf32>
        %swap3A_290 = vector.shape_cast %add3A_285 : vector<16xf32> to vector<1x16xf32>
        tpu.vector_store %arg20[%swap3A_286, %swap3A_287], %swap3A_290 {strides = array<i32>} : memref<40x128xf32, #tpu.memory_space<vmem>>, vector<1x16xf32>,
        %get3A_291 = arith.index_cast %scan3A_114 : i32 to index
        %get3A_292 = arith.constant 80 : index
        %get3A_293 = tpu.vector_load %arg16[%get3A_291, %get3A_292] {strides = array<i32>} : memref<40x256xf32, #tpu.memory_space<vmem>>, vector<1x16xf32>,
        %get3A_294 = vector.shape_cast %get3A_293 : vector<1x16xf32> to vector<16xf32>
        %get3A_295 = arith.index_cast %scan3A_114 : i32 to index
        %get3A_296 = arith.constant 80 : index
        %get3A_297 = tpu.vector_load %arg18[%get3A_295, %get3A_296] {strides = array<i32>} : memref<40x256xf32, #tpu.memory_space<vmem>>, vector<1x16xf32>,
        %get3A_298 = vector.shape_cast %get3A_297 : vector<1x16xf32> to vector<16xf32>
        %mul3A_299 = arith.mulf %get3A_294, %get3A_298 : vector<16xf32>
        %get3A_300 = arith.index_cast %scan3A_114 : i32 to index
        %get3A_301 = arith.constant 208 : index
        %get3A_302 = tpu.vector_load %arg16[%get3A_300, %get3A_301] {strides = array<i32>} : memref<40x256xf32, #tpu.memory_space<vmem>>, vector<1x16xf32>,
        %get3A_303 = vector.shape_cast %get3A_302 : vector<1x16xf32> to vector<16xf32>
        %get3A_304 = arith.index_cast %scan3A_114 : i32 to index
        %get3A_305 = arith.constant 208 : index
        %get3A_306 = tpu.vector_load %arg18[%get3A_304, %get3A_305] {strides = array<i32>} : memref<40x256xf32, #tpu.memory_space<vmem>>, vector<1x16xf32>,
        %get3A_307 = vector.shape_cast %get3A_306 : vector<1x16xf32> to vector<16xf32>
        %mul3A_308 = arith.mulf %get3A_303, %get3A_307 : vector<16xf32>
        %add3A_309 = arith.constant 16 : i32
        %add3A_310 = arith.addi %mul3A_117, %add3A_309 : i32
        %get3A_311 = arith.index_cast %add3A_310 : i32 to index
        %get3A_312 = tpu.vector_load %arg19[%get3A_311] {strides = array<i32>} : memref<1920xf32, #tpu.memory_space<vmem>>, vector<16xf32>,
        %get3A_313 = vector.shape_cast %get3A_312 : vector<16xf32> to vector<16xf32>
        %mul3A_314 = arith.mulf %mul3A_299, %get3A_313 : vector<16xf32>
        %get3A_315 = arith.index_cast %scan3A_114 : i32 to index
        %get3A_316 = arith.constant 208 : index
        %get3A_317 = tpu.vector_load %arg17[%get3A_315, %get3A_316] {strides = array<i32>} : memref<40x384xf32, #tpu.memory_space<vmem>>, vector<1x16xf32>,
        %get3A_318 = vector.shape_cast %get3A_317 : vector<1x16xf32> to vector<16xf32>
        %mul3A_319 = arith.mulf %mul3A_308, %get3A_318 : vector<16xf32>
        %add3A_320 = arith.addf %mul3A_314, %mul3A_319 : vector<16xf32>
        %swap3A_321 = arith.index_cast %scan3A_114 : i32 to index
        %swap3A_322 = arith.constant 80 : index
        %swap3A_323 = tpu.vector_load %arg20[%swap3A_321, %swap3A_322] {strides = array<i32>} : memref<40x128xf32, #tpu.memory_space<vmem>>, vector<1x16xf32>,
        %swap3A_324 = vector.shape_cast %swap3A_323 : vector<1x16xf32> to vector<16xf32>
        %swap3A_325 = vector.shape_cast %add3A_320 : vector<16xf32> to vector<1x16xf32>
        tpu.vector_store %arg20[%swap3A_321, %swap3A_322], %swap3A_325 {strides = array<i32>} : memref<40x128xf32, #tpu.memory_space<vmem>>, vector<1x16xf32>,
        %get3A_326 = arith.index_cast %scan3A_114 : i32 to index
        %get3A_327 = arith.constant 96 : index
        %get3A_328 = tpu.vector_load %arg16[%get3A_326, %get3A_327] {strides = array<i32>} : memref<40x256xf32, #tpu.memory_space<vmem>>, vector<1x16xf32>,
        %get3A_329 = vector.shape_cast %get3A_328 : vector<1x16xf32> to vector<16xf32>
        %get3A_330 = arith.index_cast %scan3A_114 : i32 to index
        %get3A_331 = arith.constant 96 : index
        %get3A_332 = tpu.vector_load %arg18[%get3A_330, %get3A_331] {strides = array<i32>} : memref<40x256xf32, #tpu.memory_space<vmem>>, vector<1x16xf32>,
        %get3A_333 = vector.shape_cast %get3A_332 : vector<1x16xf32> to vector<16xf32>
        %mul3A_334 = arith.mulf %get3A_329, %get3A_333 : vector<16xf32>
        %get3A_335 = arith.index_cast %scan3A_114 : i32 to index
        %get3A_336 = arith.constant 224 : index
        %get3A_337 = tpu.vector_load %arg16[%get3A_335, %get3A_336] {strides = array<i32>} : memref<40x256xf32, #tpu.memory_space<vmem>>, vector<1x16xf32>,
        %get3A_338 = vector.shape_cast %get3A_337 : vector<1x16xf32> to vector<16xf32>
        %get3A_339 = arith.index_cast %scan3A_114 : i32 to index
        %get3A_340 = arith.constant 224 : index
        %get3A_341 = tpu.vector_load %arg18[%get3A_339, %get3A_340] {strides = array<i32>} : memref<40x256xf32, #tpu.memory_space<vmem>>, vector<1x16xf32>,
        %get3A_342 = vector.shape_cast %get3A_341 : vector<1x16xf32> to vector<16xf32>
        %mul3A_343 = arith.mulf %get3A_338, %get3A_342 : vector<16xf32>
        %add3A_344 = arith.constant 16 : i32
        %add3A_345 = arith.addi %mul3A_117, %add3A_344 : i32
        %get3A_346 = arith.index_cast %add3A_345 : i32 to index
        %get3A_347 = tpu.vector_load %arg19[%get3A_346] {strides = array<i32>} : memref<1920xf32, #tpu.memory_space<vmem>>, vector<16xf32>,
        %get3A_348 = vector.shape_cast %get3A_347 : vector<16xf32> to vector<16xf32>
        %mul3A_349 = arith.mulf %mul3A_334, %get3A_348 : vector<16xf32>
        %get3A_350 = arith.index_cast %scan3A_114 : i32 to index
        %get3A_351 = arith.constant 224 : index
        %get3A_352 = tpu.vector_load %arg17[%get3A_350, %get3A_351] {strides = array<i32>} : memref<40x384xf32, #tpu.memory_space<vmem>>, vector<1x16xf32>,
        %get3A_353 = vector.shape_cast %get3A_352 : vector<1x16xf32> to vector<16xf32>
        %mul3A_354 = arith.mulf %mul3A_343, %get3A_353 : vector<16xf32>
        %add3A_355 = arith.addf %mul3A_349, %mul3A_354 : vector<16xf32>
        %swap3A_356 = arith.index_cast %scan3A_114 : i32 to index
        %swap3A_357 = arith.constant 96 : index
        %swap3A_358 = tpu.vector_load %arg20[%swap3A_356, %swap3A_357] {strides = array<i32>} : memref<40x128xf32, #tpu.memory_space<vmem>>, vector<1x16xf32>,
        %swap3A_359 = vector.shape_cast %swap3A_358 : vector<1x16xf32> to vector<16xf32>
        %swap3A_360 = vector.shape_cast %add3A_355 : vector<16xf32> to vector<1x16xf32>
        tpu.vector_store %arg20[%swap3A_356, %swap3A_357], %swap3A_360 {strides = array<i32>} : memref<40x128xf32, #tpu.memory_space<vmem>>, vector<1x16xf32>,
        %get3A_361 = arith.index_cast %scan3A_114 : i32 to index
        %get3A_362 = arith.constant 112 : index
        %get3A_363 = tpu.vector_load %arg16[%get3A_361, %get3A_362] {strides = array<i32>} : memref<40x256xf32, #tpu.memory_space<vmem>>, vector<1x16xf32>,
        %get3A_364 = vector.shape_cast %get3A_363 : vector<1x16xf32> to vector<16xf32>
        %get3A_365 = arith.index_cast %scan3A_114 : i32 to index
        %get3A_366 = arith.constant 112 : index
        %get3A_367 = tpu.vector_load %arg18[%get3A_365, %get3A_366] {strides = array<i32>} : memref<40x256xf32, #tpu.memory_space<vmem>>, vector<1x16xf32>,
        %get3A_368 = vector.shape_cast %get3A_367 : vector<1x16xf32> to vector<16xf32>
        %mul3A_369 = arith.mulf %get3A_364, %get3A_368 : vector<16xf32>
        %get3A_370 = arith.index_cast %scan3A_114 : i32 to index
        %get3A_371 = arith.constant 240 : index
        %get3A_372 = tpu.vector_load %arg16[%get3A_370, %get3A_371] {strides = array<i32>} : memref<40x256xf32, #tpu.memory_space<vmem>>, vector<1x16xf32>,
        %get3A_373 = vector.shape_cast %get3A_372 : vector<1x16xf32> to vector<16xf32>
        %get3A_374 = arith.index_cast %scan3A_114 : i32 to index
        %get3A_375 = arith.constant 240 : index
        %get3A_376 = tpu.vector_load %arg18[%get3A_374, %get3A_375] {strides = array<i32>} : memref<40x256xf32, #tpu.memory_space<vmem>>, vector<1x16xf32>,
        %get3A_377 = vector.shape_cast %get3A_376 : vector<1x16xf32> to vector<16xf32>
        %mul3A_378 = arith.mulf %get3A_373, %get3A_377 : vector<16xf32>
        %add3A_379 = arith.constant 16 : i32
        %add3A_380 = arith.addi %mul3A_117, %add3A_379 : i32
        %get3A_381 = arith.index_cast %add3A_380 : i32 to index
        %get3A_382 = tpu.vector_load %arg19[%get3A_381] {strides = array<i32>} : memref<1920xf32, #tpu.memory_space<vmem>>, vector<16xf32>,
        %get3A_383 = vector.shape_cast %get3A_382 : vector<16xf32> to vector<16xf32>
        %mul3A_384 = arith.mulf %mul3A_369, %get3A_383 : vector<16xf32>
        %get3A_385 = arith.index_cast %scan3A_114 : i32 to index
        %get3A_386 = arith.constant 240 : index
        %get3A_387 = tpu.vector_load %arg17[%get3A_385, %get3A_386] {strides = array<i32>} : memref<40x384xf32, #tpu.memory_space<vmem>>, vector<1x16xf32>,
        %get3A_388 = vector.shape_cast %get3A_387 : vector<1x16xf32> to vector<16xf32>
        %mul3A_389 = arith.mulf %mul3A_378, %get3A_388 : vector<16xf32>
        %add3A_390 = arith.addf %mul3A_384, %mul3A_389 : vector<16xf32>
        %swap3A_391 = arith.index_cast %scan3A_114 : i32 to index
        %swap3A_392 = arith.constant 112 : index
        %swap3A_393 = tpu.vector_load %arg20[%swap3A_391, %swap3A_392] {strides = array<i32>} : memref<40x128xf32, #tpu.memory_space<vmem>>, vector<1x16xf32>,
        %swap3A_394 = vector.shape_cast %swap3A_393 : vector<1x16xf32> to vector<16xf32>
        %swap3A_395 = vector.shape_cast %add3A_390 : vector<16xf32> to vector<1x16xf32>
        tpu.vector_store %arg20[%swap3A_391, %swap3A_392], %swap3A_395 {strides = array<i32>} : memref<40x128xf32, #tpu.memory_space<vmem>>, vector<1x16xf32>,
        %scan3A_396 = arith.constant 0 : i32
        scf.yield %scan3A_396 : i32
      }
      %scan3A_112 = arith.constant 40 : i32
      "tpu.region"() ({
        %run_scoped3A = tpu.sem_alloc : memref<!tpu.dma_semaphore, #tpu.memory_space<semaphore_mem>>
        %dma_start3A_114 = arith.constant 0 : i32
        %dma_start3A_115 = arith.constant 0 : i32
        %dma_start3A_116 = tpu.memref_slice %arg22[%dma_start3A_114, %dma_start3A_115] : memref<10008x128xf32, #tpu.memory_space<vmem_shared>> -> memref<10008x128xf32, #tpu.memory_space<vmem_shared>>
        tpu.enqueue_indirect_dma source(%arg20 : memref<40x128xf32, #tpu.memory_space<vmem>>) target(%dma_start3A_116 : memref<10008x128xf32, #tpu.memory_space<vmem_shared>>) offsets(%arg15 : memref<40xi32, #tpu.memory_space<vmem>>) semaphore(%run_scoped3A : memref<!tpu.dma_semaphore, #tpu.memory_space<semaphore_mem>>) {add = true}
        %dma_wait3A_117 = arith.constant 0 : i32
        %dma_wait3A_118 = arith.constant 0 : i32
        %dma_wait3A_119 = tpu.memref_slice %arg22[%dma_wait3A_117, %dma_wait3A_118] : memref<10008x128xf32, #tpu.memory_space<vmem_shared>> -> memref<10008x128xf32, #tpu.memory_space<vmem_shared>>
        tpu.wait_indirect_dma semaphore(%run_scoped3A : memref<!tpu.dma_semaphore, #tpu.memory_space<semaphore_mem>>) src(%arg20 : memref<40x128xf32, #tpu.memory_space<vmem>>) dst(%dma_wait3A_119 : memref<10008x128xf32, #tpu.memory_space<vmem_shared>>)
        tpu.yield
      }) : () -> ()
      %scan3A_113 = arith.constant 0 : i32
      scf.yield %scan3A_113 : i32
    }
    %scan3A_43 = arith.constant 250 : i32
    %barrier3A_44 = arith.constant 0 : index
    tpu.barrier barrier_id(%barrier3A_44)
    %scan3A_45 = arith.constant 0 : i32
    %scan3A_46 = arith.constant 0 : i32
    %scan3A_47 = arith.constant 16 : i32
    %scan3A_48 = arith.addi %scan3A_46, %scan3A_47 : i32
    %scan3A_49 = arith.constant 1 : i32
    %scan3A_50 = scf.for %scan3A_77 = %scan3A_46 to %scan3A_48 step %scan3A_49 iter_args(%scan3A_78 = %scan3A_45) -> (i32)  : i32 {
      %mul3A = arith.constant 16 : i32
      %mul3A_79 = arith.muli %scan3A_77, %mul3A : i32
      %add3A = arith.addi %mul3A_79, %arg1 : i32
      %lt3A = arith.constant 250 : i32
      %lt3A_80 = arith.cmpi slt, %add3A, %lt3A : i32
      %convert_element_type3A = arith.extui %lt3A_80 : i1 to i32
      %cond3A = arith.constant 0 : i32
      %cond3A_81 = arith.cmpi ne, %convert_element_type3A, %cond3A : i32
      scf.if %cond3A_81 {
        %mul3A_83 = arith.constant 40 : i32
        %mul3A_84 = arith.muli %add3A, %mul3A_83 : i32
        %multiple_of3A = tpu.assume_multiple %mul3A_84, 8 : i32
        %eq3A = arith.constant 0 : i32
        %eq3A_85 = arith.cmpi eq, %arg0, %eq3A : i32
        %convert_element_type3A_86 = arith.extui %eq3A_85 : i1 to i32
        %cond3A_87 = arith.constant 0 : i32
        %cond3A_88 = arith.cmpi ne, %convert_element_type3A_86, %cond3A_87 : i32
        scf.if %cond3A_88 {
          "tpu.region"() ({
            %run_scoped3A = tpu.sem_alloc : memref<!tpu.dma_semaphore, #tpu.memory_space<semaphore_mem>>
            %dma_start3A = arith.constant 0 : i32
            %dma_start3A_94 = tpu.memref_slice %arg9[%multiple_of3A, %dma_start3A] : memref<10000x128xf32, #tpu.memory_space<hbm>> -> memref<40x128xf32, #tpu.memory_space<hbm>>
            %dma_start3A_95 = arith.constant 0 : i32
            %dma_start3A_96 = tpu.memref_slice %arg22[%multiple_of3A, %dma_start3A_95] : memref<10008x128xf32, #tpu.memory_space<vmem_shared>> -> memref<40x128xf32, #tpu.memory_space<vmem_shared>>
            tpu.enqueue_dma source(%dma_start3A_96 : memref<40x128xf32, #tpu.memory_space<vmem_shared>>) target(%dma_start3A_94 : memref<40x128xf32, #tpu.memory_space<hbm>>) target_semaphore(%run_scoped3A : memref<!tpu.dma_semaphore, #tpu.memory_space<semaphore_mem>>)
            %dma_wait3A = arith.constant 0 : i32
            %dma_wait3A_97 = tpu.memref_slice %arg9[%multiple_of3A, %dma_wait3A] : memref<10000x128xf32, #tpu.memory_space<hbm>> -> memref<40x128xf32, #tpu.memory_space<hbm>>
            %dma_wait3A_98 = arith.constant 0 : i32
            %dma_wait3A_99 = tpu.memref_slice %arg22[%multiple_of3A, %dma_wait3A_98] : memref<10008x128xf32, #tpu.memory_space<vmem_shared>> -> memref<40x128xf32, #tpu.memory_space<vmem_shared>>
            tpu.wait_dma2 semaphore(%run_scoped3A : memref<!tpu.dma_semaphore, #tpu.memory_space<semaphore_mem>>) src(%dma_wait3A_99 : memref<40x128xf32, #tpu.memory_space<vmem_shared>>) dst(%dma_wait3A_97 : memref<40x128xf32, #tpu.memory_space<hbm>>)
            tpu.yield
          }) : () -> ()
        } else {
        }
        %eq3A_89 = arith.constant 1 : i32
        %eq3A_90 = arith.cmpi eq, %arg0, %eq3A_89 : i32
        %convert_element_type3A_91 = arith.extui %eq3A_90 : i1 to i32
        %cond3A_92 = arith.constant 0 : i32
        %cond3A_93 = arith.cmpi ne, %convert_element_type3A_91, %cond3A_92 : i32
        scf.if %cond3A_93 {
          "tpu.region"() ({
            %run_scoped3A = tpu.sem_alloc : memref<!tpu.dma_semaphore, #tpu.memory_space<semaphore_mem>>
            %dma_start3A = arith.constant 0 : i32
            %dma_start3A_94 = tpu.memref_slice %arg12[%multiple_of3A, %dma_start3A] : memref<10000x128xf32, #tpu.memory_space<hbm>> -> memref<40x128xf32, #tpu.memory_space<hbm>>
            %dma_start3A_95 = arith.constant 0 : i32
            %dma_start3A_96 = tpu.memref_slice %arg22[%multiple_of3A, %dma_start3A_95] : memref<10008x128xf32, #tpu.memory_space<vmem_shared>> -> memref<40x128xf32, #tpu.memory_space<vmem_shared>>
            tpu.enqueue_dma source(%dma_start3A_96 : memref<40x128xf32, #tpu.memory_space<vmem_shared>>) target(%dma_start3A_94 : memref<40x128xf32, #tpu.memory_space<hbm>>) target_semaphore(%run_scoped3A : memref<!tpu.dma_semaphore, #tpu.memory_space<semaphore_mem>>)
            %dma_wait3A = arith.constant 0 : i32
            %dma_wait3A_97 = tpu.memref_slice %arg12[%multiple_of3A, %dma_wait3A] : memref<10000x128xf32, #tpu.memory_space<hbm>> -> memref<40x128xf32, #tpu.memory_space<hbm>>
            %dma_wait3A_98 = arith.constant 0 : i32
            %dma_wait3A_99 = tpu.memref_slice %arg22[%multiple_of3A, %dma_wait3A_98] : memref<10008x128xf32, #tpu.memory_space<vmem_shared>> -> memref<40x128xf32, #tpu.memory_space<vmem_shared>>
            tpu.wait_dma2 semaphore(%run_scoped3A : memref<!tpu.dma_semaphore, #tpu.memory_space<semaphore_mem>>) src(%dma_wait3A_99 : memref<40x128xf32, #tpu.memory_space<vmem_shared>>) dst(%dma_wait3A_97 : memref<40x128xf32, #tpu.memory_space<hbm>>)
            tpu.yield
          }) : () -> ()
        } else {
        }
      } else {
      }
      %scan3A_82 = arith.constant 0 : i32
      scf.yield %scan3A_82 : i32
    }
    %scan3A_51 = arith.constant 16 : i32
    %barrier3A_52 = arith.constant 0 : index
    tpu.barrier barrier_id(%barrier3A_52)
    %scan3A_53 = arith.constant 0 : i32
    %scan3A_54 = arith.constant 0 : i32
    %scan3A_55 = arith.constant 16 : i32
    %scan3A_56 = arith.addi %scan3A_54, %scan3A_55 : i32
    %scan3A_57 = arith.constant 1 : i32
    %scan3A_58 = scf.for %scan3A_77 = %scan3A_54 to %scan3A_56 step %scan3A_57 iter_args(%scan3A_78 = %scan3A_53) -> (i32)  : i32 {
      %mul3A = arith.constant 16 : i32
      %mul3A_79 = arith.muli %scan3A_77, %mul3A : i32
      %add3A = arith.addi %mul3A_79, %arg1 : i32
      %lt3A = arith.constant 250 : i32
      %lt3A_80 = arith.cmpi slt, %add3A, %lt3A : i32
      %convert_element_type3A = arith.extui %lt3A_80 : i1 to i32
      %cond3A = arith.constant 0 : i32
      %cond3A_81 = arith.cmpi ne, %convert_element_type3A, %cond3A : i32
      scf.if %cond3A_81 {
        %mul3A_83 = arith.constant 40 : i32
        %mul3A_84 = arith.muli %add3A, %mul3A_83 : i32
        %multiple_of3A = tpu.assume_multiple %mul3A_84, 8 : i32
        "tpu.region"() ({
          %run_scoped3A = tpu.sem_alloc : memref<!tpu.dma_semaphore, #tpu.memory_space<semaphore_mem>>
          %dma_start3A = arith.constant 0 : i32
          %dma_start3A_85 = tpu.memref_slice %arg22[%multiple_of3A, %dma_start3A] : memref<10008x128xf32, #tpu.memory_space<vmem_shared>> -> memref<40x128xf32, #tpu.memory_space<vmem_shared>>
          %dma_start3A_86 = arith.constant 0 : i32
          %dma_start3A_87 = tpu.memref_slice %arg22[%multiple_of3A, %dma_start3A_86] : memref<10008x128xf32, #tpu.memory_space<vmem_shared>> -> memref<40x128xf32, #tpu.memory_space<vmem_shared>>
          tpu.enqueue_dma source(%arg21 : memref<40x128xf32, #tpu.memory_space<vmem>>) target(%dma_start3A_87 : memref<40x128xf32, #tpu.memory_space<vmem_shared>>) target_semaphore(%run_scoped3A : memref<!tpu.dma_semaphore, #tpu.memory_space<semaphore_mem>>)
          %dma_wait3A = arith.constant 0 : i32
          %dma_wait3A_88 = tpu.memref_slice %arg22[%multiple_of3A, %dma_wait3A] : memref<10008x128xf32, #tpu.memory_space<vmem_shared>> -> memref<40x128xf32, #tpu.memory_space<vmem_shared>>
          %dma_wait3A_89 = arith.constant 0 : i32
          %dma_wait3A_90 = tpu.memref_slice %arg22[%multiple_of3A, %dma_wait3A_89] : memref<10008x128xf32, #tpu.memory_space<vmem_shared>> -> memref<40x128xf32, #tpu.memory_space<vmem_shared>>
          tpu.wait_dma2 semaphore(%run_scoped3A : memref<!tpu.dma_semaphore, #tpu.memory_space<semaphore_mem>>) src(%arg21 : memref<40x128xf32, #tpu.memory_space<vmem>>) dst(%dma_wait3A_90 : memref<40x128xf32, #tpu.memory_space<vmem_shared>>)
          tpu.yield
        }) : () -> ()
      } else {
      }
      %scan3A_82 = arith.constant 0 : i32
      scf.yield %scan3A_82 : i32
    }
    %scan3A_59 = arith.constant 16 : i32
    %barrier3A_60 = arith.constant 0 : index
    tpu.barrier barrier_id(%barrier3A_60)
    %scan3A_61 = arith.constant 0 : i32
    %scan3A_62 = arith.constant 0 : i32
    %scan3A_63 = arith.constant 250 : i32
    %scan3A_64 = arith.addi %scan3A_62, %scan3A_63 : i32
    %scan3A_65 = arith.constant 1 : i32
    %scan3A_66 = scf.for %scan3A_77 = %scan3A_62 to %scan3A_64 step %scan3A_65 iter_args(%scan3A_78 = %scan3A_61) -> (i32)  : i32 {
      %mul3A = arith.constant 4000 : i32
      %mul3A_79 = arith.muli %arg0, %mul3A : i32
      %mul3A_80 = arith.constant 16 : i32
      %mul3A_81 = arith.muli %scan3A_77, %mul3A_80 : i32
      %add3A = arith.addi %mul3A_79, %mul3A_81 : i32
      %add3A_82 = arith.addi %add3A, %arg1 : i32
      %mul3A_83 = arith.constant 40 : i32
      %mul3A_84 = arith.muli %add3A_82, %mul3A_83 : i32
      %multiple_of3A = tpu.assume_multiple %mul3A_84, 8 : i32
      "tpu.region"() ({
        %run_scoped3A = tpu.sem_alloc : memref<!tpu.dma_semaphore, #tpu.memory_space<semaphore_mem>>
        %dma_start3A_114 = tpu.memref_slice %arg7[%multiple_of3A] : memref<320000xi32, #tpu.memory_space<hbm>> -> memref<40xi32, #tpu.memory_space<hbm>>
        %dma_start3A_115 = tpu.memref_slice %arg7[%multiple_of3A] : memref<320000xi32, #tpu.memory_space<hbm>> -> memref<40xi32, #tpu.memory_space<hbm>>
        tpu.enqueue_dma source(%dma_start3A_115 : memref<40xi32, #tpu.memory_space<hbm>>) target(%arg14 : memref<40xi32, #tpu.memory_space<vmem>>) target_semaphore(%run_scoped3A : memref<!tpu.dma_semaphore, #tpu.memory_space<semaphore_mem>>)
        %dma_wait3A_116 = tpu.memref_slice %arg7[%multiple_of3A] : memref<320000xi32, #tpu.memory_space<hbm>> -> memref<40xi32, #tpu.memory_space<hbm>>
        %dma_wait3A_117 = tpu.memref_slice %arg7[%multiple_of3A] : memref<320000xi32, #tpu.memory_space<hbm>> -> memref<40xi32, #tpu.memory_space<hbm>>
        tpu.wait_dma2 semaphore(%run_scoped3A : memref<!tpu.dma_semaphore, #tpu.memory_space<semaphore_mem>>) src(%dma_wait3A_117 : memref<40xi32, #tpu.memory_space<hbm>>) dst(%arg14 : memref<40xi32, #tpu.memory_space<vmem>>)
        tpu.yield
      }) : () -> ()
      "tpu.region"() ({
        %run_scoped3A = tpu.sem_alloc : memref<!tpu.dma_semaphore, #tpu.memory_space<semaphore_mem>>
        %dma_start3A_114 = tpu.memref_slice %arg6[%multiple_of3A] : memref<320000xi32, #tpu.memory_space<hbm>> -> memref<40xi32, #tpu.memory_space<hbm>>
        %dma_start3A_115 = tpu.memref_slice %arg6[%multiple_of3A] : memref<320000xi32, #tpu.memory_space<hbm>> -> memref<40xi32, #tpu.memory_space<hbm>>
        tpu.enqueue_dma source(%dma_start3A_115 : memref<40xi32, #tpu.memory_space<hbm>>) target(%arg15 : memref<40xi32, #tpu.memory_space<vmem>>) target_semaphore(%run_scoped3A : memref<!tpu.dma_semaphore, #tpu.memory_space<semaphore_mem>>)
        %dma_wait3A_116 = tpu.memref_slice %arg6[%multiple_of3A] : memref<320000xi32, #tpu.memory_space<hbm>> -> memref<40xi32, #tpu.memory_space<hbm>>
        %dma_wait3A_117 = tpu.memref_slice %arg6[%multiple_of3A] : memref<320000xi32, #tpu.memory_space<hbm>> -> memref<40xi32, #tpu.memory_space<hbm>>
        tpu.wait_dma2 semaphore(%run_scoped3A : memref<!tpu.dma_semaphore, #tpu.memory_space<semaphore_mem>>) src(%dma_wait3A_117 : memref<40xi32, #tpu.memory_space<hbm>>) dst(%arg15 : memref<40xi32, #tpu.memory_space<vmem>>)
        tpu.yield
      }) : () -> ()
      %mul3A_85 = arith.constant 48 : i32
      %mul3A_86 = arith.muli %mul3A_85, %multiple_of3A : i32
      %multiple_of3A_87 = tpu.assume_multiple %mul3A_86, 8 : i32
      "tpu.region"() ({
        %run_scoped3A = tpu.sem_alloc : memref<!tpu.dma_semaphore, #tpu.memory_space<semaphore_mem>>
        %dma_start3A_114 = tpu.memref_slice %arg5[%multiple_of3A_87] : memref<15360000xf32, #tpu.memory_space<hbm>> -> memref<1920xf32, #tpu.memory_space<hbm>>
        %dma_start3A_115 = tpu.memref_slice %arg5[%multiple_of3A_87] : memref<15360000xf32, #tpu.memory_space<hbm>> -> memref<1920xf32, #tpu.memory_space<hbm>>
        tpu.enqueue_dma source(%dma_start3A_115 : memref<1920xf32, #tpu.memory_space<hbm>>) target(%arg19 : memref<1920xf32, #tpu.memory_space<vmem>>) target_semaphore(%run_scoped3A : memref<!tpu.dma_semaphore, #tpu.memory_space<semaphore_mem>>)
        %dma_wait3A_116 = tpu.memref_slice %arg5[%multiple_of3A_87] : memref<15360000xf32, #tpu.memory_space<hbm>> -> memref<1920xf32, #tpu.memory_space<hbm>>
        %dma_wait3A_117 = tpu.memref_slice %arg5[%multiple_of3A_87] : memref<15360000xf32, #tpu.memory_space<hbm>> -> memref<1920xf32, #tpu.memory_space<hbm>>
        tpu.wait_dma2 semaphore(%run_scoped3A : memref<!tpu.dma_semaphore, #tpu.memory_space<semaphore_mem>>) src(%dma_wait3A_117 : memref<1920xf32, #tpu.memory_space<hbm>>) dst(%arg19 : memref<1920xf32, #tpu.memory_space<vmem>>)
        tpu.yield
      }) : () -> ()
      %dma_start3A = arith.constant 0 : i32
      %dma_start3A_88 = arith.constant 0 : i32
      %dma_start3A_89 = tpu.memref_slice %arg2[%dma_start3A, %dma_start3A_88] : memref<10000x256xf32, #tpu.memory_space<hbm>> -> memref<10000x256xf32, #tpu.memory_space<hbm>>
      tpu.enqueue_indirect_dma source(%dma_start3A_89 : memref<10000x256xf32, #tpu.memory_space<hbm>>) target(%arg16 : memref<40x256xf32, #tpu.memory_space<vmem>>) offsets(%arg14 : memref<40xi32, #tpu.memory_space<vmem>>) semaphore(%arg23 : memref<!tpu.dma_semaphore, #tpu.memory_space<semaphore_mem>>)
      %dma_start3A_90 = arith.constant 0 : i32
      %dma_start3A_91 = arith.constant 0 : i32
      %dma_start3A_92 = tpu.memref_slice %arg3[%dma_start3A_90, %dma_start3A_91] : memref<10000x384xf32, #tpu.memory_space<hbm>> -> memref<10000x384xf32, #tpu.memory_space<hbm>>
      tpu.enqueue_indirect_dma source(%dma_start3A_92 : memref<10000x384xf32, #tpu.memory_space<hbm>>) target(%arg17 : memref<40x384xf32, #tpu.memory_space<vmem>>) offsets(%arg14 : memref<40xi32, #tpu.memory_space<vmem>>) semaphore(%arg23 : memref<!tpu.dma_semaphore, #tpu.memory_space<semaphore_mem>>)
      %dma_start3A_93 = arith.constant 128 : i32
      %dma_start3A_94 = tpu.memref_slice %arg4[%multiple_of3A, %dma_start3A_93] : memref<320000x384xf32, #tpu.memory_space<hbm>> -> memref<40x256xf32, #tpu.memory_space<hbm>>
      %dma_start3A_95 = arith.constant 128 : i32
      %dma_start3A_96 = tpu.memref_slice %arg4[%multiple_of3A, %dma_start3A_95] : memref<320000x384xf32, #tpu.memory_space<hbm>> -> memref<40x256xf32, #tpu.memory_space<hbm>>
      tpu.enqueue_dma source(%dma_start3A_96 : memref<40x256xf32, #tpu.memory_space<hbm>>) target(%arg18 : memref<40x256xf32, #tpu.memory_space<vmem>>) target_semaphore(%arg23 : memref<!tpu.dma_semaphore, #tpu.memory_space<semaphore_mem>>)
      %dma_wait3A = arith.constant 0 : i32
      %dma_wait3A_97 = arith.constant 0 : i32
      %dma_wait3A_98 = tpu.memref_slice %arg2[%dma_wait3A, %dma_wait3A_97] : memref<10000x256xf32, #tpu.memory_space<hbm>> -> memref<10000x256xf32, #tpu.memory_space<hbm>>
      tpu.wait_indirect_dma semaphore(%arg23 : memref<!tpu.dma_semaphore, #tpu.memory_space<semaphore_mem>>) src(%dma_wait3A_98 : memref<10000x256xf32, #tpu.memory_space<hbm>>) dst(%arg16 : memref<40x256xf32, #tpu.memory_space<vmem>>)
      %dma_wait3A_99 = arith.constant 0 : i32
      %dma_wait3A_100 = arith.constant 0 : i32
      %dma_wait3A_101 = tpu.memref_slice %arg3[%dma_wait3A_99, %dma_wait3A_100] : memref<10000x384xf32, #tpu.memory_space<hbm>> -> memref<10000x384xf32, #tpu.memory_space<hbm>>
      tpu.wait_indirect_dma semaphore(%arg23 : memref<!tpu.dma_semaphore, #tpu.memory_space<semaphore_mem>>) src(%dma_wait3A_101 : memref<10000x384xf32, #tpu.memory_space<hbm>>) dst(%arg17 : memref<40x384xf32, #tpu.memory_space<vmem>>)
      %dma_wait3A_102 = arith.constant 128 : i32
      %dma_wait3A_103 = tpu.memref_slice %arg4[%multiple_of3A, %dma_wait3A_102] : memref<320000x384xf32, #tpu.memory_space<hbm>> -> memref<40x256xf32, #tpu.memory_space<hbm>>
      %dma_wait3A_104 = arith.constant 128 : i32
      %dma_wait3A_105 = tpu.memref_slice %arg4[%multiple_of3A, %dma_wait3A_104] : memref<320000x384xf32, #tpu.memory_space<hbm>> -> memref<40x256xf32, #tpu.memory_space<hbm>>
      tpu.wait_dma2 semaphore(%arg23 : memref<!tpu.dma_semaphore, #tpu.memory_space<semaphore_mem>>) src(%dma_wait3A_105 : memref<40x256xf32, #tpu.memory_space<hbm>>) dst(%arg18 : memref<40x256xf32, #tpu.memory_space<vmem>>)
      %scan3A_106 = arith.constant 0 : i32
      %scan3A_107 = arith.constant 0 : i32
      %scan3A_108 = arith.constant 40 : i32
      %scan3A_109 = arith.addi %scan3A_107, %scan3A_108 : i32
      %scan3A_110 = arith.constant 1 : i32
      %scan3A_111 = scf.for %scan3A_114 = %scan3A_107 to %scan3A_109 step %scan3A_110 iter_args(%scan3A_115 = %scan3A_106) -> (i32)  : i32 {
        %mul3A_116 = arith.constant 48 : i32
        %mul3A_117 = arith.muli %mul3A_116, %scan3A_114 : i32
        %get3A = arith.index_cast %scan3A_114 : i32 to index
        %get3A_118 = arith.constant 0 : index
        %get3A_119 = tpu.vector_load %arg16[%get3A, %get3A_118] {strides = array<i32>} : memref<40x256xf32, #tpu.memory_space<vmem>>, vector<1x16xf32>,
        %get3A_120 = vector.shape_cast %get3A_119 : vector<1x16xf32> to vector<16xf32>
        %get3A_121 = arith.index_cast %scan3A_114 : i32 to index
        %get3A_122 = arith.constant 0 : index
        %get3A_123 = tpu.vector_load %arg18[%get3A_121, %get3A_122] {strides = array<i32>} : memref<40x256xf32, #tpu.memory_space<vmem>>, vector<1x16xf32>,
        %get3A_124 = vector.shape_cast %get3A_123 : vector<1x16xf32> to vector<16xf32>
        %mul3A_125 = arith.mulf %get3A_120, %get3A_124 : vector<16xf32>
        %get3A_126 = arith.index_cast %scan3A_114 : i32 to index
        %get3A_127 = arith.constant 128 : index
        %get3A_128 = tpu.vector_load %arg16[%get3A_126, %get3A_127] {strides = array<i32>} : memref<40x256xf32, #tpu.memory_space<vmem>>, vector<1x16xf32>,
        %get3A_129 = vector.shape_cast %get3A_128 : vector<1x16xf32> to vector<16xf32>
        %get3A_130 = arith.index_cast %scan3A_114 : i32 to index
        %get3A_131 = arith.constant 128 : index
        %get3A_132 = tpu.vector_load %arg18[%get3A_130, %get3A_131] {strides = array<i32>} : memref<40x256xf32, #tpu.memory_space<vmem>>, vector<1x16xf32>,
        %get3A_133 = vector.shape_cast %get3A_132 : vector<1x16xf32> to vector<16xf32>
        %mul3A_134 = arith.mulf %get3A_129, %get3A_133 : vector<16xf32>
        %add3A_135 = arith.constant 32 : i32
        %add3A_136 = arith.addi %mul3A_117, %add3A_135 : i32
        %get3A_137 = arith.index_cast %add3A_136 : i32 to index
        %get3A_138 = tpu.vector_load %arg19[%get3A_137] {strides = array<i32>} : memref<1920xf32, #tpu.memory_space<vmem>>, vector<16xf32>,
        %get3A_139 = vector.shape_cast %get3A_138 : vector<16xf32> to vector<16xf32>
        %mul3A_140 = arith.mulf %mul3A_125, %get3A_139 : vector<16xf32>
        %get3A_141 = arith.index_cast %scan3A_114 : i32 to index
        %get3A_142 = arith.constant 256 : index
        %get3A_143 = tpu.vector_load %arg17[%get3A_141, %get3A_142] {strides = array<i32>} : memref<40x384xf32, #tpu.memory_space<vmem>>, vector<1x16xf32>,
        %get3A_144 = vector.shape_cast %get3A_143 : vector<1x16xf32> to vector<16xf32>
        %mul3A_145 = arith.mulf %mul3A_134, %get3A_144 : vector<16xf32>
        %add3A_146 = arith.addf %mul3A_140, %mul3A_145 : vector<16xf32>
        %swap3A = arith.index_cast %scan3A_114 : i32 to index
        %swap3A_147 = arith.constant 0 : index
        %swap3A_148 = tpu.vector_load %arg20[%swap3A, %swap3A_147] {strides = array<i32>} : memref<40x128xf32, #tpu.memory_space<vmem>>, vector<1x16xf32>,
        %swap3A_149 = vector.shape_cast %swap3A_148 : vector<1x16xf32> to vector<16xf32>
        %swap3A_150 = vector.shape_cast %add3A_146 : vector<16xf32> to vector<1x16xf32>
        tpu.vector_store %arg20[%swap3A, %swap3A_147], %swap3A_150 {strides = array<i32>} : memref<40x128xf32, #tpu.memory_space<vmem>>, vector<1x16xf32>,
        %get3A_151 = arith.index_cast %scan3A_114 : i32 to index
        %get3A_152 = arith.constant 16 : index
        %get3A_153 = tpu.vector_load %arg16[%get3A_151, %get3A_152] {strides = array<i32>} : memref<40x256xf32, #tpu.memory_space<vmem>>, vector<1x16xf32>,
        %get3A_154 = vector.shape_cast %get3A_153 : vector<1x16xf32> to vector<16xf32>
        %get3A_155 = arith.index_cast %scan3A_114 : i32 to index
        %get3A_156 = arith.constant 16 : index
        %get3A_157 = tpu.vector_load %arg18[%get3A_155, %get3A_156] {strides = array<i32>} : memref<40x256xf32, #tpu.memory_space<vmem>>, vector<1x16xf32>,
        %get3A_158 = vector.shape_cast %get3A_157 : vector<1x16xf32> to vector<16xf32>
        %mul3A_159 = arith.mulf %get3A_154, %get3A_158 : vector<16xf32>
        %get3A_160 = arith.index_cast %scan3A_114 : i32 to index
        %get3A_161 = arith.constant 144 : index
        %get3A_162 = tpu.vector_load %arg16[%get3A_160, %get3A_161] {strides = array<i32>} : memref<40x256xf32, #tpu.memory_space<vmem>>, vector<1x16xf32>,
        %get3A_163 = vector.shape_cast %get3A_162 : vector<1x16xf32> to vector<16xf32>
        %get3A_164 = arith.index_cast %scan3A_114 : i32 to index
        %get3A_165 = arith.constant 144 : index
        %get3A_166 = tpu.vector_load %arg18[%get3A_164, %get3A_165] {strides = array<i32>} : memref<40x256xf32, #tpu.memory_space<vmem>>, vector<1x16xf32>,
        %get3A_167 = vector.shape_cast %get3A_166 : vector<1x16xf32> to vector<16xf32>
        %mul3A_168 = arith.mulf %get3A_163, %get3A_167 : vector<16xf32>
        %add3A_169 = arith.constant 32 : i32
        %add3A_170 = arith.addi %mul3A_117, %add3A_169 : i32
        %get3A_171 = arith.index_cast %add3A_170 : i32 to index
        %get3A_172 = tpu.vector_load %arg19[%get3A_171] {strides = array<i32>} : memref<1920xf32, #tpu.memory_space<vmem>>, vector<16xf32>,
        %get3A_173 = vector.shape_cast %get3A_172 : vector<16xf32> to vector<16xf32>
        %mul3A_174 = arith.mulf %mul3A_159, %get3A_173 : vector<16xf32>
        %get3A_175 = arith.index_cast %scan3A_114 : i32 to index
        %get3A_176 = arith.constant 272 : index
        %get3A_177 = tpu.vector_load %arg17[%get3A_175, %get3A_176] {strides = array<i32>} : memref<40x384xf32, #tpu.memory_space<vmem>>, vector<1x16xf32>,
        %get3A_178 = vector.shape_cast %get3A_177 : vector<1x16xf32> to vector<16xf32>
        %mul3A_179 = arith.mulf %mul3A_168, %get3A_178 : vector<16xf32>
        %add3A_180 = arith.addf %mul3A_174, %mul3A_179 : vector<16xf32>
        %swap3A_181 = arith.index_cast %scan3A_114 : i32 to index
        %swap3A_182 = arith.constant 16 : index
        %swap3A_183 = tpu.vector_load %arg20[%swap3A_181, %swap3A_182] {strides = array<i32>} : memref<40x128xf32, #tpu.memory_space<vmem>>, vector<1x16xf32>,
        %swap3A_184 = vector.shape_cast %swap3A_183 : vector<1x16xf32> to vector<16xf32>
        %swap3A_185 = vector.shape_cast %add3A_180 : vector<16xf32> to vector<1x16xf32>
        tpu.vector_store %arg20[%swap3A_181, %swap3A_182], %swap3A_185 {strides = array<i32>} : memref<40x128xf32, #tpu.memory_space<vmem>>, vector<1x16xf32>,
        %get3A_186 = arith.index_cast %scan3A_114 : i32 to index
        %get3A_187 = arith.constant 32 : index
        %get3A_188 = tpu.vector_load %arg16[%get3A_186, %get3A_187] {strides = array<i32>} : memref<40x256xf32, #tpu.memory_space<vmem>>, vector<1x16xf32>,
        %get3A_189 = vector.shape_cast %get3A_188 : vector<1x16xf32> to vector<16xf32>
        %get3A_190 = arith.index_cast %scan3A_114 : i32 to index
        %get3A_191 = arith.constant 32 : index
        %get3A_192 = tpu.vector_load %arg18[%get3A_190, %get3A_191] {strides = array<i32>} : memref<40x256xf32, #tpu.memory_space<vmem>>, vector<1x16xf32>,
        %get3A_193 = vector.shape_cast %get3A_192 : vector<1x16xf32> to vector<16xf32>
        %mul3A_194 = arith.mulf %get3A_189, %get3A_193 : vector<16xf32>
        %get3A_195 = arith.index_cast %scan3A_114 : i32 to index
        %get3A_196 = arith.constant 160 : index
        %get3A_197 = tpu.vector_load %arg16[%get3A_195, %get3A_196] {strides = array<i32>} : memref<40x256xf32, #tpu.memory_space<vmem>>, vector<1x16xf32>,
        %get3A_198 = vector.shape_cast %get3A_197 : vector<1x16xf32> to vector<16xf32>
        %get3A_199 = arith.index_cast %scan3A_114 : i32 to index
        %get3A_200 = arith.constant 160 : index
        %get3A_201 = tpu.vector_load %arg18[%get3A_199, %get3A_200] {strides = array<i32>} : memref<40x256xf32, #tpu.memory_space<vmem>>, vector<1x16xf32>,
        %get3A_202 = vector.shape_cast %get3A_201 : vector<1x16xf32> to vector<16xf32>
        %mul3A_203 = arith.mulf %get3A_198, %get3A_202 : vector<16xf32>
        %add3A_204 = arith.constant 32 : i32
        %add3A_205 = arith.addi %mul3A_117, %add3A_204 : i32
        %get3A_206 = arith.index_cast %add3A_205 : i32 to index
        %get3A_207 = tpu.vector_load %arg19[%get3A_206] {strides = array<i32>} : memref<1920xf32, #tpu.memory_space<vmem>>, vector<16xf32>,
        %get3A_208 = vector.shape_cast %get3A_207 : vector<16xf32> to vector<16xf32>
        %mul3A_209 = arith.mulf %mul3A_194, %get3A_208 : vector<16xf32>
        %get3A_210 = arith.index_cast %scan3A_114 : i32 to index
        %get3A_211 = arith.constant 288 : index
        %get3A_212 = tpu.vector_load %arg17[%get3A_210, %get3A_211] {strides = array<i32>} : memref<40x384xf32, #tpu.memory_space<vmem>>, vector<1x16xf32>,
        %get3A_213 = vector.shape_cast %get3A_212 : vector<1x16xf32> to vector<16xf32>
        %mul3A_214 = arith.mulf %mul3A_203, %get3A_213 : vector<16xf32>
        %add3A_215 = arith.addf %mul3A_209, %mul3A_214 : vector<16xf32>
        %swap3A_216 = arith.index_cast %scan3A_114 : i32 to index
        %swap3A_217 = arith.constant 32 : index
        %swap3A_218 = tpu.vector_load %arg20[%swap3A_216, %swap3A_217] {strides = array<i32>} : memref<40x128xf32, #tpu.memory_space<vmem>>, vector<1x16xf32>,
        %swap3A_219 = vector.shape_cast %swap3A_218 : vector<1x16xf32> to vector<16xf32>
        %swap3A_220 = vector.shape_cast %add3A_215 : vector<16xf32> to vector<1x16xf32>
        tpu.vector_store %arg20[%swap3A_216, %swap3A_217], %swap3A_220 {strides = array<i32>} : memref<40x128xf32, #tpu.memory_space<vmem>>, vector<1x16xf32>,
        %get3A_221 = arith.index_cast %scan3A_114 : i32 to index
        %get3A_222 = arith.constant 48 : index
        %get3A_223 = tpu.vector_load %arg16[%get3A_221, %get3A_222] {strides = array<i32>} : memref<40x256xf32, #tpu.memory_space<vmem>>, vector<1x16xf32>,
        %get3A_224 = vector.shape_cast %get3A_223 : vector<1x16xf32> to vector<16xf32>
        %get3A_225 = arith.index_cast %scan3A_114 : i32 to index
        %get3A_226 = arith.constant 48 : index
        %get3A_227 = tpu.vector_load %arg18[%get3A_225, %get3A_226] {strides = array<i32>} : memref<40x256xf32, #tpu.memory_space<vmem>>, vector<1x16xf32>,
        %get3A_228 = vector.shape_cast %get3A_227 : vector<1x16xf32> to vector<16xf32>
        %mul3A_229 = arith.mulf %get3A_224, %get3A_228 : vector<16xf32>
        %get3A_230 = arith.index_cast %scan3A_114 : i32 to index
        %get3A_231 = arith.constant 176 : index
        %get3A_232 = tpu.vector_load %arg16[%get3A_230, %get3A_231] {strides = array<i32>} : memref<40x256xf32, #tpu.memory_space<vmem>>, vector<1x16xf32>,
        %get3A_233 = vector.shape_cast %get3A_232 : vector<1x16xf32> to vector<16xf32>
        %get3A_234 = arith.index_cast %scan3A_114 : i32 to index
        %get3A_235 = arith.constant 176 : index
        %get3A_236 = tpu.vector_load %arg18[%get3A_234, %get3A_235] {strides = array<i32>} : memref<40x256xf32, #tpu.memory_space<vmem>>, vector<1x16xf32>,
        %get3A_237 = vector.shape_cast %get3A_236 : vector<1x16xf32> to vector<16xf32>
        %mul3A_238 = arith.mulf %get3A_233, %get3A_237 : vector<16xf32>
        %add3A_239 = arith.constant 32 : i32
        %add3A_240 = arith.addi %mul3A_117, %add3A_239 : i32
        %get3A_241 = arith.index_cast %add3A_240 : i32 to index
        %get3A_242 = tpu.vector_load %arg19[%get3A_241] {strides = array<i32>} : memref<1920xf32, #tpu.memory_space<vmem>>, vector<16xf32>,
        %get3A_243 = vector.shape_cast %get3A_242 : vector<16xf32> to vector<16xf32>
        %mul3A_244 = arith.mulf %mul3A_229, %get3A_243 : vector<16xf32>
        %get3A_245 = arith.index_cast %scan3A_114 : i32 to index
        %get3A_246 = arith.constant 304 : index
        %get3A_247 = tpu.vector_load %arg17[%get3A_245, %get3A_246] {strides = array<i32>} : memref<40x384xf32, #tpu.memory_space<vmem>>, vector<1x16xf32>,
        %get3A_248 = vector.shape_cast %get3A_247 : vector<1x16xf32> to vector<16xf32>
        %mul3A_249 = arith.mulf %mul3A_238, %get3A_248 : vector<16xf32>
        %add3A_250 = arith.addf %mul3A_244, %mul3A_249 : vector<16xf32>
        %swap3A_251 = arith.index_cast %scan3A_114 : i32 to index
        %swap3A_252 = arith.constant 48 : index
        %swap3A_253 = tpu.vector_load %arg20[%swap3A_251, %swap3A_252] {strides = array<i32>} : memref<40x128xf32, #tpu.memory_space<vmem>>, vector<1x16xf32>,
        %swap3A_254 = vector.shape_cast %swap3A_253 : vector<1x16xf32> to vector<16xf32>
        %swap3A_255 = vector.shape_cast %add3A_250 : vector<16xf32> to vector<1x16xf32>
        tpu.vector_store %arg20[%swap3A_251, %swap3A_252], %swap3A_255 {strides = array<i32>} : memref<40x128xf32, #tpu.memory_space<vmem>>, vector<1x16xf32>,
        %get3A_256 = arith.index_cast %scan3A_114 : i32 to index
        %get3A_257 = arith.constant 64 : index
        %get3A_258 = tpu.vector_load %arg16[%get3A_256, %get3A_257] {strides = array<i32>} : memref<40x256xf32, #tpu.memory_space<vmem>>, vector<1x16xf32>,
        %get3A_259 = vector.shape_cast %get3A_258 : vector<1x16xf32> to vector<16xf32>
        %get3A_260 = arith.index_cast %scan3A_114 : i32 to index
        %get3A_261 = arith.constant 64 : index
        %get3A_262 = tpu.vector_load %arg18[%get3A_260, %get3A_261] {strides = array<i32>} : memref<40x256xf32, #tpu.memory_space<vmem>>, vector<1x16xf32>,
        %get3A_263 = vector.shape_cast %get3A_262 : vector<1x16xf32> to vector<16xf32>
        %mul3A_264 = arith.mulf %get3A_259, %get3A_263 : vector<16xf32>
        %get3A_265 = arith.index_cast %scan3A_114 : i32 to index
        %get3A_266 = arith.constant 192 : index
        %get3A_267 = tpu.vector_load %arg16[%get3A_265, %get3A_266] {strides = array<i32>} : memref<40x256xf32, #tpu.memory_space<vmem>>, vector<1x16xf32>,
        %get3A_268 = vector.shape_cast %get3A_267 : vector<1x16xf32> to vector<16xf32>
        %get3A_269 = arith.index_cast %scan3A_114 : i32 to index
        %get3A_270 = arith.constant 192 : index
        %get3A_271 = tpu.vector_load %arg18[%get3A_269, %get3A_270] {strides = array<i32>} : memref<40x256xf32, #tpu.memory_space<vmem>>, vector<1x16xf32>,
        %get3A_272 = vector.shape_cast %get3A_271 : vector<1x16xf32> to vector<16xf32>
        %mul3A_273 = arith.mulf %get3A_268, %get3A_272 : vector<16xf32>
        %add3A_274 = arith.constant 32 : i32
        %add3A_275 = arith.addi %mul3A_117, %add3A_274 : i32
        %get3A_276 = arith.index_cast %add3A_275 : i32 to index
        %get3A_277 = tpu.vector_load %arg19[%get3A_276] {strides = array<i32>} : memref<1920xf32, #tpu.memory_space<vmem>>, vector<16xf32>,
        %get3A_278 = vector.shape_cast %get3A_277 : vector<16xf32> to vector<16xf32>
        %mul3A_279 = arith.mulf %mul3A_264, %get3A_278 : vector<16xf32>
        %get3A_280 = arith.index_cast %scan3A_114 : i32 to index
        %get3A_281 = arith.constant 320 : index
        %get3A_282 = tpu.vector_load %arg17[%get3A_280, %get3A_281] {strides = array<i32>} : memref<40x384xf32, #tpu.memory_space<vmem>>, vector<1x16xf32>,
        %get3A_283 = vector.shape_cast %get3A_282 : vector<1x16xf32> to vector<16xf32>
        %mul3A_284 = arith.mulf %mul3A_273, %get3A_283 : vector<16xf32>
        %add3A_285 = arith.addf %mul3A_279, %mul3A_284 : vector<16xf32>
        %swap3A_286 = arith.index_cast %scan3A_114 : i32 to index
        %swap3A_287 = arith.constant 64 : index
        %swap3A_288 = tpu.vector_load %arg20[%swap3A_286, %swap3A_287] {strides = array<i32>} : memref<40x128xf32, #tpu.memory_space<vmem>>, vector<1x16xf32>,
        %swap3A_289 = vector.shape_cast %swap3A_288 : vector<1x16xf32> to vector<16xf32>
        %swap3A_290 = vector.shape_cast %add3A_285 : vector<16xf32> to vector<1x16xf32>
        tpu.vector_store %arg20[%swap3A_286, %swap3A_287], %swap3A_290 {strides = array<i32>} : memref<40x128xf32, #tpu.memory_space<vmem>>, vector<1x16xf32>,
        %get3A_291 = arith.index_cast %scan3A_114 : i32 to index
        %get3A_292 = arith.constant 80 : index
        %get3A_293 = tpu.vector_load %arg16[%get3A_291, %get3A_292] {strides = array<i32>} : memref<40x256xf32, #tpu.memory_space<vmem>>, vector<1x16xf32>,
        %get3A_294 = vector.shape_cast %get3A_293 : vector<1x16xf32> to vector<16xf32>
        %get3A_295 = arith.index_cast %scan3A_114 : i32 to index
        %get3A_296 = arith.constant 80 : index
        %get3A_297 = tpu.vector_load %arg18[%get3A_295, %get3A_296] {strides = array<i32>} : memref<40x256xf32, #tpu.memory_space<vmem>>, vector<1x16xf32>,
        %get3A_298 = vector.shape_cast %get3A_297 : vector<1x16xf32> to vector<16xf32>
        %mul3A_299 = arith.mulf %get3A_294, %get3A_298 : vector<16xf32>
        %get3A_300 = arith.index_cast %scan3A_114 : i32 to index
        %get3A_301 = arith.constant 208 : index
        %get3A_302 = tpu.vector_load %arg16[%get3A_300, %get3A_301] {strides = array<i32>} : memref<40x256xf32, #tpu.memory_space<vmem>>, vector<1x16xf32>,
        %get3A_303 = vector.shape_cast %get3A_302 : vector<1x16xf32> to vector<16xf32>
        %get3A_304 = arith.index_cast %scan3A_114 : i32 to index
        %get3A_305 = arith.constant 208 : index
        %get3A_306 = tpu.vector_load %arg18[%get3A_304, %get3A_305] {strides = array<i32>} : memref<40x256xf32, #tpu.memory_space<vmem>>, vector<1x16xf32>,
        %get3A_307 = vector.shape_cast %get3A_306 : vector<1x16xf32> to vector<16xf32>
        %mul3A_308 = arith.mulf %get3A_303, %get3A_307 : vector<16xf32>
        %add3A_309 = arith.constant 32 : i32
        %add3A_310 = arith.addi %mul3A_117, %add3A_309 : i32
        %get3A_311 = arith.index_cast %add3A_310 : i32 to index
        %get3A_312 = tpu.vector_load %arg19[%get3A_311] {strides = array<i32>} : memref<1920xf32, #tpu.memory_space<vmem>>, vector<16xf32>,
        %get3A_313 = vector.shape_cast %get3A_312 : vector<16xf32> to vector<16xf32>
        %mul3A_314 = arith.mulf %mul3A_299, %get3A_313 : vector<16xf32>
        %get3A_315 = arith.index_cast %scan3A_114 : i32 to index
        %get3A_316 = arith.constant 336 : index
        %get3A_317 = tpu.vector_load %arg17[%get3A_315, %get3A_316] {strides = array<i32>} : memref<40x384xf32, #tpu.memory_space<vmem>>, vector<1x16xf32>,
        %get3A_318 = vector.shape_cast %get3A_317 : vector<1x16xf32> to vector<16xf32>
        %mul3A_319 = arith.mulf %mul3A_308, %get3A_318 : vector<16xf32>
        %add3A_320 = arith.addf %mul3A_314, %mul3A_319 : vector<16xf32>
        %swap3A_321 = arith.index_cast %scan3A_114 : i32 to index
        %swap3A_322 = arith.constant 80 : index
        %swap3A_323 = tpu.vector_load %arg20[%swap3A_321, %swap3A_322] {strides = array<i32>} : memref<40x128xf32, #tpu.memory_space<vmem>>, vector<1x16xf32>,
        %swap3A_324 = vector.shape_cast %swap3A_323 : vector<1x16xf32> to vector<16xf32>
        %swap3A_325 = vector.shape_cast %add3A_320 : vector<16xf32> to vector<1x16xf32>
        tpu.vector_store %arg20[%swap3A_321, %swap3A_322], %swap3A_325 {strides = array<i32>} : memref<40x128xf32, #tpu.memory_space<vmem>>, vector<1x16xf32>,
        %get3A_326 = arith.index_cast %scan3A_114 : i32 to index
        %get3A_327 = arith.constant 96 : index
        %get3A_328 = tpu.vector_load %arg16[%get3A_326, %get3A_327] {strides = array<i32>} : memref<40x256xf32, #tpu.memory_space<vmem>>, vector<1x16xf32>,
        %get3A_329 = vector.shape_cast %get3A_328 : vector<1x16xf32> to vector<16xf32>
        %get3A_330 = arith.index_cast %scan3A_114 : i32 to index
        %get3A_331 = arith.constant 96 : index
        %get3A_332 = tpu.vector_load %arg18[%get3A_330, %get3A_331] {strides = array<i32>} : memref<40x256xf32, #tpu.memory_space<vmem>>, vector<1x16xf32>,
        %get3A_333 = vector.shape_cast %get3A_332 : vector<1x16xf32> to vector<16xf32>
        %mul3A_334 = arith.mulf %get3A_329, %get3A_333 : vector<16xf32>
        %get3A_335 = arith.index_cast %scan3A_114 : i32 to index
        %get3A_336 = arith.constant 224 : index
        %get3A_337 = tpu.vector_load %arg16[%get3A_335, %get3A_336] {strides = array<i32>} : memref<40x256xf32, #tpu.memory_space<vmem>>, vector<1x16xf32>,
        %get3A_338 = vector.shape_cast %get3A_337 : vector<1x16xf32> to vector<16xf32>
        %get3A_339 = arith.index_cast %scan3A_114 : i32 to index
        %get3A_340 = arith.constant 224 : index
        %get3A_341 = tpu.vector_load %arg18[%get3A_339, %get3A_340] {strides = array<i32>} : memref<40x256xf32, #tpu.memory_space<vmem>>, vector<1x16xf32>,
        %get3A_342 = vector.shape_cast %get3A_341 : vector<1x16xf32> to vector<16xf32>
        %mul3A_343 = arith.mulf %get3A_338, %get3A_342 : vector<16xf32>
        %add3A_344 = arith.constant 32 : i32
        %add3A_345 = arith.addi %mul3A_117, %add3A_344 : i32
        %get3A_346 = arith.index_cast %add3A_345 : i32 to index
        %get3A_347 = tpu.vector_load %arg19[%get3A_346] {strides = array<i32>} : memref<1920xf32, #tpu.memory_space<vmem>>, vector<16xf32>,
        %get3A_348 = vector.shape_cast %get3A_347 : vector<16xf32> to vector<16xf32>
        %mul3A_349 = arith.mulf %mul3A_334, %get3A_348 : vector<16xf32>
        %get3A_350 = arith.index_cast %scan3A_114 : i32 to index
        %get3A_351 = arith.constant 352 : index
        %get3A_352 = tpu.vector_load %arg17[%get3A_350, %get3A_351] {strides = array<i32>} : memref<40x384xf32, #tpu.memory_space<vmem>>, vector<1x16xf32>,
        %get3A_353 = vector.shape_cast %get3A_352 : vector<1x16xf32> to vector<16xf32>
        %mul3A_354 = arith.mulf %mul3A_343, %get3A_353 : vector<16xf32>
        %add3A_355 = arith.addf %mul3A_349, %mul3A_354 : vector<16xf32>
        %swap3A_356 = arith.index_cast %scan3A_114 : i32 to index
        %swap3A_357 = arith.constant 96 : index
        %swap3A_358 = tpu.vector_load %arg20[%swap3A_356, %swap3A_357] {strides = array<i32>} : memref<40x128xf32, #tpu.memory_space<vmem>>, vector<1x16xf32>,
        %swap3A_359 = vector.shape_cast %swap3A_358 : vector<1x16xf32> to vector<16xf32>
        %swap3A_360 = vector.shape_cast %add3A_355 : vector<16xf32> to vector<1x16xf32>
        tpu.vector_store %arg20[%swap3A_356, %swap3A_357], %swap3A_360 {strides = array<i32>} : memref<40x128xf32, #tpu.memory_space<vmem>>, vector<1x16xf32>,
        %get3A_361 = arith.index_cast %scan3A_114 : i32 to index
        %get3A_362 = arith.constant 112 : index
        %get3A_363 = tpu.vector_load %arg16[%get3A_361, %get3A_362] {strides = array<i32>} : memref<40x256xf32, #tpu.memory_space<vmem>>, vector<1x16xf32>,
        %get3A_364 = vector.shape_cast %get3A_363 : vector<1x16xf32> to vector<16xf32>
        %get3A_365 = arith.index_cast %scan3A_114 : i32 to index
        %get3A_366 = arith.constant 112 : index
        %get3A_367 = tpu.vector_load %arg18[%get3A_365, %get3A_366] {strides = array<i32>} : memref<40x256xf32, #tpu.memory_space<vmem>>, vector<1x16xf32>,
        %get3A_368 = vector.shape_cast %get3A_367 : vector<1x16xf32> to vector<16xf32>
        %mul3A_369 = arith.mulf %get3A_364, %get3A_368 : vector<16xf32>
        %get3A_370 = arith.index_cast %scan3A_114 : i32 to index
        %get3A_371 = arith.constant 240 : index
        %get3A_372 = tpu.vector_load %arg16[%get3A_370, %get3A_371] {strides = array<i32>} : memref<40x256xf32, #tpu.memory_space<vmem>>, vector<1x16xf32>,
        %get3A_373 = vector.shape_cast %get3A_372 : vector<1x16xf32> to vector<16xf32>
        %get3A_374 = arith.index_cast %scan3A_114 : i32 to index
        %get3A_375 = arith.constant 240 : index
        %get3A_376 = tpu.vector_load %arg18[%get3A_374, %get3A_375] {strides = array<i32>} : memref<40x256xf32, #tpu.memory_space<vmem>>, vector<1x16xf32>,
        %get3A_377 = vector.shape_cast %get3A_376 : vector<1x16xf32> to vector<16xf32>
        %mul3A_378 = arith.mulf %get3A_373, %get3A_377 : vector<16xf32>
        %add3A_379 = arith.constant 32 : i32
        %add3A_380 = arith.addi %mul3A_117, %add3A_379 : i32
        %get3A_381 = arith.index_cast %add3A_380 : i32 to index
        %get3A_382 = tpu.vector_load %arg19[%get3A_381] {strides = array<i32>} : memref<1920xf32, #tpu.memory_space<vmem>>, vector<16xf32>,
        %get3A_383 = vector.shape_cast %get3A_382 : vector<16xf32> to vector<16xf32>
        %mul3A_384 = arith.mulf %mul3A_369, %get3A_383 : vector<16xf32>
        %get3A_385 = arith.index_cast %scan3A_114 : i32 to index
        %get3A_386 = arith.constant 368 : index
        %get3A_387 = tpu.vector_load %arg17[%get3A_385, %get3A_386] {strides = array<i32>} : memref<40x384xf32, #tpu.memory_space<vmem>>, vector<1x16xf32>,
        %get3A_388 = vector.shape_cast %get3A_387 : vector<1x16xf32> to vector<16xf32>
        %mul3A_389 = arith.mulf %mul3A_378, %get3A_388 : vector<16xf32>
        %add3A_390 = arith.addf %mul3A_384, %mul3A_389 : vector<16xf32>
        %swap3A_391 = arith.index_cast %scan3A_114 : i32 to index
        %swap3A_392 = arith.constant 112 : index
        %swap3A_393 = tpu.vector_load %arg20[%swap3A_391, %swap3A_392] {strides = array<i32>} : memref<40x128xf32, #tpu.memory_space<vmem>>, vector<1x16xf32>,
        %swap3A_394 = vector.shape_cast %swap3A_393 : vector<1x16xf32> to vector<16xf32>
        %swap3A_395 = vector.shape_cast %add3A_390 : vector<16xf32> to vector<1x16xf32>
        tpu.vector_store %arg20[%swap3A_391, %swap3A_392], %swap3A_395 {strides = array<i32>} : memref<40x128xf32, #tpu.memory_space<vmem>>, vector<1x16xf32>,
        %scan3A_396 = arith.constant 0 : i32
        scf.yield %scan3A_396 : i32
      }
      %scan3A_112 = arith.constant 40 : i32
      "tpu.region"() ({
        %run_scoped3A = tpu.sem_alloc : memref<!tpu.dma_semaphore, #tpu.memory_space<semaphore_mem>>
        %dma_start3A_114 = arith.constant 0 : i32
        %dma_start3A_115 = arith.constant 0 : i32
        %dma_start3A_116 = tpu.memref_slice %arg22[%dma_start3A_114, %dma_start3A_115] : memref<10008x128xf32, #tpu.memory_space<vmem_shared>> -> memref<10008x128xf32, #tpu.memory_space<vmem_shared>>
        tpu.enqueue_indirect_dma source(%arg20 : memref<40x128xf32, #tpu.memory_space<vmem>>) target(%dma_start3A_116 : memref<10008x128xf32, #tpu.memory_space<vmem_shared>>) offsets(%arg15 : memref<40xi32, #tpu.memory_space<vmem>>) semaphore(%run_scoped3A : memref<!tpu.dma_semaphore, #tpu.memory_space<semaphore_mem>>) {add = true}
        %dma_wait3A_117 = arith.constant 0 : i32
        %dma_wait3A_118 = arith.constant 0 : i32
        %dma_wait3A_119 = tpu.memref_slice %arg22[%dma_wait3A_117, %dma_wait3A_118] : memref<10008x128xf32, #tpu.memory_space<vmem_shared>> -> memref<10008x128xf32, #tpu.memory_space<vmem_shared>>
        tpu.wait_indirect_dma semaphore(%run_scoped3A : memref<!tpu.dma_semaphore, #tpu.memory_space<semaphore_mem>>) src(%arg20 : memref<40x128xf32, #tpu.memory_space<vmem>>) dst(%dma_wait3A_119 : memref<10008x128xf32, #tpu.memory_space<vmem_shared>>)
        tpu.yield
      }) : () -> ()
      %scan3A_113 = arith.constant 0 : i32
      scf.yield %scan3A_113 : i32
    }
    %scan3A_67 = arith.constant 250 : i32
    %barrier3A_68 = arith.constant 0 : index
    tpu.barrier barrier_id(%barrier3A_68)
    %scan3A_69 = arith.constant 0 : i32
    %scan3A_70 = arith.constant 0 : i32
    %scan3A_71 = arith.constant 16 : i32
    %scan3A_72 = arith.addi %scan3A_70, %scan3A_71 : i32
    %scan3A_73 = arith.constant 1 : i32
    %scan3A_74 = scf.for %scan3A_77 = %scan3A_70 to %scan3A_72 step %scan3A_73 iter_args(%scan3A_78 = %scan3A_69) -> (i32)  : i32 {
      %mul3A = arith.constant 16 : i32
      %mul3A_79 = arith.muli %scan3A_77, %mul3A : i32
      %add3A = arith.addi %mul3A_79, %arg1 : i32
      %lt3A = arith.constant 250 : i32
      %lt3A_80 = arith.cmpi slt, %add3A, %lt3A : i32
      %convert_element_type3A = arith.extui %lt3A_80 : i1 to i32
      %cond3A = arith.constant 0 : i32
      %cond3A_81 = arith.cmpi ne, %convert_element_type3A, %cond3A : i32
      scf.if %cond3A_81 {
        %mul3A_83 = arith.constant 40 : i32
        %mul3A_84 = arith.muli %add3A, %mul3A_83 : i32
        %multiple_of3A = tpu.assume_multiple %mul3A_84, 8 : i32
        %eq3A = arith.constant 0 : i32
        %eq3A_85 = arith.cmpi eq, %arg0, %eq3A : i32
        %convert_element_type3A_86 = arith.extui %eq3A_85 : i1 to i32
        %cond3A_87 = arith.constant 0 : i32
        %cond3A_88 = arith.cmpi ne, %convert_element_type3A_86, %cond3A_87 : i32
        scf.if %cond3A_88 {
          "tpu.region"() ({
            %run_scoped3A = tpu.sem_alloc : memref<!tpu.dma_semaphore, #tpu.memory_space<semaphore_mem>>
            %dma_start3A = arith.constant 0 : i32
            %dma_start3A_94 = tpu.memref_slice %arg10[%multiple_of3A, %dma_start3A] : memref<10000x128xf32, #tpu.memory_space<hbm>> -> memref<40x128xf32, #tpu.memory_space<hbm>>
            %dma_start3A_95 = arith.constant 0 : i32
            %dma_start3A_96 = tpu.memref_slice %arg22[%multiple_of3A, %dma_start3A_95] : memref<10008x128xf32, #tpu.memory_space<vmem_shared>> -> memref<40x128xf32, #tpu.memory_space<vmem_shared>>
            tpu.enqueue_dma source(%dma_start3A_96 : memref<40x128xf32, #tpu.memory_space<vmem_shared>>) target(%dma_start3A_94 : memref<40x128xf32, #tpu.memory_space<hbm>>) target_semaphore(%run_scoped3A : memref<!tpu.dma_semaphore, #tpu.memory_space<semaphore_mem>>)
            %dma_wait3A = arith.constant 0 : i32
            %dma_wait3A_97 = tpu.memref_slice %arg10[%multiple_of3A, %dma_wait3A] : memref<10000x128xf32, #tpu.memory_space<hbm>> -> memref<40x128xf32, #tpu.memory_space<hbm>>
            %dma_wait3A_98 = arith.constant 0 : i32
            %dma_wait3A_99 = tpu.memref_slice %arg22[%multiple_of3A, %dma_wait3A_98] : memref<10008x128xf32, #tpu.memory_space<vmem_shared>> -> memref<40x128xf32, #tpu.memory_space<vmem_shared>>
            tpu.wait_dma2 semaphore(%run_scoped3A : memref<!tpu.dma_semaphore, #tpu.memory_space<semaphore_mem>>) src(%dma_wait3A_99 : memref<40x128xf32, #tpu.memory_space<vmem_shared>>) dst(%dma_wait3A_97 : memref<40x128xf32, #tpu.memory_space<hbm>>)
            tpu.yield
          }) : () -> ()
        } else {
        }
        %eq3A_89 = arith.constant 1 : i32
        %eq3A_90 = arith.cmpi eq, %arg0, %eq3A_89 : i32
        %convert_element_type3A_91 = arith.extui %eq3A_90 : i1 to i32
        %cond3A_92 = arith.constant 0 : i32
        %cond3A_93 = arith.cmpi ne, %convert_element_type3A_91, %cond3A_92 : i32
        scf.if %cond3A_93 {
          "tpu.region"() ({
            %run_scoped3A = tpu.sem_alloc : memref<!tpu.dma_semaphore, #tpu.memory_space<semaphore_mem>>
            %dma_start3A = arith.constant 0 : i32
            %dma_start3A_94 = tpu.memref_slice %arg13[%multiple_of3A, %dma_start3A] : memref<10000x128xf32, #tpu.memory_space<hbm>> -> memref<40x128xf32, #tpu.memory_space<hbm>>
            %dma_start3A_95 = arith.constant 0 : i32
            %dma_start3A_96 = tpu.memref_slice %arg22[%multiple_of3A, %dma_start3A_95] : memref<10008x128xf32, #tpu.memory_space<vmem_shared>> -> memref<40x128xf32, #tpu.memory_space<vmem_shared>>
            tpu.enqueue_dma source(%dma_start3A_96 : memref<40x128xf32, #tpu.memory_space<vmem_shared>>) target(%dma_start3A_94 : memref<40x128xf32, #tpu.memory_space<hbm>>) target_semaphore(%run_scoped3A : memref<!tpu.dma_semaphore, #tpu.memory_space<semaphore_mem>>)
            %dma_wait3A = arith.constant 0 : i32
            %dma_wait3A_97 = tpu.memref_slice %arg13[%multiple_of3A, %dma_wait3A] : memref<10000x128xf32, #tpu.memory_space<hbm>> -> memref<40x128xf32, #tpu.memory_space<hbm>>
            %dma_wait3A_98 = arith.constant 0 : i32
            %dma_wait3A_99 = tpu.memref_slice %arg22[%multiple_of3A, %dma_wait3A_98] : memref<10008x128xf32, #tpu.memory_space<vmem_shared>> -> memref<40x128xf32, #tpu.memory_space<vmem_shared>>
            tpu.wait_dma2 semaphore(%run_scoped3A : memref<!tpu.dma_semaphore, #tpu.memory_space<semaphore_mem>>) src(%dma_wait3A_99 : memref<40x128xf32, #tpu.memory_space<vmem_shared>>) dst(%dma_wait3A_97 : memref<40x128xf32, #tpu.memory_space<hbm>>)
            tpu.yield
          }) : () -> ()
        } else {
        }
      } else {
      }
      %scan3A_82 = arith.constant 0 : i32
      scf.yield %scan3A_82 : i32
    }
    %scan3A_75 = arith.constant 16 : i32
    %barrier3A_76 = arith.constant 0 : index
    tpu.barrier barrier_id(%barrier3A_76)
    return
  }
}

#map = affine_map<(d0, d1) -> (0, 0)>
#map1 = affine_map<(d0, d1) -> (0)>
module attributes {stable_mosaic.version = 14 : i64} {
  func.func @_dq_kernel(%arg0: i32, %arg1: i32, %arg2: memref<10000x128xf32, #tpu.memory_space<hbm>>, %arg3: memref<320000x384xf32, #tpu.memory_space<hbm>>, %arg4: memref<320000xi32, #tpu.memory_space<hbm>>, %arg5: memref<320000xi32, #tpu.memory_space<hbm>>, %arg6: memref<10000x128xf32, #tpu.memory_space<hbm>>, %arg7: memref<10000x128xf32, #tpu.memory_space<hbm>>, %arg8: memref<80xi32, #tpu.memory_space<vmem>>, %arg9: memref<80xi32, #tpu.memory_space<vmem>>, %arg10: memref<80x128xf32, #tpu.memory_space<vmem>>, %arg11: memref<80x128xf32, #tpu.memory_space<vmem>>, %arg12: memref<80x128xf32, #tpu.memory_space<vmem>>, %arg13: memref<40x128xf32, #tpu.memory_space<vmem>>, %arg14: memref<10008x128xf32, #tpu.memory_space<vmem_shared>>, %arg15: memref<!tpu.dma_semaphore, #tpu.memory_space<semaphore_mem>>) attributes {dimension_semantics = [#tpu.dimension_semantics<core_parallel>, #tpu.dimension_semantics<subcore_parallel>], iteration_bounds = array<i64: 2, 16>, scalar_prefetch = 0 : i64, scratch_operands = 8 : i64, tpu.core_type = #tpu.core_type<sc_vector_subcore>, window_params = [{transform_indices = #map}, {transform_indices = #map}, {transform_indices = #map1}, {transform_indices = #map1}, {transform_indices = #map}, {transform_indices = #map}]} {
    %scan3A = arith.constant 0 : i32
    %scan3A_0 = arith.constant 0 : i32
    %scan3A_1 = arith.constant 40 : i32
    %scan3A_2 = arith.addi %scan3A_0, %scan3A_1 : i32
    %scan3A_3 = arith.constant 1 : i32
    %scan3A_4 = scf.for %scan3A_28 = %scan3A_0 to %scan3A_2 step %scan3A_3 iter_args(%scan3A_29 = %scan3A) -> (i32)  : i32 {
      %broadcast_in_dim3A = arith.constant 0.000000e+00 : f32
      %broadcast_in_dim3A_30 = vector.broadcast %broadcast_in_dim3A : f32 to vector<16xf32>
      %swap3A = arith.index_cast %scan3A_28 : i32 to index
      %swap3A_31 = arith.constant 0 : index
      %swap3A_32 = tpu.vector_load %arg13[%swap3A, %swap3A_31] {strides = array<i32>} : memref<40x128xf32, #tpu.memory_space<vmem>>, vector<1x16xf32>,
      %swap3A_33 = vector.shape_cast %swap3A_32 : vector<1x16xf32> to vector<16xf32>
      %swap3A_34 = vector.shape_cast %broadcast_in_dim3A_30 : vector<16xf32> to vector<1x16xf32>
      tpu.vector_store %arg13[%swap3A, %swap3A_31], %swap3A_34 {strides = array<i32>} : memref<40x128xf32, #tpu.memory_space<vmem>>, vector<1x16xf32>,
      %broadcast_in_dim3A_35 = arith.constant 0.000000e+00 : f32
      %broadcast_in_dim3A_36 = vector.broadcast %broadcast_in_dim3A_35 : f32 to vector<16xf32>
      %swap3A_37 = arith.index_cast %scan3A_28 : i32 to index
      %swap3A_38 = arith.constant 16 : index
      %swap3A_39 = tpu.vector_load %arg13[%swap3A_37, %swap3A_38] {strides = array<i32>} : memref<40x128xf32, #tpu.memory_space<vmem>>, vector<1x16xf32>,
      %swap3A_40 = vector.shape_cast %swap3A_39 : vector<1x16xf32> to vector<16xf32>
      %swap3A_41 = vector.shape_cast %broadcast_in_dim3A_36 : vector<16xf32> to vector<1x16xf32>
      tpu.vector_store %arg13[%swap3A_37, %swap3A_38], %swap3A_41 {strides = array<i32>} : memref<40x128xf32, #tpu.memory_space<vmem>>, vector<1x16xf32>,
      %broadcast_in_dim3A_42 = arith.constant 0.000000e+00 : f32
      %broadcast_in_dim3A_43 = vector.broadcast %broadcast_in_dim3A_42 : f32 to vector<16xf32>
      %swap3A_44 = arith.index_cast %scan3A_28 : i32 to index
      %swap3A_45 = arith.constant 32 : index
      %swap3A_46 = tpu.vector_load %arg13[%swap3A_44, %swap3A_45] {strides = array<i32>} : memref<40x128xf32, #tpu.memory_space<vmem>>, vector<1x16xf32>,
      %swap3A_47 = vector.shape_cast %swap3A_46 : vector<1x16xf32> to vector<16xf32>
      %swap3A_48 = vector.shape_cast %broadcast_in_dim3A_43 : vector<16xf32> to vector<1x16xf32>
      tpu.vector_store %arg13[%swap3A_44, %swap3A_45], %swap3A_48 {strides = array<i32>} : memref<40x128xf32, #tpu.memory_space<vmem>>, vector<1x16xf32>,
      %broadcast_in_dim3A_49 = arith.constant 0.000000e+00 : f32
      %broadcast_in_dim3A_50 = vector.broadcast %broadcast_in_dim3A_49 : f32 to vector<16xf32>
      %swap3A_51 = arith.index_cast %scan3A_28 : i32 to index
      %swap3A_52 = arith.constant 48 : index
      %swap3A_53 = tpu.vector_load %arg13[%swap3A_51, %swap3A_52] {strides = array<i32>} : memref<40x128xf32, #tpu.memory_space<vmem>>, vector<1x16xf32>,
      %swap3A_54 = vector.shape_cast %swap3A_53 : vector<1x16xf32> to vector<16xf32>
      %swap3A_55 = vector.shape_cast %broadcast_in_dim3A_50 : vector<16xf32> to vector<1x16xf32>
      tpu.vector_store %arg13[%swap3A_51, %swap3A_52], %swap3A_55 {strides = array<i32>} : memref<40x128xf32, #tpu.memory_space<vmem>>, vector<1x16xf32>,
      %broadcast_in_dim3A_56 = arith.constant 0.000000e+00 : f32
      %broadcast_in_dim3A_57 = vector.broadcast %broadcast_in_dim3A_56 : f32 to vector<16xf32>
      %swap3A_58 = arith.index_cast %scan3A_28 : i32 to index
      %swap3A_59 = arith.constant 64 : index
      %swap3A_60 = tpu.vector_load %arg13[%swap3A_58, %swap3A_59] {strides = array<i32>} : memref<40x128xf32, #tpu.memory_space<vmem>>, vector<1x16xf32>,
      %swap3A_61 = vector.shape_cast %swap3A_60 : vector<1x16xf32> to vector<16xf32>
      %swap3A_62 = vector.shape_cast %broadcast_in_dim3A_57 : vector<16xf32> to vector<1x16xf32>
      tpu.vector_store %arg13[%swap3A_58, %swap3A_59], %swap3A_62 {strides = array<i32>} : memref<40x128xf32, #tpu.memory_space<vmem>>, vector<1x16xf32>,
      %broadcast_in_dim3A_63 = arith.constant 0.000000e+00 : f32
      %broadcast_in_dim3A_64 = vector.broadcast %broadcast_in_dim3A_63 : f32 to vector<16xf32>
      %swap3A_65 = arith.index_cast %scan3A_28 : i32 to index
      %swap3A_66 = arith.constant 80 : index
      %swap3A_67 = tpu.vector_load %arg13[%swap3A_65, %swap3A_66] {strides = array<i32>} : memref<40x128xf32, #tpu.memory_space<vmem>>, vector<1x16xf32>,
      %swap3A_68 = vector.shape_cast %swap3A_67 : vector<1x16xf32> to vector<16xf32>
      %swap3A_69 = vector.shape_cast %broadcast_in_dim3A_64 : vector<16xf32> to vector<1x16xf32>
      tpu.vector_store %arg13[%swap3A_65, %swap3A_66], %swap3A_69 {strides = array<i32>} : memref<40x128xf32, #tpu.memory_space<vmem>>, vector<1x16xf32>,
      %broadcast_in_dim3A_70 = arith.constant 0.000000e+00 : f32
      %broadcast_in_dim3A_71 = vector.broadcast %broadcast_in_dim3A_70 : f32 to vector<16xf32>
      %swap3A_72 = arith.index_cast %scan3A_28 : i32 to index
      %swap3A_73 = arith.constant 96 : index
      %swap3A_74 = tpu.vector_load %arg13[%swap3A_72, %swap3A_73] {strides = array<i32>} : memref<40x128xf32, #tpu.memory_space<vmem>>, vector<1x16xf32>,
      %swap3A_75 = vector.shape_cast %swap3A_74 : vector<1x16xf32> to vector<16xf32>
      %swap3A_76 = vector.shape_cast %broadcast_in_dim3A_71 : vector<16xf32> to vector<1x16xf32>
      tpu.vector_store %arg13[%swap3A_72, %swap3A_73], %swap3A_76 {strides = array<i32>} : memref<40x128xf32, #tpu.memory_space<vmem>>, vector<1x16xf32>,
      %broadcast_in_dim3A_77 = arith.constant 0.000000e+00 : f32
      %broadcast_in_dim3A_78 = vector.broadcast %broadcast_in_dim3A_77 : f32 to vector<16xf32>
      %swap3A_79 = arith.index_cast %scan3A_28 : i32 to index
      %swap3A_80 = arith.constant 112 : index
      %swap3A_81 = tpu.vector_load %arg13[%swap3A_79, %swap3A_80] {strides = array<i32>} : memref<40x128xf32, #tpu.memory_space<vmem>>, vector<1x16xf32>,
      %swap3A_82 = vector.shape_cast %swap3A_81 : vector<1x16xf32> to vector<16xf32>
      %swap3A_83 = vector.shape_cast %broadcast_in_dim3A_78 : vector<16xf32> to vector<1x16xf32>
      tpu.vector_store %arg13[%swap3A_79, %swap3A_80], %swap3A_83 {strides = array<i32>} : memref<40x128xf32, #tpu.memory_space<vmem>>, vector<1x16xf32>,
      %scan3A_84 = arith.constant 0 : i32
      scf.yield %scan3A_84 : i32
    }
    %scan3A_5 = arith.constant 40 : i32
    %scan3A_6 = arith.constant 0 : i32
    %scan3A_7 = arith.constant 0 : i32
    %scan3A_8 = arith.constant 16 : i32
    %scan3A_9 = arith.addi %scan3A_7, %scan3A_8 : i32
    %scan3A_10 = arith.constant 1 : i32
    %scan3A_11 = scf.for %scan3A_28 = %scan3A_7 to %scan3A_9 step %scan3A_10 iter_args(%scan3A_29 = %scan3A_6) -> (i32)  : i32 {
      %mul3A = arith.constant 16 : i32
      %mul3A_30 = arith.muli %scan3A_28, %mul3A : i32
      %add3A = arith.addi %mul3A_30, %arg1 : i32
      %lt3A = arith.constant 250 : i32
      %lt3A_31 = arith.cmpi slt, %add3A, %lt3A : i32
      %convert_element_type3A = arith.extui %lt3A_31 : i1 to i32
      %cond3A = arith.constant 0 : i32
      %cond3A_32 = arith.cmpi ne, %convert_element_type3A, %cond3A : i32
      scf.if %cond3A_32 {
        %mul3A_34 = arith.constant 40 : i32
        %mul3A_35 = arith.muli %add3A, %mul3A_34 : i32
        %multiple_of3A = tpu.assume_multiple %mul3A_35, 8 : i32
        "tpu.region"() ({
          %run_scoped3A = tpu.sem_alloc : memref<!tpu.dma_semaphore, #tpu.memory_space<semaphore_mem>>
          %dma_start3A = arith.constant 0 : i32
          %dma_start3A_36 = tpu.memref_slice %arg14[%multiple_of3A, %dma_start3A] : memref<10008x128xf32, #tpu.memory_space<vmem_shared>> -> memref<40x128xf32, #tpu.memory_space<vmem_shared>>
          %dma_start3A_37 = arith.constant 0 : i32
          %dma_start3A_38 = tpu.memref_slice %arg14[%multiple_of3A, %dma_start3A_37] : memref<10008x128xf32, #tpu.memory_space<vmem_shared>> -> memref<40x128xf32, #tpu.memory_space<vmem_shared>>
          tpu.enqueue_dma source(%arg13 : memref<40x128xf32, #tpu.memory_space<vmem>>) target(%dma_start3A_38 : memref<40x128xf32, #tpu.memory_space<vmem_shared>>) target_semaphore(%run_scoped3A : memref<!tpu.dma_semaphore, #tpu.memory_space<semaphore_mem>>)
          %dma_wait3A = arith.constant 0 : i32
          %dma_wait3A_39 = tpu.memref_slice %arg14[%multiple_of3A, %dma_wait3A] : memref<10008x128xf32, #tpu.memory_space<vmem_shared>> -> memref<40x128xf32, #tpu.memory_space<vmem_shared>>
          %dma_wait3A_40 = arith.constant 0 : i32
          %dma_wait3A_41 = tpu.memref_slice %arg14[%multiple_of3A, %dma_wait3A_40] : memref<10008x128xf32, #tpu.memory_space<vmem_shared>> -> memref<40x128xf32, #tpu.memory_space<vmem_shared>>
          tpu.wait_dma2 semaphore(%run_scoped3A : memref<!tpu.dma_semaphore, #tpu.memory_space<semaphore_mem>>) src(%arg13 : memref<40x128xf32, #tpu.memory_space<vmem>>) dst(%dma_wait3A_41 : memref<40x128xf32, #tpu.memory_space<vmem_shared>>)
          tpu.yield
        }) : () -> ()
      } else {
      }
      %scan3A_33 = arith.constant 0 : i32
      scf.yield %scan3A_33 : i32
    }
    %scan3A_12 = arith.constant 16 : i32
    %barrier3A = arith.constant 0 : index
    tpu.barrier barrier_id(%barrier3A)
    %scan3A_13 = arith.constant 0 : i32
    %scan3A_14 = arith.constant 0 : i32
    %scan3A_15 = arith.constant 125 : i32
    %scan3A_16 = arith.addi %scan3A_14, %scan3A_15 : i32
    %scan3A_17 = arith.constant 1 : i32
    %scan3A_18 = scf.for %scan3A_28 = %scan3A_14 to %scan3A_16 step %scan3A_17 iter_args(%scan3A_29 = %scan3A_13) -> (i32)  : i32 {
      %mul3A = arith.constant 2000 : i32
      %mul3A_30 = arith.muli %arg0, %mul3A : i32
      %mul3A_31 = arith.constant 16 : i32
      %mul3A_32 = arith.muli %scan3A_28, %mul3A_31 : i32
      %add3A = arith.addi %mul3A_30, %mul3A_32 : i32
      %add3A_33 = arith.addi %add3A, %arg1 : i32
      %mul3A_34 = arith.constant 80 : i32
      %mul3A_35 = arith.muli %add3A_33, %mul3A_34 : i32
      %multiple_of3A = tpu.assume_multiple %mul3A_35, 8 : i32
      "tpu.region"() ({
        %run_scoped3A = tpu.sem_alloc : memref<!tpu.dma_semaphore, #tpu.memory_space<semaphore_mem>>
        %dma_start3A_56 = tpu.memref_slice %arg5[%multiple_of3A] : memref<320000xi32, #tpu.memory_space<hbm>> -> memref<80xi32, #tpu.memory_space<hbm>>
        %dma_start3A_57 = tpu.memref_slice %arg5[%multiple_of3A] : memref<320000xi32, #tpu.memory_space<hbm>> -> memref<80xi32, #tpu.memory_space<hbm>>
        tpu.enqueue_dma source(%dma_start3A_57 : memref<80xi32, #tpu.memory_space<hbm>>) target(%arg8 : memref<80xi32, #tpu.memory_space<vmem>>) target_semaphore(%run_scoped3A : memref<!tpu.dma_semaphore, #tpu.memory_space<semaphore_mem>>)
        %dma_wait3A_58 = tpu.memref_slice %arg5[%multiple_of3A] : memref<320000xi32, #tpu.memory_space<hbm>> -> memref<80xi32, #tpu.memory_space<hbm>>
        %dma_wait3A_59 = tpu.memref_slice %arg5[%multiple_of3A] : memref<320000xi32, #tpu.memory_space<hbm>> -> memref<80xi32, #tpu.memory_space<hbm>>
        tpu.wait_dma2 semaphore(%run_scoped3A : memref<!tpu.dma_semaphore, #tpu.memory_space<semaphore_mem>>) src(%dma_wait3A_59 : memref<80xi32, #tpu.memory_space<hbm>>) dst(%arg8 : memref<80xi32, #tpu.memory_space<vmem>>)
        tpu.yield
      }) : () -> ()
      "tpu.region"() ({
        %run_scoped3A = tpu.sem_alloc : memref<!tpu.dma_semaphore, #tpu.memory_space<semaphore_mem>>
        %dma_start3A_56 = tpu.memref_slice %arg4[%multiple_of3A] : memref<320000xi32, #tpu.memory_space<hbm>> -> memref<80xi32, #tpu.memory_space<hbm>>
        %dma_start3A_57 = tpu.memref_slice %arg4[%multiple_of3A] : memref<320000xi32, #tpu.memory_space<hbm>> -> memref<80xi32, #tpu.memory_space<hbm>>
        tpu.enqueue_dma source(%dma_start3A_57 : memref<80xi32, #tpu.memory_space<hbm>>) target(%arg9 : memref<80xi32, #tpu.memory_space<vmem>>) target_semaphore(%run_scoped3A : memref<!tpu.dma_semaphore, #tpu.memory_space<semaphore_mem>>)
        %dma_wait3A_58 = tpu.memref_slice %arg4[%multiple_of3A] : memref<320000xi32, #tpu.memory_space<hbm>> -> memref<80xi32, #tpu.memory_space<hbm>>
        %dma_wait3A_59 = tpu.memref_slice %arg4[%multiple_of3A] : memref<320000xi32, #tpu.memory_space<hbm>> -> memref<80xi32, #tpu.memory_space<hbm>>
        tpu.wait_dma2 semaphore(%run_scoped3A : memref<!tpu.dma_semaphore, #tpu.memory_space<semaphore_mem>>) src(%dma_wait3A_59 : memref<80xi32, #tpu.memory_space<hbm>>) dst(%arg9 : memref<80xi32, #tpu.memory_space<vmem>>)
        tpu.yield
      }) : () -> ()
      %dma_start3A = arith.constant 0 : i32
      %dma_start3A_36 = arith.constant 0 : i32
      %dma_start3A_37 = tpu.memref_slice %arg2[%dma_start3A, %dma_start3A_36] : memref<10000x128xf32, #tpu.memory_space<hbm>> -> memref<10000x128xf32, #tpu.memory_space<hbm>>
      tpu.enqueue_indirect_dma source(%dma_start3A_37 : memref<10000x128xf32, #tpu.memory_space<hbm>>) target(%arg10 : memref<80x128xf32, #tpu.memory_space<vmem>>) offsets(%arg8 : memref<80xi32, #tpu.memory_space<vmem>>) semaphore(%arg15 : memref<!tpu.dma_semaphore, #tpu.memory_space<semaphore_mem>>)
      %dma_start3A_38 = arith.constant 0 : i32
      %dma_start3A_39 = tpu.memref_slice %arg3[%multiple_of3A, %dma_start3A_38] : memref<320000x384xf32, #tpu.memory_space<hbm>> -> memref<80x128xf32, #tpu.memory_space<hbm>>
      %dma_start3A_40 = arith.constant 0 : i32
      %dma_start3A_41 = tpu.memref_slice %arg3[%multiple_of3A, %dma_start3A_40] : memref<320000x384xf32, #tpu.memory_space<hbm>> -> memref<80x128xf32, #tpu.memory_space<hbm>>
      tpu.enqueue_dma source(%dma_start3A_41 : memref<80x128xf32, #tpu.memory_space<hbm>>) target(%arg11 : memref<80x128xf32, #tpu.memory_space<vmem>>) target_semaphore(%arg15 : memref<!tpu.dma_semaphore, #tpu.memory_space<semaphore_mem>>)
      %dma_wait3A = arith.constant 0 : i32
      %dma_wait3A_42 = arith.constant 0 : i32
      %dma_wait3A_43 = tpu.memref_slice %arg2[%dma_wait3A, %dma_wait3A_42] : memref<10000x128xf32, #tpu.memory_space<hbm>> -> memref<10000x128xf32, #tpu.memory_space<hbm>>
      tpu.wait_indirect_dma semaphore(%arg15 : memref<!tpu.dma_semaphore, #tpu.memory_space<semaphore_mem>>) src(%dma_wait3A_43 : memref<10000x128xf32, #tpu.memory_space<hbm>>) dst(%arg10 : memref<80x128xf32, #tpu.memory_space<vmem>>)
      %dma_wait3A_44 = arith.constant 0 : i32
      %dma_wait3A_45 = tpu.memref_slice %arg3[%multiple_of3A, %dma_wait3A_44] : memref<320000x384xf32, #tpu.memory_space<hbm>> -> memref<80x128xf32, #tpu.memory_space<hbm>>
      %dma_wait3A_46 = arith.constant 0 : i32
      %dma_wait3A_47 = tpu.memref_slice %arg3[%multiple_of3A, %dma_wait3A_46] : memref<320000x384xf32, #tpu.memory_space<hbm>> -> memref<80x128xf32, #tpu.memory_space<hbm>>
      tpu.wait_dma2 semaphore(%arg15 : memref<!tpu.dma_semaphore, #tpu.memory_space<semaphore_mem>>) src(%dma_wait3A_47 : memref<80x128xf32, #tpu.memory_space<hbm>>) dst(%arg11 : memref<80x128xf32, #tpu.memory_space<vmem>>)
      %scan3A_48 = arith.constant 0 : i32
      %scan3A_49 = arith.constant 0 : i32
      %scan3A_50 = arith.constant 80 : i32
      %scan3A_51 = arith.addi %scan3A_49, %scan3A_50 : i32
      %scan3A_52 = arith.constant 1 : i32
      %scan3A_53 = scf.for %scan3A_56 = %scan3A_49 to %scan3A_51 step %scan3A_52 iter_args(%scan3A_57 = %scan3A_48) -> (i32)  : i32 {
        %get3A = arith.index_cast %scan3A_56 : i32 to index
        %get3A_58 = arith.constant 0 : index
        %get3A_59 = tpu.vector_load %arg10[%get3A, %get3A_58] {strides = array<i32>} : memref<80x128xf32, #tpu.memory_space<vmem>>, vector<1x16xf32>,
        %get3A_60 = vector.shape_cast %get3A_59 : vector<1x16xf32> to vector<16xf32>
        %get3A_61 = arith.index_cast %scan3A_56 : i32 to index
        %get3A_62 = arith.constant 0 : index
        %get3A_63 = tpu.vector_load %arg11[%get3A_61, %get3A_62] {strides = array<i32>} : memref<80x128xf32, #tpu.memory_space<vmem>>, vector<1x16xf32>,
        %get3A_64 = vector.shape_cast %get3A_63 : vector<1x16xf32> to vector<16xf32>
        %mul3A_65 = arith.mulf %get3A_60, %get3A_64 : vector<16xf32>
        %swap3A = arith.index_cast %scan3A_56 : i32 to index
        %swap3A_66 = arith.constant 0 : index
        %swap3A_67 = tpu.vector_load %arg12[%swap3A, %swap3A_66] {strides = array<i32>} : memref<80x128xf32, #tpu.memory_space<vmem>>, vector<1x16xf32>,
        %swap3A_68 = vector.shape_cast %swap3A_67 : vector<1x16xf32> to vector<16xf32>
        %swap3A_69 = vector.shape_cast %mul3A_65 : vector<16xf32> to vector<1x16xf32>
        tpu.vector_store %arg12[%swap3A, %swap3A_66], %swap3A_69 {strides = array<i32>} : memref<80x128xf32, #tpu.memory_space<vmem>>, vector<1x16xf32>,
        %get3A_70 = arith.index_cast %scan3A_56 : i32 to index
        %get3A_71 = arith.constant 16 : index
        %get3A_72 = tpu.vector_load %arg10[%get3A_70, %get3A_71] {strides = array<i32>} : memref<80x128xf32, #tpu.memory_space<vmem>>, vector<1x16xf32>,
        %get3A_73 = vector.shape_cast %get3A_72 : vector<1x16xf32> to vector<16xf32>
        %get3A_74 = arith.index_cast %scan3A_56 : i32 to index
        %get3A_75 = arith.constant 16 : index
        %get3A_76 = tpu.vector_load %arg11[%get3A_74, %get3A_75] {strides = array<i32>} : memref<80x128xf32, #tpu.memory_space<vmem>>, vector<1x16xf32>,
        %get3A_77 = vector.shape_cast %get3A_76 : vector<1x16xf32> to vector<16xf32>
        %mul3A_78 = arith.mulf %get3A_73, %get3A_77 : vector<16xf32>
        %swap3A_79 = arith.index_cast %scan3A_56 : i32 to index
        %swap3A_80 = arith.constant 16 : index
        %swap3A_81 = tpu.vector_load %arg12[%swap3A_79, %swap3A_80] {strides = array<i32>} : memref<80x128xf32, #tpu.memory_space<vmem>>, vector<1x16xf32>,
        %swap3A_82 = vector.shape_cast %swap3A_81 : vector<1x16xf32> to vector<16xf32>
        %swap3A_83 = vector.shape_cast %mul3A_78 : vector<16xf32> to vector<1x16xf32>
        tpu.vector_store %arg12[%swap3A_79, %swap3A_80], %swap3A_83 {strides = array<i32>} : memref<80x128xf32, #tpu.memory_space<vmem>>, vector<1x16xf32>,
        %get3A_84 = arith.index_cast %scan3A_56 : i32 to index
        %get3A_85 = arith.constant 32 : index
        %get3A_86 = tpu.vector_load %arg10[%get3A_84, %get3A_85] {strides = array<i32>} : memref<80x128xf32, #tpu.memory_space<vmem>>, vector<1x16xf32>,
        %get3A_87 = vector.shape_cast %get3A_86 : vector<1x16xf32> to vector<16xf32>
        %get3A_88 = arith.index_cast %scan3A_56 : i32 to index
        %get3A_89 = arith.constant 32 : index
        %get3A_90 = tpu.vector_load %arg11[%get3A_88, %get3A_89] {strides = array<i32>} : memref<80x128xf32, #tpu.memory_space<vmem>>, vector<1x16xf32>,
        %get3A_91 = vector.shape_cast %get3A_90 : vector<1x16xf32> to vector<16xf32>
        %mul3A_92 = arith.mulf %get3A_87, %get3A_91 : vector<16xf32>
        %swap3A_93 = arith.index_cast %scan3A_56 : i32 to index
        %swap3A_94 = arith.constant 32 : index
        %swap3A_95 = tpu.vector_load %arg12[%swap3A_93, %swap3A_94] {strides = array<i32>} : memref<80x128xf32, #tpu.memory_space<vmem>>, vector<1x16xf32>,
        %swap3A_96 = vector.shape_cast %swap3A_95 : vector<1x16xf32> to vector<16xf32>
        %swap3A_97 = vector.shape_cast %mul3A_92 : vector<16xf32> to vector<1x16xf32>
        tpu.vector_store %arg12[%swap3A_93, %swap3A_94], %swap3A_97 {strides = array<i32>} : memref<80x128xf32, #tpu.memory_space<vmem>>, vector<1x16xf32>,
        %get3A_98 = arith.index_cast %scan3A_56 : i32 to index
        %get3A_99 = arith.constant 48 : index
        %get3A_100 = tpu.vector_load %arg10[%get3A_98, %get3A_99] {strides = array<i32>} : memref<80x128xf32, #tpu.memory_space<vmem>>, vector<1x16xf32>,
        %get3A_101 = vector.shape_cast %get3A_100 : vector<1x16xf32> to vector<16xf32>
        %get3A_102 = arith.index_cast %scan3A_56 : i32 to index
        %get3A_103 = arith.constant 48 : index
        %get3A_104 = tpu.vector_load %arg11[%get3A_102, %get3A_103] {strides = array<i32>} : memref<80x128xf32, #tpu.memory_space<vmem>>, vector<1x16xf32>,
        %get3A_105 = vector.shape_cast %get3A_104 : vector<1x16xf32> to vector<16xf32>
        %mul3A_106 = arith.mulf %get3A_101, %get3A_105 : vector<16xf32>
        %swap3A_107 = arith.index_cast %scan3A_56 : i32 to index
        %swap3A_108 = arith.constant 48 : index
        %swap3A_109 = tpu.vector_load %arg12[%swap3A_107, %swap3A_108] {strides = array<i32>} : memref<80x128xf32, #tpu.memory_space<vmem>>, vector<1x16xf32>,
        %swap3A_110 = vector.shape_cast %swap3A_109 : vector<1x16xf32> to vector<16xf32>
        %swap3A_111 = vector.shape_cast %mul3A_106 : vector<16xf32> to vector<1x16xf32>
        tpu.vector_store %arg12[%swap3A_107, %swap3A_108], %swap3A_111 {strides = array<i32>} : memref<80x128xf32, #tpu.memory_space<vmem>>, vector<1x16xf32>,
        %get3A_112 = arith.index_cast %scan3A_56 : i32 to index
        %get3A_113 = arith.constant 64 : index
        %get3A_114 = tpu.vector_load %arg10[%get3A_112, %get3A_113] {strides = array<i32>} : memref<80x128xf32, #tpu.memory_space<vmem>>, vector<1x16xf32>,
        %get3A_115 = vector.shape_cast %get3A_114 : vector<1x16xf32> to vector<16xf32>
        %get3A_116 = arith.index_cast %scan3A_56 : i32 to index
        %get3A_117 = arith.constant 64 : index
        %get3A_118 = tpu.vector_load %arg11[%get3A_116, %get3A_117] {strides = array<i32>} : memref<80x128xf32, #tpu.memory_space<vmem>>, vector<1x16xf32>,
        %get3A_119 = vector.shape_cast %get3A_118 : vector<1x16xf32> to vector<16xf32>
        %mul3A_120 = arith.mulf %get3A_115, %get3A_119 : vector<16xf32>
        %swap3A_121 = arith.index_cast %scan3A_56 : i32 to index
        %swap3A_122 = arith.constant 64 : index
        %swap3A_123 = tpu.vector_load %arg12[%swap3A_121, %swap3A_122] {strides = array<i32>} : memref<80x128xf32, #tpu.memory_space<vmem>>, vector<1x16xf32>,
        %swap3A_124 = vector.shape_cast %swap3A_123 : vector<1x16xf32> to vector<16xf32>
        %swap3A_125 = vector.shape_cast %mul3A_120 : vector<16xf32> to vector<1x16xf32>
        tpu.vector_store %arg12[%swap3A_121, %swap3A_122], %swap3A_125 {strides = array<i32>} : memref<80x128xf32, #tpu.memory_space<vmem>>, vector<1x16xf32>,
        %get3A_126 = arith.index_cast %scan3A_56 : i32 to index
        %get3A_127 = arith.constant 80 : index
        %get3A_128 = tpu.vector_load %arg10[%get3A_126, %get3A_127] {strides = array<i32>} : memref<80x128xf32, #tpu.memory_space<vmem>>, vector<1x16xf32>,
        %get3A_129 = vector.shape_cast %get3A_128 : vector<1x16xf32> to vector<16xf32>
        %get3A_130 = arith.index_cast %scan3A_56 : i32 to index
        %get3A_131 = arith.constant 80 : index
        %get3A_132 = tpu.vector_load %arg11[%get3A_130, %get3A_131] {strides = array<i32>} : memref<80x128xf32, #tpu.memory_space<vmem>>, vector<1x16xf32>,
        %get3A_133 = vector.shape_cast %get3A_132 : vector<1x16xf32> to vector<16xf32>
        %mul3A_134 = arith.mulf %get3A_129, %get3A_133 : vector<16xf32>
        %swap3A_135 = arith.index_cast %scan3A_56 : i32 to index
        %swap3A_136 = arith.constant 80 : index
        %swap3A_137 = tpu.vector_load %arg12[%swap3A_135, %swap3A_136] {strides = array<i32>} : memref<80x128xf32, #tpu.memory_space<vmem>>, vector<1x16xf32>,
        %swap3A_138 = vector.shape_cast %swap3A_137 : vector<1x16xf32> to vector<16xf32>
        %swap3A_139 = vector.shape_cast %mul3A_134 : vector<16xf32> to vector<1x16xf32>
        tpu.vector_store %arg12[%swap3A_135, %swap3A_136], %swap3A_139 {strides = array<i32>} : memref<80x128xf32, #tpu.memory_space<vmem>>, vector<1x16xf32>,
        %get3A_140 = arith.index_cast %scan3A_56 : i32 to index
        %get3A_141 = arith.constant 96 : index
        %get3A_142 = tpu.vector_load %arg10[%get3A_140, %get3A_141] {strides = array<i32>} : memref<80x128xf32, #tpu.memory_space<vmem>>, vector<1x16xf32>,
        %get3A_143 = vector.shape_cast %get3A_142 : vector<1x16xf32> to vector<16xf32>
        %get3A_144 = arith.index_cast %scan3A_56 : i32 to index
        %get3A_145 = arith.constant 96 : index
        %get3A_146 = tpu.vector_load %arg11[%get3A_144, %get3A_145] {strides = array<i32>} : memref<80x128xf32, #tpu.memory_space<vmem>>, vector<1x16xf32>,
        %get3A_147 = vector.shape_cast %get3A_146 : vector<1x16xf32> to vector<16xf32>
        %mul3A_148 = arith.mulf %get3A_143, %get3A_147 : vector<16xf32>
        %swap3A_149 = arith.index_cast %scan3A_56 : i32 to index
        %swap3A_150 = arith.constant 96 : index
        %swap3A_151 = tpu.vector_load %arg12[%swap3A_149, %swap3A_150] {strides = array<i32>} : memref<80x128xf32, #tpu.memory_space<vmem>>, vector<1x16xf32>,
        %swap3A_152 = vector.shape_cast %swap3A_151 : vector<1x16xf32> to vector<16xf32>
        %swap3A_153 = vector.shape_cast %mul3A_148 : vector<16xf32> to vector<1x16xf32>
        tpu.vector_store %arg12[%swap3A_149, %swap3A_150], %swap3A_153 {strides = array<i32>} : memref<80x128xf32, #tpu.memory_space<vmem>>, vector<1x16xf32>,
        %get3A_154 = arith.index_cast %scan3A_56 : i32 to index
        %get3A_155 = arith.constant 112 : index
        %get3A_156 = tpu.vector_load %arg10[%get3A_154, %get3A_155] {strides = array<i32>} : memref<80x128xf32, #tpu.memory_space<vmem>>, vector<1x16xf32>,
        %get3A_157 = vector.shape_cast %get3A_156 : vector<1x16xf32> to vector<16xf32>
        %get3A_158 = arith.index_cast %scan3A_56 : i32 to index
        %get3A_159 = arith.constant 112 : index
        %get3A_160 = tpu.vector_load %arg11[%get3A_158, %get3A_159] {strides = array<i32>} : memref<80x128xf32, #tpu.memory_space<vmem>>, vector<1x16xf32>,
        %get3A_161 = vector.shape_cast %get3A_160 : vector<1x16xf32> to vector<16xf32>
        %mul3A_162 = arith.mulf %get3A_157, %get3A_161 : vector<16xf32>
        %swap3A_163 = arith.index_cast %scan3A_56 : i32 to index
        %swap3A_164 = arith.constant 112 : index
        %swap3A_165 = tpu.vector_load %arg12[%swap3A_163, %swap3A_164] {strides = array<i32>} : memref<80x128xf32, #tpu.memory_space<vmem>>, vector<1x16xf32>,
        %swap3A_166 = vector.shape_cast %swap3A_165 : vector<1x16xf32> to vector<16xf32>
        %swap3A_167 = vector.shape_cast %mul3A_162 : vector<16xf32> to vector<1x16xf32>
        tpu.vector_store %arg12[%swap3A_163, %swap3A_164], %swap3A_167 {strides = array<i32>} : memref<80x128xf32, #tpu.memory_space<vmem>>, vector<1x16xf32>,
        %scan3A_168 = arith.constant 0 : i32
        scf.yield %scan3A_168 : i32
      }
      %scan3A_54 = arith.constant 80 : i32
      "tpu.region"() ({
        %run_scoped3A = tpu.sem_alloc : memref<!tpu.dma_semaphore, #tpu.memory_space<semaphore_mem>>
        %dma_start3A_56 = arith.constant 0 : i32
        %dma_start3A_57 = arith.constant 0 : i32
        %dma_start3A_58 = tpu.memref_slice %arg14[%dma_start3A_56, %dma_start3A_57] : memref<10008x128xf32, #tpu.memory_space<vmem_shared>> -> memref<10008x128xf32, #tpu.memory_space<vmem_shared>>
        tpu.enqueue_indirect_dma source(%arg12 : memref<80x128xf32, #tpu.memory_space<vmem>>) target(%dma_start3A_58 : memref<10008x128xf32, #tpu.memory_space<vmem_shared>>) offsets(%arg9 : memref<80xi32, #tpu.memory_space<vmem>>) semaphore(%run_scoped3A : memref<!tpu.dma_semaphore, #tpu.memory_space<semaphore_mem>>) {add = true}
        %dma_wait3A_59 = arith.constant 0 : i32
        %dma_wait3A_60 = arith.constant 0 : i32
        %dma_wait3A_61 = tpu.memref_slice %arg14[%dma_wait3A_59, %dma_wait3A_60] : memref<10008x128xf32, #tpu.memory_space<vmem_shared>> -> memref<10008x128xf32, #tpu.memory_space<vmem_shared>>
        tpu.wait_indirect_dma semaphore(%run_scoped3A : memref<!tpu.dma_semaphore, #tpu.memory_space<semaphore_mem>>) src(%arg12 : memref<80x128xf32, #tpu.memory_space<vmem>>) dst(%dma_wait3A_61 : memref<10008x128xf32, #tpu.memory_space<vmem_shared>>)
        tpu.yield
      }) : () -> ()
      %scan3A_55 = arith.constant 0 : i32
      scf.yield %scan3A_55 : i32
    }
    %scan3A_19 = arith.constant 125 : i32
    %barrier3A_20 = arith.constant 0 : index
    tpu.barrier barrier_id(%barrier3A_20)
    %scan3A_21 = arith.constant 0 : i32
    %scan3A_22 = arith.constant 0 : i32
    %scan3A_23 = arith.constant 16 : i32
    %scan3A_24 = arith.addi %scan3A_22, %scan3A_23 : i32
    %scan3A_25 = arith.constant 1 : i32
    %scan3A_26 = scf.for %scan3A_28 = %scan3A_22 to %scan3A_24 step %scan3A_25 iter_args(%scan3A_29 = %scan3A_21) -> (i32)  : i32 {
      %mul3A = arith.constant 16 : i32
      %mul3A_30 = arith.muli %scan3A_28, %mul3A : i32
      %add3A = arith.addi %mul3A_30, %arg1 : i32
      %lt3A = arith.constant 250 : i32
      %lt3A_31 = arith.cmpi slt, %add3A, %lt3A : i32
      %convert_element_type3A = arith.extui %lt3A_31 : i1 to i32
      %cond3A = arith.constant 0 : i32
      %cond3A_32 = arith.cmpi ne, %convert_element_type3A, %cond3A : i32
      scf.if %cond3A_32 {
        %mul3A_34 = arith.constant 40 : i32
        %mul3A_35 = arith.muli %add3A, %mul3A_34 : i32
        %multiple_of3A = tpu.assume_multiple %mul3A_35, 8 : i32
        %eq3A = arith.constant 0 : i32
        %eq3A_36 = arith.cmpi eq, %arg0, %eq3A : i32
        %convert_element_type3A_37 = arith.extui %eq3A_36 : i1 to i32
        %cond3A_38 = arith.constant 0 : i32
        %cond3A_39 = arith.cmpi ne, %convert_element_type3A_37, %cond3A_38 : i32
        scf.if %cond3A_39 {
          "tpu.region"() ({
            %run_scoped3A = tpu.sem_alloc : memref<!tpu.dma_semaphore, #tpu.memory_space<semaphore_mem>>
            %dma_start3A = arith.constant 0 : i32
            %dma_start3A_45 = tpu.memref_slice %arg6[%multiple_of3A, %dma_start3A] : memref<10000x128xf32, #tpu.memory_space<hbm>> -> memref<40x128xf32, #tpu.memory_space<hbm>>
            %dma_start3A_46 = arith.constant 0 : i32
            %dma_start3A_47 = tpu.memref_slice %arg14[%multiple_of3A, %dma_start3A_46] : memref<10008x128xf32, #tpu.memory_space<vmem_shared>> -> memref<40x128xf32, #tpu.memory_space<vmem_shared>>
            tpu.enqueue_dma source(%dma_start3A_47 : memref<40x128xf32, #tpu.memory_space<vmem_shared>>) target(%dma_start3A_45 : memref<40x128xf32, #tpu.memory_space<hbm>>) target_semaphore(%run_scoped3A : memref<!tpu.dma_semaphore, #tpu.memory_space<semaphore_mem>>)
            %dma_wait3A = arith.constant 0 : i32
            %dma_wait3A_48 = tpu.memref_slice %arg6[%multiple_of3A, %dma_wait3A] : memref<10000x128xf32, #tpu.memory_space<hbm>> -> memref<40x128xf32, #tpu.memory_space<hbm>>
            %dma_wait3A_49 = arith.constant 0 : i32
            %dma_wait3A_50 = tpu.memref_slice %arg14[%multiple_of3A, %dma_wait3A_49] : memref<10008x128xf32, #tpu.memory_space<vmem_shared>> -> memref<40x128xf32, #tpu.memory_space<vmem_shared>>
            tpu.wait_dma2 semaphore(%run_scoped3A : memref<!tpu.dma_semaphore, #tpu.memory_space<semaphore_mem>>) src(%dma_wait3A_50 : memref<40x128xf32, #tpu.memory_space<vmem_shared>>) dst(%dma_wait3A_48 : memref<40x128xf32, #tpu.memory_space<hbm>>)
            tpu.yield
          }) : () -> ()
        } else {
        }
        %eq3A_40 = arith.constant 1 : i32
        %eq3A_41 = arith.cmpi eq, %arg0, %eq3A_40 : i32
        %convert_element_type3A_42 = arith.extui %eq3A_41 : i1 to i32
        %cond3A_43 = arith.constant 0 : i32
        %cond3A_44 = arith.cmpi ne, %convert_element_type3A_42, %cond3A_43 : i32
        scf.if %cond3A_44 {
          "tpu.region"() ({
            %run_scoped3A = tpu.sem_alloc : memref<!tpu.dma_semaphore, #tpu.memory_space<semaphore_mem>>
            %dma_start3A = arith.constant 0 : i32
            %dma_start3A_45 = tpu.memref_slice %arg7[%multiple_of3A, %dma_start3A] : memref<10000x128xf32, #tpu.memory_space<hbm>> -> memref<40x128xf32, #tpu.memory_space<hbm>>
            %dma_start3A_46 = arith.constant 0 : i32
            %dma_start3A_47 = tpu.memref_slice %arg14[%multiple_of3A, %dma_start3A_46] : memref<10008x128xf32, #tpu.memory_space<vmem_shared>> -> memref<40x128xf32, #tpu.memory_space<vmem_shared>>
            tpu.enqueue_dma source(%dma_start3A_47 : memref<40x128xf32, #tpu.memory_space<vmem_shared>>) target(%dma_start3A_45 : memref<40x128xf32, #tpu.memory_space<hbm>>) target_semaphore(%run_scoped3A : memref<!tpu.dma_semaphore, #tpu.memory_space<semaphore_mem>>)
            %dma_wait3A = arith.constant 0 : i32
            %dma_wait3A_48 = tpu.memref_slice %arg7[%multiple_of3A, %dma_wait3A] : memref<10000x128xf32, #tpu.memory_space<hbm>> -> memref<40x128xf32, #tpu.memory_space<hbm>>
            %dma_wait3A_49 = arith.constant 0 : i32
            %dma_wait3A_50 = tpu.memref_slice %arg14[%multiple_of3A, %dma_wait3A_49] : memref<10008x128xf32, #tpu.memory_space<vmem_shared>> -> memref<40x128xf32, #tpu.memory_space<vmem_shared>>
            tpu.wait_dma2 semaphore(%run_scoped3A : memref<!tpu.dma_semaphore, #tpu.memory_space<semaphore_mem>>) src(%dma_wait3A_50 : memref<40x128xf32, #tpu.memory_space<vmem_shared>>) dst(%dma_wait3A_48 : memref<40x128xf32, #tpu.memory_space<hbm>>)
            tpu.yield
          }) : () -> ()
        } else {
        }
      } else {
      }
      %scan3A_33 = arith.constant 0 : i32
      scf.yield %scan3A_33 : i32
    }
    %scan3A_27 = arith.constant 16 : i32
    return
  }
}

module attributes {stable_mosaic.version = 14 : i64} {
  func.func @_mlp_body(%arg0: i32, %arg1: memref<2000x128xf32, #tpu.memory_space<vmem>>, %arg2: memref<128x128xf32, #tpu.memory_space<vmem>>, %arg3: memref<1x128xf32, #tpu.memory_space<vmem>>, %arg4: memref<128x384xf32, #tpu.memory_space<vmem>>, %arg5: memref<1x384xf32, #tpu.memory_space<vmem>>, %arg6: memref<2000x128xf32, #tpu.memory_space<vmem>>, %arg7: memref<2000x256xf32, #tpu.memory_space<vmem>>) attributes {dimension_semantics = [#tpu.dimension_semantics<arbitrary>], iteration_bounds = array<i64: 5>, scalar_prefetch = 0 : i64, scratch_operands = 0 : i64, tpu.core_type = #tpu.core_type<tc>, window_params = [{transform_indices = @transform_0, window_bounds = array<i64: 2000, 128>}, {pipeline_mode = #tpu.pipeline_mode<synchronous>, transform_indices = @transform_1, window_bounds = array<i64: 128, 128>}, {pipeline_mode = #tpu.pipeline_mode<synchronous>, transform_indices = @transform_2, window_bounds = array<i64: 1, 128>}, {pipeline_mode = #tpu.pipeline_mode<synchronous>, transform_indices = @transform_3, window_bounds = array<i64: 128, 384>}, {pipeline_mode = #tpu.pipeline_mode<synchronous>, transform_indices = @transform_4, window_bounds = array<i64: 1, 384>}, {transform_indices = @transform_5, window_bounds = array<i64: 2000, 128>}, {transform_indices = @transform_6, window_bounds = array<i64: 2000, 256>}]} {
    %get3A = arith.constant 0 : index
    %get3A_0 = arith.constant 0 : index
    %get3A_1 = vector.load %arg1[%get3A, %get3A_0] : memref<2000x128xf32, #tpu.memory_space<vmem>>, vector<2000x128xf32>
    %get3A_2 = arith.constant 0 : index
    %get3A_3 = arith.constant 0 : index
    %get3A_4 = vector.load %arg2[%get3A_2, %get3A_3] : memref<128x128xf32, #tpu.memory_space<vmem>>, vector<128x128xf32>
    %dot_general3A = arith.constant dense<0.000000e+00> : vector<2000x128xf32>
    %dot_general3A_5 = tpu.matmul %get3A_1, %get3A_4, %dot_general3A {dimension_numbers = #tpu.dot_dimension_numbers<[1], [0], [0], [1], [0, 0, 1, 1], [], []>, transpose_lhs_hint = false} : vector<2000x128xf32>, vector<128x128xf32>, vector<2000x128xf32> -> vector<2000x128xf32>
    %get3A_6 = arith.constant 0 : index
    %get3A_7 = arith.constant 0 : index
    %get3A_8 = vector.load %arg3[%get3A_6, %get3A_7] : memref<1x128xf32, #tpu.memory_space<vmem>>, vector<1x128xf32>
    %add3A = vector.broadcast %get3A_8 : vector<1x128xf32> to vector<2000x128xf32>
    %add3A_9 = arith.addf %dot_general3A_5, %add3A : vector<2000x128xf32>
    %logistic3A = arith.negf %add3A_9 : vector<2000x128xf32>
    %logistic3A_10 = math.exp %logistic3A : vector<2000x128xf32>
    %logistic3A_11 = arith.constant 1.000000e+00 : f32
    %logistic3A_12 = vector.broadcast %logistic3A_11 : f32 to vector<2000x128xf32>
    %logistic3A_13 = arith.addf %logistic3A_12, %logistic3A_10 : vector<2000x128xf32>
    %logistic3A_14 = arith.divf %logistic3A_12, %logistic3A_13 : vector<2000x128xf32>
    %mul3A = arith.mulf %add3A_9, %logistic3A_14 : vector<2000x128xf32>
    %get3A_15 = arith.constant 0 : index
    %get3A_16 = arith.constant 0 : index
    %get3A_17 = vector.load %arg4[%get3A_15, %get3A_16] : memref<128x384xf32, #tpu.memory_space<vmem>>, vector<128x384xf32>
    %dot_general3A_18 = arith.constant dense<0.000000e+00> : vector<2000x384xf32>
    %dot_general3A_19 = tpu.matmul %mul3A, %get3A_17, %dot_general3A_18 {dimension_numbers = #tpu.dot_dimension_numbers<[1], [0], [0], [1], [0, 0, 1, 1], [], []>, transpose_lhs_hint = false} : vector<2000x128xf32>, vector<128x384xf32>, vector<2000x384xf32> -> vector<2000x384xf32>
    %get3A_20 = arith.constant 0 : index
    %get3A_21 = arith.constant 0 : index
    %get3A_22 = vector.load %arg5[%get3A_20, %get3A_21] : memref<1x384xf32, #tpu.memory_space<vmem>>, vector<1x384xf32>
    %add3A_23 = vector.broadcast %get3A_22 : vector<1x384xf32> to vector<2000x384xf32>
    %add3A_24 = arith.addf %dot_general3A_19, %add3A_23 : vector<2000x384xf32>
    %slice3A = vector.extract_strided_slice %add3A_24 {offsets = [0, 0], sizes = [2000, 128], strides = [1, 1]} : vector<2000x384xf32> to vector<2000x128xf32>
    %swap3A = arith.constant 0 : index
    %swap3A_25 = arith.constant 0 : index
    %swap3A_26 = vector.load %arg6[%swap3A, %swap3A_25] : memref<2000x128xf32, #tpu.memory_space<vmem>>, vector<2000x128xf32>
    tpu.vector_store %arg6[%swap3A, %swap3A_25], %slice3A {strides = array<i32>} : memref<2000x128xf32, #tpu.memory_space<vmem>>, vector<2000x128xf32>,
    %slice3A_27 = vector.extract_strided_slice %add3A_24 {offsets = [0, 128], sizes = [2000, 256], strides = [1, 1]} : vector<2000x384xf32> to vector<2000x256xf32>
    %swap3A_28 = arith.constant 0 : index
    %swap3A_29 = arith.constant 0 : index
    %swap3A_30 = vector.load %arg7[%swap3A_28, %swap3A_29] : memref<2000x256xf32, #tpu.memory_space<vmem>>, vector<2000x256xf32>
    tpu.vector_store %arg7[%swap3A_28, %swap3A_29], %slice3A_27 {strides = array<i32>} : memref<2000x256xf32, #tpu.memory_space<vmem>>, vector<2000x256xf32>,
    return
  }
  func.func @transform_0(%arg0: i32) -> (i32, i32) {
    %c0_i32 = arith.constant 0 : i32
    %c0_i32_0 = arith.constant 0 : i32
    return %arg0, %c0_i32 : i32, i32
  }
  func.func @transform_1(%arg0: i32) -> (i32, i32) {
    %c0_i32 = arith.constant 0 : i32
    %c0_i32_0 = arith.constant 0 : i32
    %c0_i32_1 = arith.constant 0 : i32
    return %c0_i32, %c0_i32_0 : i32, i32
  }
  func.func @transform_2(%arg0: i32) -> (i32, i32) {
    %c0_i32 = arith.constant 0 : i32
    %c0_i32_0 = arith.constant 0 : i32
    %c0_i32_1 = arith.constant 0 : i32
    return %c0_i32, %c0_i32_0 : i32, i32
  }
  func.func @transform_3(%arg0: i32) -> (i32, i32) {
    %c0_i32 = arith.constant 0 : i32
    %c0_i32_0 = arith.constant 0 : i32
    %c0_i32_1 = arith.constant 0 : i32
    return %c0_i32, %c0_i32_0 : i32, i32
  }
  func.func @transform_4(%arg0: i32) -> (i32, i32) {
    %c0_i32 = arith.constant 0 : i32
    %c0_i32_0 = arith.constant 0 : i32
    %c0_i32_1 = arith.constant 0 : i32
    return %c0_i32, %c0_i32_0 : i32, i32
  }
  func.func @transform_5(%arg0: i32) -> (i32, i32) {
    %c0_i32 = arith.constant 0 : i32
    %c0_i32_0 = arith.constant 0 : i32
    return %arg0, %c0_i32 : i32, i32
  }
  func.func @transform_6(%arg0: i32) -> (i32, i32) {
    %c0_i32 = arith.constant 0 : i32
    %c0_i32_0 = arith.constant 0 : i32
    return %arg0, %c0_i32 : i32, i32
  }
}

module attributes {stable_mosaic.version = 14 : i64} {
  func.func @_epilogue_body(%arg0: i32, %arg1: memref<2000x128xf32, #tpu.memory_space<vmem>>, %arg2: memref<2000x384xf32, #tpu.memory_space<vmem>>, %arg3: memref<2000x128xf32, #tpu.memory_space<vmem>>, %arg4: memref<2000x128xf32, #tpu.memory_space<vmem>>, %arg5: memref<2000x128xf32, #tpu.memory_space<vmem>>, %arg6: memref<2000x128xf32, #tpu.memory_space<vmem>>, %arg7: memref<2000x128xf32, #tpu.memory_space<vmem>>, %arg8: memref<2000x128xf32, #tpu.memory_space<vmem>>, %arg9: memref<2000x128xf32, #tpu.memory_space<vmem>>, %arg10: memref<2000x128xf32, #tpu.memory_space<vmem>>, %arg11: memref<2000x128xf32, #tpu.memory_space<vmem>>, %arg12: memref<2000x384xf32, #tpu.memory_space<vmem>>) attributes {dimension_semantics = [#tpu.dimension_semantics<arbitrary>], iteration_bounds = array<i64: 5>, scalar_prefetch = 0 : i64, scratch_operands = 0 : i64, tpu.core_type = #tpu.core_type<tc>, window_params = [{transform_indices = @transform_0, window_bounds = array<i64: 2000, 128>}, {transform_indices = @transform_1, window_bounds = array<i64: 2000, 384>}, {transform_indices = @transform_2, window_bounds = array<i64: 2000, 128>}, {transform_indices = @transform_3, window_bounds = array<i64: 2000, 128>}, {transform_indices = @transform_4, window_bounds = array<i64: 2000, 128>}, {transform_indices = @transform_5, window_bounds = array<i64: 2000, 128>}, {transform_indices = @transform_6, window_bounds = array<i64: 2000, 128>}, {transform_indices = @transform_7, window_bounds = array<i64: 2000, 128>}, {transform_indices = @transform_8, window_bounds = array<i64: 2000, 128>}, {transform_indices = @transform_9, window_bounds = array<i64: 2000, 128>}, {transform_indices = @transform_10, window_bounds = array<i64: 2000, 128>}, {transform_indices = @transform_11, window_bounds = array<i64: 2000, 384>}]} {
    %get3A = arith.constant 0 : index
    %get3A_0 = arith.constant 0 : index
    %get3A_1 = vector.load %arg1[%get3A, %get3A_0] : memref<2000x128xf32, #tpu.memory_space<vmem>>, vector<2000x128xf32>
    %get3A_2 = arith.constant 0 : index
    %get3A_3 = arith.constant 0 : index
    %get3A_4 = vector.load %arg3[%get3A_2, %get3A_3] : memref<2000x128xf32, #tpu.memory_space<vmem>>, vector<2000x128xf32>
    %add3A = arith.addf %get3A_1, %get3A_4 : vector<2000x128xf32>
    %get3A_5 = arith.constant 0 : index
    %get3A_6 = arith.constant 0 : index
    %get3A_7 = vector.load %arg4[%get3A_5, %get3A_6] : memref<2000x128xf32, #tpu.memory_space<vmem>>, vector<2000x128xf32>
    %add3A_8 = arith.addf %add3A, %get3A_7 : vector<2000x128xf32>
    %swap3A = arith.constant 0 : index
    %swap3A_9 = arith.constant 0 : index
    %swap3A_10 = vector.load %arg11[%swap3A, %swap3A_9] : memref<2000x128xf32, #tpu.memory_space<vmem>>, vector<2000x128xf32>
    tpu.vector_store %arg11[%swap3A, %swap3A_9], %add3A_8 {strides = array<i32>} : memref<2000x128xf32, #tpu.memory_space<vmem>>, vector<2000x128xf32>,
    %get3A_11 = arith.constant 0 : index
    %get3A_12 = arith.constant 0 : index
    %get3A_13 = vector.load %arg2[%get3A_11, %get3A_12] : memref<2000x384xf32, #tpu.memory_space<vmem>>, vector<2000x128xf32>
    %get3A_14 = arith.constant 0 : index
    %get3A_15 = arith.constant 0 : index
    %get3A_16 = vector.load %arg5[%get3A_14, %get3A_15] : memref<2000x128xf32, #tpu.memory_space<vmem>>, vector<2000x128xf32>
    %add3A_17 = arith.addf %get3A_13, %get3A_16 : vector<2000x128xf32>
    %get3A_18 = arith.constant 0 : index
    %get3A_19 = arith.constant 0 : index
    %get3A_20 = vector.load %arg8[%get3A_18, %get3A_19] : memref<2000x128xf32, #tpu.memory_space<vmem>>, vector<2000x128xf32>
    %add3A_21 = arith.addf %add3A_17, %get3A_20 : vector<2000x128xf32>
    %swap3A_22 = arith.constant 0 : index
    %swap3A_23 = arith.constant 0 : index
    %swap3A_24 = vector.load %arg12[%swap3A_22, %swap3A_23] : memref<2000x384xf32, #tpu.memory_space<vmem>>, vector<2000x128xf32>
    tpu.vector_store %arg12[%swap3A_22, %swap3A_23], %add3A_21 {strides = array<i32>} : memref<2000x384xf32, #tpu.memory_space<vmem>>, vector<2000x128xf32>,
    %get3A_25 = arith.constant 0 : index
    %get3A_26 = arith.constant 128 : index
    %get3A_27 = vector.load %arg2[%get3A_25, %get3A_26] : memref<2000x384xf32, #tpu.memory_space<vmem>>, vector<2000x128xf32>
    %get3A_28 = arith.constant 0 : index
    %get3A_29 = arith.constant 0 : index
    %get3A_30 = vector.load %arg6[%get3A_28, %get3A_29] : memref<2000x128xf32, #tpu.memory_space<vmem>>, vector<2000x128xf32>
    %add3A_31 = arith.addf %get3A_27, %get3A_30 : vector<2000x128xf32>
    %get3A_32 = arith.constant 0 : index
    %get3A_33 = arith.constant 0 : index
    %get3A_34 = vector.load %arg9[%get3A_32, %get3A_33] : memref<2000x128xf32, #tpu.memory_space<vmem>>, vector<2000x128xf32>
    %add3A_35 = arith.addf %add3A_31, %get3A_34 : vector<2000x128xf32>
    %swap3A_36 = arith.constant 0 : index
    %swap3A_37 = arith.constant 128 : index
    %swap3A_38 = vector.load %arg12[%swap3A_36, %swap3A_37] : memref<2000x384xf32, #tpu.memory_space<vmem>>, vector<2000x128xf32>
    tpu.vector_store %arg12[%swap3A_36, %swap3A_37], %add3A_35 {strides = array<i32>} : memref<2000x384xf32, #tpu.memory_space<vmem>>, vector<2000x128xf32>,
    %get3A_39 = arith.constant 0 : index
    %get3A_40 = arith.constant 256 : index
    %get3A_41 = vector.load %arg2[%get3A_39, %get3A_40] : memref<2000x384xf32, #tpu.memory_space<vmem>>, vector<2000x128xf32>
    %get3A_42 = arith.constant 0 : index
    %get3A_43 = arith.constant 0 : index
    %get3A_44 = vector.load %arg7[%get3A_42, %get3A_43] : memref<2000x128xf32, #tpu.memory_space<vmem>>, vector<2000x128xf32>
    %add3A_45 = arith.addf %get3A_41, %get3A_44 : vector<2000x128xf32>
    %get3A_46 = arith.constant 0 : index
    %get3A_47 = arith.constant 0 : index
    %get3A_48 = vector.load %arg10[%get3A_46, %get3A_47] : memref<2000x128xf32, #tpu.memory_space<vmem>>, vector<2000x128xf32>
    %add3A_49 = arith.addf %add3A_45, %get3A_48 : vector<2000x128xf32>
    %swap3A_50 = arith.constant 0 : index
    %swap3A_51 = arith.constant 256 : index
    %swap3A_52 = vector.load %arg12[%swap3A_50, %swap3A_51] : memref<2000x384xf32, #tpu.memory_space<vmem>>, vector<2000x128xf32>
    tpu.vector_store %arg12[%swap3A_50, %swap3A_51], %add3A_49 {strides = array<i32>} : memref<2000x384xf32, #tpu.memory_space<vmem>>, vector<2000x128xf32>,
    return
  }
  func.func @transform_0(%arg0: i32) -> (i32, i32) {
    %c0_i32 = arith.constant 0 : i32
    %c0_i32_0 = arith.constant 0 : i32
    return %arg0, %c0_i32 : i32, i32
  }
  func.func @transform_1(%arg0: i32) -> (i32, i32) {
    %c0_i32 = arith.constant 0 : i32
    %c0_i32_0 = arith.constant 0 : i32
    return %arg0, %c0_i32 : i32, i32
  }
  func.func @transform_2(%arg0: i32) -> (i32, i32) {
    %c0_i32 = arith.constant 0 : i32
    %c0_i32_0 = arith.constant 0 : i32
    return %arg0, %c0_i32 : i32, i32
  }
  func.func @transform_3(%arg0: i32) -> (i32, i32) {
    %c0_i32 = arith.constant 0 : i32
    %c0_i32_0 = arith.constant 0 : i32
    return %arg0, %c0_i32 : i32, i32
  }
  func.func @transform_4(%arg0: i32) -> (i32, i32) {
    %c0_i32 = arith.constant 0 : i32
    %c0_i32_0 = arith.constant 0 : i32
    return %arg0, %c0_i32 : i32, i32
  }
  func.func @transform_5(%arg0: i32) -> (i32, i32) {
    %c0_i32 = arith.constant 0 : i32
    %c0_i32_0 = arith.constant 0 : i32
    return %arg0, %c0_i32 : i32, i32
  }
  func.func @transform_6(%arg0: i32) -> (i32, i32) {
    %c0_i32 = arith.constant 0 : i32
    %c0_i32_0 = arith.constant 0 : i32
    return %arg0, %c0_i32 : i32, i32
  }
  func.func @transform_7(%arg0: i32) -> (i32, i32) {
    %c0_i32 = arith.constant 0 : i32
    %c0_i32_0 = arith.constant 0 : i32
    return %arg0, %c0_i32 : i32, i32
  }
  func.func @transform_8(%arg0: i32) -> (i32, i32) {
    %c0_i32 = arith.constant 0 : i32
    %c0_i32_0 = arith.constant 0 : i32
    return %arg0, %c0_i32 : i32, i32
  }
  func.func @transform_9(%arg0: i32) -> (i32, i32) {
    %c0_i32 = arith.constant 0 : i32
    %c0_i32_0 = arith.constant 0 : i32
    return %arg0, %c0_i32 : i32, i32
  }
  func.func @transform_10(%arg0: i32) -> (i32, i32) {
    %c0_i32 = arith.constant 0 : i32
    %c0_i32_0 = arith.constant 0 : i32
    return %arg0, %c0_i32 : i32, i32
  }
  func.func @transform_11(%arg0: i32) -> (i32, i32) {
    %c0_i32 = arith.constant 0 : i32
    %c0_i32_0 = arith.constant 0 : i32
    return %arg0, %c0_i32 : i32, i32
  }
}

</mosaic_0001>

<sc_bundles>
// kernel: kernel.6.cloned.1.call-start
scs
__scs_entry_jumppad:
0x0: {  	(pc) =	sbr.rel $0x88, $3  }
0x1: {  	(tag) =	ssettag $0x0;
	lr =	simm.s32 $0x1  }
0x2: {  	[smem:$0x3F98] =	sst lr;
	_ =	strace $0xD0000000  }
0x3: {  	_ = 	snop  }
0x4: {  	_ = 	snop  }
0x5: {  	_ = 	snop  }
0x6: {  	_ = 	snop  }
0x7: {  	_ = 	snop  }
__scs_overlays_trampoline_lowered:
0x8: {  	[smem:$0x3FA7] =	sst s0  }
0x9: {  	[smem:$0x3FA8] =	sst s1  }
0xa: {  	[smem:$0x3FA9] =	sst s2  }
0xb: {  	[smem:$0x3FAA] =	sst s3  }
0xc: {  	[smem:$0x3FAB] =	sst s4  }
0xd: {  	[smem:$0x3FAC] =	sst s5  }
0xe: {  	[smem:$0x3FAD] =	sst s6  }
0xf: {  	[smem:$0x3FAE] =	sst s7  }
0x10: {  	[smem:$0x3FAF] =	sst s8  }
0x11: {  	[smem:$0x3FB0] =	sst s9;
	s0 =	simm.s32 @!p0 $0x0  }
0x12: {  	s1 =	sld [smem:$0x3F96];
	s0 =	simm.s32 @p0 $0x1  }
0x13: {  	[smem:$0x3FB1] =	sst s0;
	s0 =	simm.s32 @!p1 $0x0  }
0x14: {  	s2 =	sld [smem:$0x3F95];
	s0 =	simm.s32 @p1 $0x1  }
0x15: {  	[smem:$0x3FB2] =	sst s0;
	s0 =	simm.s32 @!p2 $0x0  }
0x16: {  	s3 =	sld [smem:$0x3FDB];
	s0 =	simm.s32 @p2 $0x1  }
0x17: {  	s4 =	simm.s32 $0x1BF5;
	[smem:$0x3FB4] =	sst s0  }
0x18: {  	s0 =	sld [smem:$0x3F97];
	_ =	swait.ge [sflag:s4], $0x0  }
0x19: {  	s7 =	sld [smem:$0x3F98]  }
0x1a: {  	s8 =	sadd.s32 $0xFFFFE003, lr  }
0x1b: {  	s9 =	sadd.s32 $0xFFFFFEF7, lr;
	s5 =	simm.s32 $0xFFFFFFFF;
	p2 =	slt.u32 s8, $0xFFFFF086  }
0x1c: {  	p1 =	slt.u32 s9, $0xF7A;
	s5 =	simm.s32 @!p2 $0x0  }
0x1d: {  	s5 =	simm.s32 @p1 $0x1;
	p0 =	seq.s32 s7, s2  }
0x1e: {  	s7 =	smul.u32 @!p0 $0xF7A, s2;
	p2 =	seq.s32 @!p0 s5, $0x0  }
0x1f: {  	s9 =	smul.u32 $0xF7A, s1;
	s8 =	simm.s32 @!p0 $0x1BF5;
	p2 =	por !p2, p0  }
0x20: {  	[sflag:s8] =	ssyncset.s32 @!p0 $0xFFFFF086;
	s6 =	sadd.s32 @!p0 s3, s7;
	s7 =	simm.s32 @!p0 $0x108  }
0x21: {  	s3 =	sadd.s32 s3, s9;
	s6 =	sadd.s32 @!p0 $0x88, s6;
	s7 =	simm.s32 @p2 $0x1082  }
0x22: {  	[simem:s7], [sflag:s8] =	dma.local @!p0 [hbm:s6], $0xF7A  }
0x23: {  	s9 =	sor.u32 $0xD0000000, s2;
	s6 =	simm.s32 $0x108;
	_ =	swait.ge @!p0 [sflag:s8], $0x0  }
0x24: {  	s3 =	sadd.s32 $0x88, s3;
	s6 =	simm.s32 @!p1 $0x1082;
	[sflag:s4] =	ssyncset.s32 $0xFFFFF086  }
0x25: {  	[simem:s6], [sflag:s4] =	dma.local [hbm:s3], $0xF7A  }
0x26: {  	[smem:$0x3F98] =	sst s1;
	(tag) =	ssettag s2;
	_ =	strace s9  }
0x27: {  	s1 =	sld [smem:$0x3FA8]  }
0x28: {  	s2 =	sld [smem:$0x3FA9]  }
0x29: {  	s4 =	sld [smem:$0x3FAB]  }
0x2a: {  	p0 =	seq.s32 s5, $0x0;
	s5 =	sld [smem:$0x3FAC]  }
0x2b: {  	s6 =	sld [smem:$0x3FAD]  }
0x2c: {  	s7 =	sld [smem:$0x3FAE]  }
0x2d: {  	s3 =	simm.s32 $0x108;
	s8 =	sld [smem:$0x3FAF]  }
0x2e: {  	s3 =	simm.s32 @!p0 $0x1082;
	s9 =	sld [smem:$0x3FB0]  }
0x2f: {  	lr =	sadd.s32 s0, s3;
	s0 =	sld [smem:$0x3FA7]  }
0x30: {  	s3 =	sld [smem:$0x3FAA]  }
0x31: {  	[smem:$0x3FB3] =	sst s10  }
0x32: {  	s10 =	sld [smem:$0x3FB1];
	_ =	sdelay $0x3  }
0x33: {  	p0 =	seq.s32 s10, $0x1;
	s10 =	sld [smem:$0x3FB3];
	_ =	sdelay $0x3  }
0x34: {  	[smem:$0x3FB3] =	sst s10  }
0x35: {  	s10 =	sld [smem:$0x3FB2];
	_ =	sdelay $0x3  }
0x36: {  	p1 =	seq.s32 s10, $0x1;
	s10 =	sld [smem:$0x3FB3];
	_ =	sdelay $0x3  }
0x37: {  	[smem:$0x3FB3] =	sst s10  }
0x38: {  	s10 =	sld [smem:$0x3FB4]  }
0x39: {  	_ = 	snop;
	(pc) =	sbr.ind lr, $3  }
0x3a: {  	_ = 	snop  }
0x3b: {  	_ = 	snop  }
0x3c: {  	p2 =	seq.s32 s10, $0x1;
	s10 =	sld [smem:$0x3FB3]  }
0x3d: {  	_ =	shalt  }
0x3e: {  	_ =	shalt  }
0x3f: {  	_ =	shalt  }
0x40: {  	_ =	shalt  }
0x41: {  	_ =	shalt  }
0x42: {  	_ =	shalt  }
0x43: {  	_ =	shalt  }
0x44: {  	_ =	shalt  }
0x45: {  	_ =	shalt  }
0x46: {  	_ =	shalt  }
0x47: {  	_ =	shalt  }
0x48: {  	_ =	shalt  }
0x49: {  	_ =	shalt  }
0x4a: {  	_ =	shalt  }
0x4b: {  	_ =	shalt  }
0x4c: {  	_ =	shalt  }
0x4d: {  	_ =	shalt  }
0x4e: {  	_ =	shalt  }
0x4f: {  	_ =	shalt  }
0x50: {  	_ =	shalt  }
0x51: {  	_ =	shalt  }
0x52: {  	_ =	shalt  }
0x53: {  	_ =	shalt  }
0x54: {  	_ =	shalt  }
0x55: {  	_ =	shalt  }
0x56: {  	_ =	shalt  }
0x57: {  	_ =	shalt  }
0x58: {  	_ =	shalt  }
0x59: {  	_ =	shalt  }
0x5a: {  	_ =	shalt  }
0x5b: {  	_ =	shalt  }
0x5c: {  	_ =	shalt  }
0x5d: {  	_ =	shalt  }
0x5e: {  	_ =	shalt  }
0x5f: {  	_ =	shalt  }
0x60: {  	_ =	shalt  }
0x61: {  	_ =	shalt  }
0x62: {  	_ =	shalt  }
0x63: {  	_ =	shalt  }
0x64: {  	_ =	shalt  }
0x65: {  	_ =	shalt  }
0x66: {  	_ =	shalt  }
0x67: {  	_ =	shalt  }
0x68: {  	_ =	shalt  }
0x69: {  	_ =	shalt  }
0x6a: {  	_ =	shalt  }
0x6b: {  	_ =	shalt  }
0x6c: {  	_ =	shalt  }
0x6d: {  	_ =	shalt  }
0x6e: {  	_ =	shalt  }
0x6f: {  	_ =	shalt  }
0x70: {  	_ =	shalt  }
0x71: {  	_ =	shalt  }
0x72: {  	_ =	shalt  }
0x73: {  	_ =	shalt  }
0x74: {  	_ =	shalt  }
0x75: {  	_ =	shalt  }
0x76: {  	_ =	shalt  }
0x77: {  	_ =	shalt  }
0x78: {  	_ =	shalt  }
0x79: {  	_ =	shalt  }
0x7a: {  	_ =	shalt  }
0x7b: {  	_ =	shalt  }
0x7c: {  	_ =	shalt  }
0x7d: {  	_ =	shalt  }
0x7e: {  	_ =	shalt  }
0x7f: {  	_ =	shalt  }
0x80: {  	_ =	shalt  }
0x81: {  	_ =	shalt  }
0x82: {  	_ =	shalt  }
0x83: {  	_ =	shalt  }
0x84: {  	_ =	shalt  }
0x85: {  	_ =	shalt  }
0x86: {  	_ =	shalt  }
0x87: {  	_ =	shalt  }
.Lfunc_end0:
.L_simem_size_0:
called_computation_lowered:
.L_overlay_start_0:
0x88: {  	s2 =	sld [smem:$0x3FD9]  }
0x89: {  	s3 =	sld [smem:$0x3FFE];
	_ =	sdelay $0x1  }
0x8a: {  	s1 =	srdreg.scid  }
0x8b: {  	s0 =	sand.u32 $0x1, s1  }
0x8c: {  	s15 =	sshll.u32 s0, $0xA;
	s2 =	sadd.s32 s3, s2  }
0x8d: {  	s2 =	sadd.s32 s2, s15  }
0x8e: {  	[smem:$0x3FBF] =	sst s2  }
0x8f: {  	_ = 	snop  }
0x90: {  	s16 =	sld [smem:$0x3FD0];
	_ =	sdelay $0x2  }
0x91: {  	s4 =	simm.s32 $0xB;
	s5 =	simm.s32 $0x10;
	s2 =	sld [smem:$0x3FC7]  }
0x92: {  	[smem:s5], [sflag:s4] =	dma.local [hbm:s16], $0x1  }
0x93: {  	_ =	swait.eq [sflag:s4], $0x1  }
0x94: {  	[sflag:s4] =	ssyncset.done $0x0  }
0x95: {  	[sflag:s4] =	ssyncadd.s32 $0xFFFFFFFF  }
0x96: {  	s17 =	sld [smem:$0x10];
	(tm) =	ssettm $0x1  }
0x97: {  	s18 =	sld [smem:$0x3FFB];
	_ =	sdelay $0x3  }
0x98: {  	_ =	strace s18  }
0x99: {  	s3 =	sld [smem:$0x3FFC];
	_ =	sdelay $0x3  }
0x9a: {  	_ =	strace s3  }
0x9b: {  	s3 =	sld [smem:$0x3FFD];
	_ =	sdelay $0x3  }
0x9c: {  	_ =	strace s3  }
0x9d: {  	_ =	strace $0x8FFFFFFF  }
0x9e: {  	s19 =	sld [smem:$0x3FDB];
	_ =	sdelay $0x1  }
0x9f: {  	s20 =	simm.s32 $_scs_section_size  }
0xa0: {  	s6 =	simm.s32 $_size__tile_overlayer_lowered;
	s7 =	simm.s32 $_tile_overlayer_lowered  }
0xa1: {  	s8 =	simm.s32 $0x1BFF;
	s21 =	sshll.u32 s7, $0x1;
	s5 =	sadd.s32 s20, s19  }
0xa2: {  	s22 =	simm.s32 $0x0;
	s6 =	sshll.u32 s6, $0x1;
	s7 =	sadd.s32 s21, s5  }
0xa3: {  	[timem:s22], [sflag:s8] =	dma.local [hbm:s7], s6  }
0xa4: {  	_ =	swait.ge [sflag:s8], s6  }
0xa5: {  	s6 =	ssub.s32 $0x0, s6;
	[sflag:s8] =	ssyncset.done $0x0  }
0xa6: {  	[sflag:s8] =	ssyncadd.s32 s6;
	_ =	sdelay $0x1  }
0xa7: {  	s23 =	simm.s32 $0x1B8B  }
0xa8: {  	_ =	swait.ge [sflag:s23], $0x1  }
0xa9: {  	[sflag:s23] =	ssyncset.done $0x0  }
0xaa: {  	[sflag:s23] =	ssyncadd.s32 $0xFFFFFFFF  }
0xab: {  	s6 =	sld [smem:$0x0]  }
0xac: {  	s7 =	sand.u32 $0xFFFFFFFE, s1  }
0xad: {  	p0 =	sne.s32 s1, s7  }
0xae: {  	s7 =	sshll.u32 @p0 s7, $0xE  }
0xaf: {  	s7 =	sadd.s32 @p0 $0x11B8D, s7;
	s8 =	sshll.u32 @p0 s6, $0x11  }
0xb0: {  	s7 =	sor.u32 @p0 s8, s7  }
0xb1: {  	[sflag:s7] =	ssyncadd.remote.s32 @p0 $0x1;
	_ =	sdelay $0x1  }
0xb2: {  	s7 =	simm.s32 @p0 $0x1B8D  }
0xb3: {  	_ =	swait.eq @p0 [sflag:s7], $0x1  }
0xb4: {  	[sflag:s7] =	ssyncadd.s32 @p0 $0xFFFFFFFF  }
0xb5: {  	s8 =	sshll.u32 @!p0 s1, $0xE  }
0xb6: {  	s8 =	sor.u32 @!p0 $0x4000, s8;
	s7 =	simm.s32 @!p0 $0x1B8D  }
0xb7: {  	s6 =	sshll.u32 @!p0 s6, $0x11;
	s8 =	sadd.s32 @!p0 $0x11B8D, s8;
	_ =	swait.eq @!p0 [sflag:s7], $0x1  }
0xb8: {  	s6 =	sor.u32 @!p0 s6, s8;
	[sflag:s7] =	ssyncadd.s32 @!p0 $0xFFFFFFFF  }
0xb9: {  	s25 =	simm.s32 $0x1B8E;
	s24 =	sld [smem:$0x3FFE];
	[sflag:s6] =	ssyncadd.remote.s32 @!p0 $0x1  }
0xba: {  	s26 =	simm.s32 $execute0_lowered;
	[smem:$0x3FD2] =	sst s25  }
0xbb: {  	s7 =	sshll.u32 s26, $0x1;
	_ =	strace $0x80000049;
	[dreg:$0x1] =	wrdreg $0xFFFFFFFF  }
0xbc: {  	s28 =	simm.s32 $_size_execute0_lowered;
	s5 =	sadd.s32 s5, s7;
	[dreg:$0x0] =	wrdreg $0x0  }
0xbd: {  	s7 =	sshll.u32 s28, $0x1;
	[dreg:$0x2] =	wrdreg s5  }
0xbe: {  	[dreg:$0x3] =	wrdreg s7  }
0xbf: {  	[dreg:$0x4] =	wrdreg $0xC0  }
0xc0: {  	_ =	task [dreg:s22], $0x5FFFF  }
0xc1: {  	[dreg:$0x1] =	wrdreg $0xFFFFFFFF  }
0xc2: {  	[dreg:$0x0] =	wrdreg $0x60  }
0xc3: {  	[dreg:$0x2] =	wrdreg s17  }
0xc4: {  	[dreg:$0x3] =	wrdreg s2  }
0xc5: {  	[dreg:$0x4] =	wrdreg s24  }
0xc6: {  	[dreg:$0x5] =	wrdreg $0x8D000  }
0xc7: {  	[dreg:$0x6] =	wrdreg $0x9  }
0xc8: {  	_ =	task.clear_ibuf [dreg:s22], $0x7FFFF;
	_ =	strace $0x90000049  }
0xc9: {  	s29 =	simm.s32 $0x9;
	_ =	strace $0x8000004B  }
0xca: {  	_ =	swait.ge [sflag:s29], $0x1  }
0xcb: {  	[sflag:s29] =	ssyncadd.s32 $0xFFFFFFFF  }
0xcc: {  	_ =	strace $0x9000004B  }
0xcd: {  	_ =	sfence  }
0xce: {  	s30 =	sld [smem:$0x0];
	_ =	sdelay $0x2  }
0xcf: {  	s31 =	sshll.u32 s1, $0xD;
	s1 =	sshrl.u32 s1, $0x2  }
0xd0: {  	s4 =	sand.u32 $0x4000, s31;
	s1 =	sadd.s32 s1, s30  }
0xd1: {  	s0 =	sor.u32 s4, s0;
	s1 =	sshll.u32 s1, $0x11  }
0xd2: {  	s0 =	sor.u32 s1, s0  }
0xd3: {  	s0 =	sadd.s32 $0x8F2B, s0  }
0xd4: {  	[sflag:s0] =	ssyncadd.remote.s32 $0x1  }
0xd5: {  	_ =	sfence.sel $0xFFFF  }
0xd6: {  	[dreg:$0x0] =	wrdreg $0xFFFFFFFF;
	(pc) =	sbr.abs _section_cstart, $3  }
0xd7: {  	[dreg:$0x1] =	wrdreg $0xFFFFFFFF  }
0xd8: {  	_ =	task.clear_ibuf [dreg:s22], $0x2FFFF;
	_ =	strace $0x9FFFFFFF  }
0xd9: {  	(tm) =	ssettm $0x7FFFFFFF  }
tec
execute0_lowered:
.L_overlay_start_1:
0x0: {  	(tag) =	ssettag $0x1  }
0x1: {  	s1 =	rddreg [dreg:$0x0]  }
0x2: {  	s2 =	rddreg [dreg:$0x1]  }
0x3: {  	s9 =	rddreg [dreg:$0x2]  }
0x4: {  	s3 =	rddreg [dreg:$0x3]  }
0x5: {  	s0 =	rddreg [dreg:$0x4]  }
0x6: {  	s4 =	simm.s32 $0x0;
	s5 =	srdreg.scid;
	s15 =	simm.s32 $0x80  }
0x7: {  	s16 =	simm.s32 $0x50;
	s17 =	simm.s32 $0x100;
	s18 =	simm.s32 $0x400  }
0x8: {  	s19 =	simm.s32 $0xC00;
	s20 =	simm.s32 $0x2900;
	s21 =	simm.s32 $0x1  }
0x9: {  	s22 =	simm.s32 $0x5100;
	[smem:$0x7FF] =	sst s4;
	s6 =	sadd.s32 $0xC800, s9  }
0xa: {  	s11 =	sand.u32 $0x1, s5;
	s5 =	stileid.u32;
	s7 =	sadd.s32 $0x2A00, s9  }
0xb: {  	s8 =	sadd.s32 $0x324000, s9;
	s10 =	ssub.s32 $0x2, s11;
	s12 =	smul.u32 $0x7D0, s11  }
0xc: {  	s9 =	sadd.s32 $0x34B200, s9;
	s14 =	smul.u32 $0x5000, s5;
	s13 =	sshrl.u32 s10, $0x1  }
0xd: {  	_ =	strace $0x8000004A;
	p0 =	seq.s32 s11, $0x1;
	s13 =	ssub.s32 s10, s13  }
0xe: {  	s10 =	sor.u32 s5, s12;
	s31 =	sshrl.u32 s14, $0x2;
	s14 =	simm.s32 $0x2  }
0xf: {  	v0 =	vimm.f32 $0.0e+00;
	s11 =	smax.u32 s13, $0x1;
	s12 =	sadd.s32 s31, s3;
	s13 =	smul.u32 $0x280, s5  }
.LBB2_1:
0x10: {  	s23 =	simm.s32 $0x0;
	s24 =	simm.s32 $0x200  }
.LBB2_2:
0x11: {  	p1 =	sne.s32 s24, $0x4E00;
	[tilespmem:s23+$0x7970] =	vst v0  }
0x12: {  	[tilespmem:s23+$0x7900] =	vst v0  }
0x13: {  	[tilespmem:s23+$0x7910] =	vst v0  }
.Ltmp0:
0x14: {  	[tilespmem:s23+$0x7920] =	vst v0;
	(pc) =	sbr.rel @p1 .LBB2_2-.Ltmp0, $4  }
0x15: {  	[tilespmem:s23+$0x7930] =	vst v0  }
0x16: {  	[tilespmem:s23+$0x7940] =	vst v0  }
0x17: {  	[tilespmem:s23+$0x7950] =	vst v0  }
0x18: {  	[tilespmem:s23+$0x7960] =	vst v0;
	s23 =	sshra.s32 s24, $0x2;
	s24 =	sadd.s32 $0x200, s24  }
0x19: {  	[tilespmem:s23+$0x7970] =	vst v0  }
0x1a: {  	[tilespmem:s23+$0x7900] =	vst v0  }
0x1b: {  	[tilespmem:s23+$0x7910] =	vst v0  }
0x1c: {  	[tilespmem:s23+$0x7920] =	vst v0  }
0x1d: {  	[tilespmem:s23+$0x7930] =	vst v0  }
0x1e: {  	[tilespmem:s23+$0x7940] =	vst v0;
	s24 =	sadd.s32 $0x0, s5  }
0x1f: {  	[tilespmem:s23+$0x7950] =	vst v0;
	p1 =	sgt.u32 s24, $0xF9  }
0x20: {  	[tilespmem:s23+$0x7960] =	vst v0;
	s23 =	simm.s32 @!p1 $0x7900;
	s26 =	simm.s32 @!p1 $0x2  }
0x21: {  	[spmem:s12] =	stream.linear.scatter @!p1 [tilespmem:s23], [sflag:$0x2], $0x1400, $0x38;
	[tilespmem:$0x1C5C0] =	vst v63  }
0x22: {  	s25 =	simm.s32 $0x20;
	_ =	swait.ge @!p1 [sflag:s26], $0x1400  }
0x23: {  	s24 =	simm.s32 $0x10;
	s23 =	sadd.s32 $0x14000, s12;
	[sflag:s26] =	ssyncset.done @!p1 $0x0  }
.LBB2_4:
0x24: {  	s28 =	sadd.s32 s24, s5;
	s24 =	smov.u32 s25;
	s25 =	sadd.s32 $0x10, s25  }
0x25: {  	[sflag:s26] =	ssyncadd.s32 @!p1 $0xFFFFEC00;
	p2 =	sne.s32 s25, $0x100  }
.Ltmp1:
0x26: {  	p1 =	sgt.u32 s28, $0xF9;
	(pc) =	sbr.rel @p2 .LBB2_4-.Ltmp1, $4  }
0x27: {  	s28 =	simm.s32 @!p1 $0x7900;
	s26 =	simm.s32 @!p1 $0x2  }
0x28: {  	[spmem:s23] =	stream.linear.scatter @!p1 [tilespmem:s28], [sflag:$0x2], $0x1400, $0x38;
	[tilespmem:$0x1C5C0] =	vst v63  }
0x29: {  	_ =	swait.ge @!p1 [sflag:s26], $0x1400  }
0x2a: {  	s23 =	sadd.s32 $0x14000, s23;
	[sflag:s26] =	ssyncset.done @!p1 $0x0  }
0x2b: {  	s24 =	sadd.s32 s24, s5  }
0x2c: {  	p2 =	sgt.u32 s24, $0xF9  }
0x2d: {  	[sflag:s26] =	ssyncadd.s32 @!p1 $0xFFFFEC00;
	s24 =	simm.s32 @!p2 $0x7900;
	s25 =	simm.s32 @!p2 $0x2  }
0x2e: {  	[spmem:s23] =	stream.linear.scatter @!p2 [tilespmem:s24], [sflag:$0x2], $0x1400, $0x38;
	[tilespmem:$0x1C5C0] =	vst v63  }
0x2f: {  	_ =	swait.ge @!p2 [sflag:s25], $0x1400  }
0x30: {  	[sflag:s25] =	ssyncset.done @!p2 $0x0  }
0x31: {  	[sflag:s25] =	ssyncadd.s32 @!p2 $0xFFFFEC00  }
0x32: {  	s23 =	simm.s32 $0x0;
	s24 =	simm.s32 $0x0;
	[bflag:$0x0] =	sbarrier.arrive $0xFFFF  }
.LBB2_6:
0x33: {  	s25 =	sshll.u32 s24, $0x4  }
0x34: {  	s25 =	sadd.s32 s10, s25  }
0x35: {  	s26 =	smul.u32 $0xA, s25;
	_ =	sdelay $0x1  }
0x36: {  	s28 =	sadd.s32 s7, s26  }
0x37: {  	[tilespmem:s23], [sflag:$0x2] =	stream.linear.gather [hbm4b:s28+s23], $0x50, $0x38;
	[tilespmem:$0x1C5C0] =	vst v63  }
0x38: {  	_ =	swait.ge [sflag:s14], $0x50  }
0x39: {  	[sflag:s14] =	ssyncset.done $0x0  }
0x3a: {  	s26 =	sadd.s32 s6, s26;
	[sflag:s14] =	ssyncadd.s32 $0xFFFFFFB0  }
0x3b: {  	[tilespmem:s15], [sflag:$0x2] =	stream.linear.gather [hbm4b:s26+s23], $0x50, $0x38;
	[tilespmem:$0x1C5C0] =	vst v63  }
0x3c: {  	_ =	swait.ge [sflag:s14], $0x50  }
0x3d: {  	[sflag:s14] =	ssyncset.done $0x0  }
0x3e: {  	s25 =	smul.u32 $0xF00, s25;
	[sflag:s14] =	ssyncadd.s32 $0xFFFFFFB0  }
0x3f: {  	[tilespmem:s17], [sflag:$0x1] =	stream.indirect.gather [hbm4b:s1+s16], $0x80, s23, s16, $0xb8;
	[tilespmem:$0x1C5C0] =	vst v63  }
0x40: {  	s25 =	sadd.s32 s2, s25  }
0x41: {  	[tilespmem:s20], [sflag:$0x1] =	stream.strided.gather [hbm4b:s25+s18], $0x2800, s19, s18, $0x38;
	[tilespmem:$0x1C5C0] =	vst v63  }
0x42: {  	_ =	swait.ge [sflag:s21], $0x2800  }
0x43: {  	[sflag:s21] =	ssyncset.done $0x0  }
0x44: {  	[sflag:s21] =	ssyncadd.s32 $0xFFFFD800  }
0x45: {  	_ =	swait.ge [sflag:s21], $0x2800  }
0x46: {  	[sflag:s21] =	ssyncset.done $0x0  }
0x47: {  	s25 =	simm.s32 $0x0;
	[sflag:s21] =	ssyncadd.s32 $0xFFFFD800  }
0x48: {  	v1 =	vld [tilespmem:s25+$0x170]  }
0x49: {  	v2 =	vld [tilespmem:s25+$0x2970]  }
0x4a: {  	v3 =	vld [tilespmem:s25+$0x100]  }
0x4b: {  	v4 =	vld [tilespmem:s25+$0x2900]  }
0x4c: {  	v5 =	vld [tilespmem:s25+$0x110]  }
0x4d: {  	v6 =	vld [tilespmem:s25+$0x2910]  }
0x4e: {  	v7 =	vld [tilespmem:s25+$0x120]  }
0x4f: {  	v8 =	vld [tilespmem:s25+$0x130]  }
0x50: {  	v1 =	vmul.f32 v2, v1;
	v2 =	vld [tilespmem:s25+$0x2920]  }
0x51: {  	v9 =	vld [tilespmem:s25+$0x2930]  }
0x52: {  	v10 =	vld [tilespmem:s25+$0x2940];
	v3 =	vmul.f32 v4, v3  }
0x53: {  	[tilespmem:s25+$0x5170] =	vst v1;
	v1 =	vmul.f32 v6, v5;
	v6 =	vld [tilespmem:s25+$0x140]  }
0x54: {  	v4 =	vld [tilespmem:s25+$0x2950];
	[tilespmem:s25+$0x5100] =	vst v3  }
0x55: {  	v3 =	vld [tilespmem:s25+$0x150];
	[tilespmem:s25+$0x5110] =	vst v1;
	v1 =	vmul.f32 v2, v7  }
0x56: {  	v5 =	vld [tilespmem:s25+$0x2960];
	v7 =	vmul.f32 v9, v8  }
0x57: {  	s26 =	simm.s32 $0x80;
	[tilespmem:s25+$0x5120] =	vst v1;
	v1 =	vld [tilespmem:s25+$0x160]  }
0x58: {  	s28 =	simm.s32 $0x400;
	v6 =	vmul.f32 v10, v6;
	v2 =	vld [tilespmem:s26+$0x170];
	[tilespmem:s25+$0x5130] =	vst v7  }
.LBB2_7:
0x59: {  	p1 =	sne.s32 s28, $0x9E00;
	v7 =	vld [tilespmem:s26+$0x2970]  }
0x5a: {  	v8 =	vld [tilespmem:s26+$0x100];
	[tilespmem:s25+$0x5140] =	vst v6;
	v3 =	vmul.f32 v4, v3  }
0x5b: {  	v4 =	vld [tilespmem:s26+$0x2900]  }
0x5c: {  	v6 =	vld [tilespmem:s26+$0x110];
	[tilespmem:s25+$0x5150] =	vst v3;
	v1 =	vmul.f32 v5, v1  }
0x5d: {  	v3 =	vld [tilespmem:s26+$0x2910]  }
0x5e: {  	v5 =	vld [tilespmem:s26+$0x120];
	v2 =	vmul.f32 v7, v2;
	[tilespmem:s25+$0x5160] =	vst v1;
	s25 =	smov.u32 s26  }
0x5f: {  	v1 =	vld [tilespmem:s25+$0x2920]  }
0x60: {  	v4 =	vmul.f32 v4, v8;
	v7 =	vld [tilespmem:s25+$0x130];
	[tilespmem:s25+$0x5170] =	vst v2  }
0x61: {  	v2 =	vld [tilespmem:s25+$0x2930]  }
0x62: {  	[tilespmem:s25+$0x5100] =	vst v4;
	v3 =	vmul.f32 v3, v6;
	v6 =	vld [tilespmem:s25+$0x140]  }
0x63: {  	v8 =	vld [tilespmem:s25+$0x2940]  }
.Ltmp2:
0x64: {  	[tilespmem:s25+$0x5110] =	vst v3;
	v1 =	vmul.f32 v1, v5;
	v3 =	vld [tilespmem:s25+$0x150];
	(pc) =	sbr.rel @p1 .LBB2_7-.Ltmp2, $4  }
0x65: {  	v4 =	vld [tilespmem:s25+$0x2950]  }
0x66: {  	[tilespmem:s25+$0x5120] =	vst v1;
	v7 =	vmul.f32 v2, v7;
	v1 =	vld [tilespmem:s25+$0x160]  }
0x67: {  	s26 =	sshra.s32 s28, $0x2;
	v5 =	vld [tilespmem:s25+$0x2960]  }
0x68: {  	s28 =	sadd.s32 $0x200, s28;
	v2 =	vld [tilespmem:s26+$0x170];
	[tilespmem:s25+$0x5130] =	vst v7;
	v6 =	vmul.f32 v8, v6  }
0x69: {  	v7 =	vld [tilespmem:s26+$0x2970]  }
0x6a: {  	v8 =	vld [tilespmem:s26+$0x100];
	[tilespmem:s25+$0x5140] =	vst v6;
	v3 =	vmul.f32 v4, v3  }
0x6b: {  	v57 =	vld [tilespmem:s26+$0x2900]  }
0x6c: {  	v6 =	vld [tilespmem:s26+$0x110];
	[tilespmem:s25+$0x5150] =	vst v3;
	v1 =	vmul.f32 v5, v1  }
0x6d: {  	v3 =	vld [tilespmem:s26+$0x2910]  }
0x6e: {  	v58 =	vld [tilespmem:s26+$0x120];
	[tilespmem:s25+$0x5160] =	vst v1  }
0x6f: {  	v1 =	vmul.f32 v7, v2;
	v2 =	vld [tilespmem:s26+$0x2920]  }
0x70: {  	v59 =	vld [tilespmem:s26+$0x130]  }
0x71: {  	v60 =	vld [tilespmem:s26+$0x140]  }
0x72: {  	v61 =	vld [tilespmem:s26+$0x2940]  }
0x73: {  	v62 =	vld [tilespmem:s26+$0x2950]  }
0x74: {  	[tilespmem:s26+$0x5170] =	vst v1;
	v1 =	vld [tilespmem:s26+$0x2930];
	v3 =	vmul.f32 v3, v6  }
0x75: {  	v63 =	vld [tilespmem:s26+$0x2960];
	v2 =	vmul.f32 v2, v58  }
0x76: {  	[tilespmem:s26+$0x5110] =	vst v3;
	v3 =	vld [tilespmem:s26+$0x150]  }
0x77: {  	[tilespmem:s26+$0x5120] =	vst v2;
	v2 =	vld [tilespmem:s26+$0x160]  }
0x78: {  	v4 =	vmul.f32 v57, v8  }
0x79: {  	v1 =	vmul.f32 v1, v59  }
0x7a: {  	[tilespmem:s26+$0x5100] =	vst v4;
	v4 =	vmul.f32 v61, v60  }
0x7b: {  	[tilespmem:s26+$0x5130] =	vst v1;
	v1 =	vmul.f32 v62, v3  }
0x7c: {  	s24 =	sadd.s32 $0x1, s24;
	[tilespmem:s26+$0x5140] =	vst v4;
	v2 =	vmul.f32 v63, v2  }
0x7d: {  	p1 =	sne.s32 s24, $0x7D;
	[tilespmem:s26+$0x5150] =	vst v1  }
.Ltmp3:
0x7e: {  	[tilespmem:s26+$0x5160] =	vst v2;
	(pc) =	sbr.rel @p1 .LBB2_6-.Ltmp3, $4  }
0x7f: {  	[spmem:s3] =	stream.indirect.scatter.add.f32 [tilespmem:s22], [sflag:$0x2], $0x80, s15, s16, $0xb8;
	[tilespmem:$0x1C5C0] =	vst v63  }
0x80: {  	_ =	swait.ge [sflag:s14], $0x2800  }
0x81: {  	[sflag:s14] =	ssyncset.done $0x0  }
0x82: {  	[sflag:s14] =	ssyncadd.s32 $0xFFFFD800  }
0x83: {  	s23 =	sadd.s32 $0x0, s5  }
0x84: {  	p1 =	sgt.u32 s23, $0xF9  }
0x85: {  	s23 =	simm.s32 @!p1 $0x2;
	p2 =	por !p0, p1  }
0x86: {  	s25 =	smov.u32 s9;
	s24 =	sshll.u32 @!p1 s5, $0x6;
	s23 =	simm.s32 @p2 $0x3  }
0x87: {  	[bflag:$0x0] =	sbarrier.arrive $0xFFFF;
	s25 =	smov.u32 @p2 s8;
	s24 =	sadd.s32 @!p1 s23, s24  }
0x88: {  	s26 =	sshrl.u32 @!p1 s12, $0x3;
	s25 =	sadd.s32 @!p1 s13, s25;
	s24 =	sadd.s32 @!p1 $0x1C00, s24  }
0x89: {  	[hbm:s25], [sflag:s24] =	dma.local @!p1 [spmem:s26], $0x280  }
0x8a: {  	s24 =	simm.s32 $0x10;
	s25 =	smov.u32 s12;
	s26 =	smov.u32 s13  }
.LBB2_10:
0x8b: {  	s28 =	sadd.s32 s24, s5  }
0x8c: {  	s29 =	smov.u32 s23;
	p2 =	por p1, p1;
	s25 =	sadd.s32 $0x14000, s25  }
0x8d: {  	s26 =	sadd.s32 $0x2800, s26;
	s31 =	smov.u32 s9;
	p1 =	sgt.u32 s28, $0xF9  }
0x8e: {  	s24 =	sadd.s32 $0x10, s24;
	s28 =	sshll.u32 @!p1 s5, $0x6;
	s30 =	sshrl.u32 @!p1 s25, $0x3  }
0x8f: {  	s23 =	simm.s32 @!p1 $0x2;
	p3 =	por !p0, p1;
	_ =	swait.ge @!p2 [sflag:s29], $0x280  }
0x90: {  	s31 =	smov.u32 @p3 s8;
	s23 =	simm.s32 @p3 $0x3;
	[sflag:s29] =	ssyncset.done @!p2 $0x0  }
0x91: {  	[sflag:s29] =	ssyncadd.s32 @!p2 $0xFFFFFD80;
	p2 =	sne.s32 s24, $0x100  }
.Ltmp4:
0x92: {  	_ = 	snop;
	(pc) =	sbr.rel @p2 .LBB2_10-.Ltmp4, $4  }
0x93: {  	_ = 	snop  }
0x94: {  	s28 =	sadd.s32 @!p1 s23, s28  }
0x95: {  	s29 =	sadd.s32 @!p1 s26, s31;
	s28 =	sadd.s32 @!p1 $0x1C00, s28  }
0x96: {  	[hbm:s29], [sflag:s28] =	dma.local @!p1 [spmem:s30], $0x280  }
0x97: {  	s4 =	sadd.s32 $0x1, s4  }
0x98: {  	p2 =	sne.s32 s4, s11  }
.Ltmp5:
0x99: {  	_ = 	snop;
	(pc) =	sbr.rel @p2 .LBB2_1-.Ltmp5, $4  }
0x9a: {  	p1 =	por p1, p1  }
0x9b: {  	_ =	swait.ge @!p1 [sflag:s23], $0x280  }
0x9c: {  	[sflag:s23] =	ssyncset.done @!p1 $0x0  }
0x9d: {  	[sflag:s23] =	ssyncadd.s32 @!p1 $0xFFFFFD80  }
0x9e: {  	_ =	sfence.sel $0x180000  }
0x9f: {  	[bflag:$0x0] =	sbarrier.arrive $0xFFFF  }
0xa0: {  	p0 =	sne.s32 s5, $0x0;
	_ =	strace $0x9000004A  }
0xa1: {  	s0 =	sadd.s32 @!p0 $0x100000, s0;
	[bflag:$0x2] =	sbarrier.arrive $0xFFFF  }
0xa2: {  	[sflag:s0] =	ssyncadd.tile.s32 @!p0 $0x1;
	_ =	shalt  }
.Lfunc_end2:
_tile_overlayer_lowered:
.L_overlay_start_2:
0xa3: {  	(tag) =	ssettag $0x2  }
0xa4: {  	s0 =	rddreg [dreg:$0x0];
	s2 =	stileid.u32  }
0xa5: {  	s1 =	rddreg [dreg:$0x1];
	p0 =	sne.s32 s2, $0x0  }
0xa6: {  	s3 =	rddreg [dreg:$0x2];
	[bflag:$0x3] =	sbarrier.arrive $0xFFFF;
	s2 =	simm.s32 @!p0 $0x1C02  }
0xa7: {  	[timem:s3], [sflag:s2] =	dma.local @!p0 [hbm:s0], s1  }
0xa8: {  	s0 =	simm.s32 @!p0 $0x2  }
0xa9: {  	_ =	swait.ge @!p0 [sflag:s0], s1  }
0xaa: {  	s1 =	ssub.s32 @!p0 $0x0, s1;
	[sflag:s0] =	ssyncset.done @!p0 $0x0  }
0xab: {  	[sflag:s0] =	ssyncadd.s32 @!p0 s1  }
0xac: {  	[bflag:$0x3] =	sbarrier.arrive $0xFFFF  }
0xad: {  	_ =	shalt  }

// kernel: kernel.9.cloned.1.call-start
scs
__scs_entry_jumppad:
0x0: {  	(pc) =	sbr.rel $0x88, $3  }
0x1: {  	(tag) =	ssettag $0x0;
	lr =	simm.s32 $0x1  }
0x2: {  	[smem:$0x3F98] =	sst lr;
	_ =	strace $0xD0000000  }
0x3: {  	_ = 	snop  }
0x4: {  	_ = 	snop  }
0x5: {  	_ = 	snop  }
0x6: {  	_ = 	snop  }
0x7: {  	_ = 	snop  }
__scs_overlays_trampoline_lowered:
0x8: {  	[smem:$0x3FA7] =	sst s0  }
0x9: {  	[smem:$0x3FA8] =	sst s1  }
0xa: {  	[smem:$0x3FA9] =	sst s2  }
0xb: {  	[smem:$0x3FAA] =	sst s3  }
0xc: {  	[smem:$0x3FAB] =	sst s4  }
0xd: {  	[smem:$0x3FAC] =	sst s5  }
0xe: {  	[smem:$0x3FAD] =	sst s6  }
0xf: {  	[smem:$0x3FAE] =	sst s7  }
0x10: {  	[smem:$0x3FAF] =	sst s8  }
0x11: {  	[smem:$0x3FB0] =	sst s9;
	s0 =	simm.s32 @!p0 $0x0  }
0x12: {  	s1 =	sld [smem:$0x3F96];
	s0 =	simm.s32 @p0 $0x1  }
0x13: {  	[smem:$0x3FB1] =	sst s0;
	s0 =	simm.s32 @!p1 $0x0  }
0x14: {  	s2 =	sld [smem:$0x3F95];
	s0 =	simm.s32 @p1 $0x1  }
0x15: {  	[smem:$0x3FB2] =	sst s0;
	s0 =	simm.s32 @!p2 $0x0  }
0x16: {  	s3 =	sld [smem:$0x3FDB];
	s0 =	simm.s32 @p2 $0x1  }
0x17: {  	s4 =	simm.s32 $0x1BF5;
	[smem:$0x3FB4] =	sst s0  }
0x18: {  	s0 =	sld [smem:$0x3F97];
	_ =	swait.ge [sflag:s4], $0x0  }
0x19: {  	s7 =	sld [smem:$0x3F98]  }
0x1a: {  	s8 =	sadd.s32 $0xFFFFE003, lr  }
0x1b: {  	s9 =	sadd.s32 $0xFFFFFEF7, lr;
	s5 =	simm.s32 $0xFFFFFFFF;
	p2 =	slt.u32 s8, $0xFFFFF086  }
0x1c: {  	p1 =	slt.u32 s9, $0xF7A;
	s5 =	simm.s32 @!p2 $0x0  }
0x1d: {  	s5 =	simm.s32 @p1 $0x1;
	p0 =	seq.s32 s7, s2  }
0x1e: {  	s7 =	smul.u32 @!p0 $0xF7A, s2;
	p2 =	seq.s32 @!p0 s5, $0x0  }
0x1f: {  	s9 =	smul.u32 $0xF7A, s1;
	s8 =	simm.s32 @!p0 $0x1BF5;
	p2 =	por !p2, p0  }
0x20: {  	[sflag:s8] =	ssyncset.s32 @!p0 $0xFFFFF086;
	s6 =	sadd.s32 @!p0 s3, s7;
	s7 =	simm.s32 @!p0 $0x108  }
0x21: {  	s3 =	sadd.s32 s3, s9;
	s6 =	sadd.s32 @!p0 $0x88, s6;
	s7 =	simm.s32 @p2 $0x1082  }
0x22: {  	[simem:s7], [sflag:s8] =	dma.local @!p0 [hbm:s6], $0xF7A  }
0x23: {  	s9 =	sor.u32 $0xD0000000, s2;
	s6 =	simm.s32 $0x108;
	_ =	swait.ge @!p0 [sflag:s8], $0x0  }
0x24: {  	s3 =	sadd.s32 $0x88, s3;
	s6 =	simm.s32 @!p1 $0x1082;
	[sflag:s4] =	ssyncset.s32 $0xFFFFF086  }
0x25: {  	[simem:s6], [sflag:s4] =	dma.local [hbm:s3], $0xF7A  }
0x26: {  	[smem:$0x3F98] =	sst s1;
	(tag) =	ssettag s2;
	_ =	strace s9  }
0x27: {  	s1 =	sld [smem:$0x3FA8]  }
0x28: {  	s2 =	sld [smem:$0x3FA9]  }
0x29: {  	s4 =	sld [smem:$0x3FAB]  }
0x2a: {  	p0 =	seq.s32 s5, $0x0;
	s5 =	sld [smem:$0x3FAC]  }
0x2b: {  	s6 =	sld [smem:$0x3FAD]  }
0x2c: {  	s7 =	sld [smem:$0x3FAE]  }
0x2d: {  	s3 =	simm.s32 $0x108;
	s8 =	sld [smem:$0x3FAF]  }
0x2e: {  	s3 =	simm.s32 @!p0 $0x1082;
	s9 =	sld [smem:$0x3FB0]  }
0x2f: {  	lr =	sadd.s32 s0, s3;
	s0 =	sld [smem:$0x3FA7]  }
0x30: {  	s3 =	sld [smem:$0x3FAA]  }
0x31: {  	[smem:$0x3FB3] =	sst s10  }
0x32: {  	s10 =	sld [smem:$0x3FB1];
	_ =	sdelay $0x3  }
0x33: {  	p0 =	seq.s32 s10, $0x1;
	s10 =	sld [smem:$0x3FB3];
	_ =	sdelay $0x3  }
0x34: {  	[smem:$0x3FB3] =	sst s10  }
0x35: {  	s10 =	sld [smem:$0x3FB2];
	_ =	sdelay $0x3  }
0x36: {  	p1 =	seq.s32 s10, $0x1;
	s10 =	sld [smem:$0x3FB3];
	_ =	sdelay $0x3  }
0x37: {  	[smem:$0x3FB3] =	sst s10  }
0x38: {  	s10 =	sld [smem:$0x3FB4]  }
0x39: {  	_ = 	snop;
	(pc) =	sbr.ind lr, $3  }
0x3a: {  	_ = 	snop  }
0x3b: {  	_ = 	snop  }
0x3c: {  	p2 =	seq.s32 s10, $0x1;
	s10 =	sld [smem:$0x3FB3]  }
0x3d: {  	_ =	shalt  }
0x3e: {  	_ =	shalt  }
0x3f: {  	_ =	shalt  }
0x40: {  	_ =	shalt  }
0x41: {  	_ =	shalt  }
0x42: {  	_ =	shalt  }
0x43: {  	_ =	shalt  }
0x44: {  	_ =	shalt  }
0x45: {  	_ =	shalt  }
0x46: {  	_ =	shalt  }
0x47: {  	_ =	shalt  }
0x48: {  	_ =	shalt  }
0x49: {  	_ =	shalt  }
0x4a: {  	_ =	shalt  }
0x4b: {  	_ =	shalt  }
0x4c: {  	_ =	shalt  }
0x4d: {  	_ =	shalt  }
0x4e: {  	_ =	shalt  }
0x4f: {  	_ =	shalt  }
0x50: {  	_ =	shalt  }
0x51: {  	_ =	shalt  }
0x52: {  	_ =	shalt  }
0x53: {  	_ =	shalt  }
0x54: {  	_ =	shalt  }
0x55: {  	_ =	shalt  }
0x56: {  	_ =	shalt  }
0x57: {  	_ =	shalt  }
0x58: {  	_ =	shalt  }
0x59: {  	_ =	shalt  }
0x5a: {  	_ =	shalt  }
0x5b: {  	_ =	shalt  }
0x5c: {  	_ =	shalt  }
0x5d: {  	_ =	shalt  }
0x5e: {  	_ =	shalt  }
0x5f: {  	_ =	shalt  }
0x60: {  	_ =	shalt  }
0x61: {  	_ =	shalt  }
0x62: {  	_ =	shalt  }
0x63: {  	_ =	shalt  }
0x64: {  	_ =	shalt  }
0x65: {  	_ =	shalt  }
0x66: {  	_ =	shalt  }
0x67: {  	_ =	shalt  }
0x68: {  	_ =	shalt  }
0x69: {  	_ =	shalt  }
0x6a: {  	_ =	shalt  }
0x6b: {  	_ =	shalt  }
0x6c: {  	_ =	shalt  }
0x6d: {  	_ =	shalt  }
0x6e: {  	_ =	shalt  }
0x6f: {  	_ =	shalt  }
0x70: {  	_ =	shalt  }
0x71: {  	_ =	shalt  }
0x72: {  	_ =	shalt  }
0x73: {  	_ =	shalt  }
0x74: {  	_ =	shalt  }
0x75: {  	_ =	shalt  }
0x76: {  	_ =	shalt  }
0x77: {  	_ =	shalt  }
0x78: {  	_ =	shalt  }
0x79: {  	_ =	shalt  }
0x7a: {  	_ =	shalt  }
0x7b: {  	_ =	shalt  }
0x7c: {  	_ =	shalt  }
0x7d: {  	_ =	shalt  }
0x7e: {  	_ =	shalt  }
0x7f: {  	_ =	shalt  }
0x80: {  	_ =	shalt  }
0x81: {  	_ =	shalt  }
0x82: {  	_ =	shalt  }
0x83: {  	_ =	shalt  }
0x84: {  	_ =	shalt  }
0x85: {  	_ =	shalt  }
0x86: {  	_ =	shalt  }
0x87: {  	_ =	shalt  }
.Lfunc_end0:
.L_simem_size_0:
called_computation.1_lowered:
.L_overlay_start_0:
0x88: {  	s2 =	sld [smem:$0x3FD9]  }
0x89: {  	s3 =	sld [smem:$0x3FFE];
	_ =	sdelay $0x1  }
0x8a: {  	s1 =	srdreg.scid  }
0x8b: {  	s0 =	sand.u32 $0x1, s1  }
0x8c: {  	s14 =	sshll.u32 s0, $0xA;
	s2 =	sadd.s32 s3, s2  }
0x8d: {  	s2 =	sadd.s32 s2, s14  }
0x8e: {  	[smem:$0x3FBF] =	sst s2  }
0x8f: {  	_ = 	snop  }
0x90: {  	s2 =	sld [smem:$0x3FD0];
	_ =	sdelay $0x2  }
0x91: {  	s4 =	simm.s32 $0xB;
	s5 =	simm.s32 $0x10;
	s15 =	sld [smem:$0x3FC7]  }
0x92: {  	[smem:s5], [sflag:s4] =	dma.local [hbm:s2], $0x1  }
0x93: {  	_ =	swait.eq [sflag:s4], $0x1  }
0x94: {  	[sflag:s4] =	ssyncset.done $0x0  }
0x95: {  	[sflag:s4] =	ssyncadd.s32 $0xFFFFFFFF  }
0x96: {  	s16 =	sld [smem:$0x11];
	(tm) =	ssettm $0x1  }
0x97: {  	s17 =	sld [smem:$0x3FFB];
	_ =	sdelay $0x3  }
0x98: {  	_ =	strace s17  }
0x99: {  	s4 =	sld [smem:$0x3FFC];
	_ =	sdelay $0x3  }
0x9a: {  	_ =	strace s4  }
0x9b: {  	s4 =	sld [smem:$0x3FFD];
	_ =	sdelay $0x3  }
0x9c: {  	_ =	strace s4  }
0x9d: {  	_ =	strace $0x8FFFFFFF  }
0x9e: {  	s18 =	sld [smem:$0x3FDB];
	_ =	sdelay $0x1  }
0x9f: {  	s19 =	simm.s32 $_scs_section_size  }
0xa0: {  	s6 =	simm.s32 $_size__tile_overlayer_lowered;
	s7 =	simm.s32 $_tile_overlayer_lowered  }
0xa1: {  	s22 =	simm.s32 $0x1BFF;
	s21 =	sshll.u32 s7, $0x1;
	s4 =	sadd.s32 s19, s18  }
0xa2: {  	s8 =	simm.s32 $0x0;
	s20 =	sshll.u32 s6, $0x1;
	s6 =	sadd.s32 s21, s4  }
0xa3: {  	[timem:s8], [sflag:s22] =	dma.local [hbm:s6], s20  }
0xa4: {  	_ =	swait.ge [sflag:s22], s20  }
0xa5: {  	s5 =	ssub.s32 $0x0, s20;
	[sflag:s22] =	ssyncset.done $0x0  }
0xa6: {  	[sflag:s22] =	ssyncadd.s32 s5;
	_ =	sdelay $0x1  }
0xa7: {  	s23 =	simm.s32 $0x1B8B  }
0xa8: {  	_ =	swait.ge [sflag:s23], $0x1  }
0xa9: {  	[sflag:s23] =	ssyncset.done $0x0  }
0xaa: {  	s25 =	simm.s32 $0x1B8E;
	s24 =	sld [smem:$0x3FFE];
	[sflag:s23] =	ssyncadd.s32 $0xFFFFFFFF  }
0xab: {  	s26 =	simm.s32 $execute0_lowered;
	[smem:$0x3FD2] =	sst s25  }
0xac: {  	s6 =	sshll.u32 s26, $0x1;
	_ =	strace $0x80000046;
	[dreg:$0x1] =	wrdreg $0xFFFFFFFF  }
0xad: {  	s28 =	simm.s32 $_size_execute0_lowered;
	s4 =	sadd.s32 s4, s6;
	[dreg:$0x0] =	wrdreg $0x0  }
0xae: {  	s6 =	sshll.u32 s28, $0x1;
	[dreg:$0x2] =	wrdreg s4  }
0xaf: {  	[dreg:$0x3] =	wrdreg s6  }
0xb0: {  	[dreg:$0x4] =	wrdreg $0xC0  }
0xb1: {  	_ =	task [dreg:s8], $0x5FFFF  }
0xb2: {  	[dreg:$0x1] =	wrdreg $0xFFFFFFFF  }
0xb3: {  	[dreg:$0x0] =	wrdreg $0x60  }
0xb4: {  	[dreg:$0x2] =	wrdreg s24  }
0xb5: {  	[dreg:$0x3] =	wrdreg s16  }
0xb6: {  	[dreg:$0x4] =	wrdreg s15  }
0xb7: {  	[dreg:$0x5] =	wrdreg $0xBC800  }
0xb8: {  	[dreg:$0x6] =	wrdreg $0xA  }
0xb9: {  	_ =	task.clear_ibuf [dreg:s8], $0x7FFFF;
	_ =	strace $0x90000046  }
0xba: {  	s29 =	simm.s32 $0xA;
	_ =	strace $0x80000048  }
0xbb: {  	_ =	swait.ge [sflag:s29], $0x1  }
0xbc: {  	[sflag:s29] =	ssyncadd.s32 $0xFFFFFFFF  }
0xbd: {  	_ =	strace $0x90000048  }
0xbe: {  	_ =	sfence  }
0xbf: {  	s30 =	sld [smem:$0x0];
	_ =	sdelay $0x2  }
0xc0: {  	s31 =	sshll.u32 s1, $0xD;
	s1 =	sshrl.u32 s1, $0x2  }
0xc1: {  	s3 =	sand.u32 $0x4000, s31;
	s1 =	sadd.s32 s1, s30  }
0xc2: {  	s0 =	sor.u32 s3, s0;
	s1 =	sshll.u32 s1, $0x11  }
0xc3: {  	s0 =	sor.u32 s1, s0  }
0xc4: {  	s0 =	sadd.s32 $0x8F2B, s0  }
0xc5: {  	[sflag:s0] =	ssyncadd.remote.s32 $0x1  }
0xc6: {  	_ =	sfence.sel $0xFFFF  }
0xc7: {  	[dreg:$0x0] =	wrdreg $0xFFFFFFFF;
	(pc) =	sbr.abs _section_cstart, $3  }
0xc8: {  	[dreg:$0x1] =	wrdreg $0xFFFFFFFF  }
0xc9: {  	_ =	task.clear_ibuf [dreg:s8], $0x2FFFF;
	_ =	strace $0x9FFFFFFF  }
0xca: {  	(tm) =	ssettm $0x7FFFFFFF  }
0xcb: {  	_ =	shalt  }
tec
execute0_lowered:
.L_overlay_start_1:
0x0: {  	(tag) =	ssettag $0x1  }
0x1: {  	s0 =	rddreg [dreg:$0x0]  }
0x2: {  	s1 =	rddreg [dreg:$0x1]  }
0x3: {  	s19 =	rddreg [dreg:$0x3];
	s20 =	simm.s32 $0x0  }
0x4: {  	s2 =	srdreg.scid;
	s11 =	stileid.u32;
	s21 =	simm.s32 $0x2  }
0x5: {  	s22 =	simm.s32 $0x80;
	s25 =	simm.s32 $0x6500;
	s29 =	simm.s32 $0x9480  }
0x6: {  	[smem:$0x7FF] =	sst s20;
	s5 =	sadd.s32 $0x1EB200, s0;
	s6 =	sadd.s32 $0x16600, s0  }
0x7: {  	s7 =	sadd.s32 $0xC800, s0;
	s8 =	sadd.s32 $0x2A00, s0;
	s9 =	sadd.s32 $0x239400, s0  }
0x8: {  	s28 =	simm.s32 $0x28;
	s10 =	sadd.s32 $0x260600, s0;
	s12 =	sadd.s32 $0x287800, s0  }
0x9: {  	s13 =	sadd.s32 $0x2AEA00, s0;
	s2 =	sand.u32 $0x1, s2;
	s14 =	sadd.s32 $0x2D5C00, s0  }
0xa: {  	s18 =	smul.u32 $0x5000, s11;
	s15 =	sadd.s32 $0x2FCE00, s0;
	s17 =	sadd.s32 $0x100, s1  }
0xb: {  	s31 =	smul.u32 $0x280, s11;
	_ =	strace $0x80000047;
	s3 =	ssub.s32 $0x2, s2  }
0xc: {  	s4 =	smul.u32 $0xFA0, s2;
	s16 =	sshrl.u32 s3, $0x1;
	s30 =	sshrl.u32 s18, $0x2  }
0xd: {  	v3 =	vlaneseq.u32;
	v0 =	vimm.f32 $0.0e+00;
	[dreg:$0x8] =	wrdreg s31;
	s26 =	ssub.s32 s3, s16;
	s24 =	sadd.s32 s30, s19  }
0xe: {  	vm0 =	vmmov $0xffff;
	vm1 =	vmmov $0xff;
	v2 =	vshrl.u32 v3, $0x3;
	p0 =	seq.s32 s2, $0x1;
	s0 =	smax.u32 s26, $0x1;
	[dreg:$0x7] =	wrdreg s24  }
0xf: {  	v1 =	vand.u32 $0x7, v3;
	v3 =	vor.u32 $0x8, v3;
	v2 =	vmul.u32 $0x8, v2;
	s16 =	sor.u32 s11, s4;
	s26 =	simm.s32 $0x1;
	[dreg:$0x6] =	wrdreg s0  }
.LBB2_1:
0x10: {  	s0 =	simm.s32 $0x0;
	s2 =	simm.s32 $0x200  }
.LBB2_2:
0x11: {  	p1 =	sne.s32 s2, $0x4E00;
	[tilespmem:s0+$0xA8F0] =	vst v0  }
0x12: {  	[tilespmem:s0+$0xA880] =	vst v0  }
0x13: {  	[tilespmem:s0+$0xA890] =	vst v0  }
.Ltmp0:
0x14: {  	[tilespmem:s0+$0xA8A0] =	vst v0;
	(pc) =	sbr.rel @p1 .LBB2_2-.Ltmp0, $4  }
0x15: {  	[tilespmem:s0+$0xA8B0] =	vst v0  }
0x16: {  	[tilespmem:s0+$0xA8C0] =	vst v0  }
0x17: {  	[tilespmem:s0+$0xA8D0] =	vst v0  }
0x18: {  	[tilespmem:s0+$0xA8E0] =	vst v0;
	s0 =	sshra.s32 s2, $0x2;
	s2 =	sadd.s32 $0x200, s2  }
0x19: {  	[tilespmem:s0+$0xA8F0] =	vst v0  }
0x1a: {  	[tilespmem:s0+$0xA880] =	vst v0  }
0x1b: {  	[tilespmem:s0+$0xA890] =	vst v0  }
0x1c: {  	[tilespmem:s0+$0xA8A0] =	vst v0  }
0x1d: {  	[tilespmem:s0+$0xA8B0] =	vst v0  }
0x1e: {  	[tilespmem:s0+$0xA8C0] =	vst v0;
	s2 =	sadd.s32 $0x0, s11  }
0x1f: {  	[tilespmem:s0+$0xA8D0] =	vst v0;
	p1 =	sgt.u32 s2, $0xF9  }
0x20: {  	[dreg:$0x5] =	wrdreg s20;
	[tilespmem:s0+$0xA8E0] =	vst v0;
	s0 =	simm.s32 @!p1 $0xA880;
	s4 =	simm.s32 @!p1 $0x2  }
0x21: {  	[spmem:s24] =	stream.linear.scatter @!p1 [tilespmem:s0], [sflag:$0x2], $0x1400, $0x38;
	[tilespmem:$0x1F540] =	vst v63  }
0x22: {  	s3 =	simm.s32 $0x20;
	_ =	swait.ge @!p1 [sflag:s4], $0x1400  }
0x23: {  	s2 =	simm.s32 $0x10;
	s0 =	sadd.s32 $0x14000, s24;
	[sflag:s4] =	ssyncset.done @!p1 $0x0  }
.LBB2_4:
0x24: {  	s18 =	sadd.s32 s2, s11;
	s2 =	smov.u32 s3;
	s3 =	sadd.s32 $0x10, s3  }
0x25: {  	[sflag:s4] =	ssyncadd.s32 @!p1 $0xFFFFEC00;
	p2 =	sne.s32 s3, $0x100  }
.Ltmp1:
0x26: {  	p1 =	sgt.u32 s18, $0xF9;
	(pc) =	sbr.rel @p2 .LBB2_4-.Ltmp1, $4  }
0x27: {  	s18 =	simm.s32 @!p1 $0xA880;
	s4 =	simm.s32 @!p1 $0x2  }
0x28: {  	[spmem:s0] =	stream.linear.scatter @!p1 [tilespmem:s18], [sflag:$0x2], $0x1400, $0x38;
	[tilespmem:$0x1F540] =	vst v63  }
0x29: {  	_ =	swait.ge @!p1 [sflag:s4], $0x1400  }
0x2a: {  	s0 =	sadd.s32 $0x14000, s0;
	[sflag:s4] =	ssyncset.done @!p1 $0x0  }
0x2b: {  	s2 =	sadd.s32 s2, s11  }
0x2c: {  	p2 =	sgt.u32 s2, $0xF9  }
0x2d: {  	[sflag:s4] =	ssyncadd.s32 @!p1 $0xFFFFEC00;
	s2 =	simm.s32 @!p2 $0xA880;
	s3 =	simm.s32 @!p2 $0x2  }
0x2e: {  	[spmem:s0] =	stream.linear.scatter @!p2 [tilespmem:s2], [sflag:$0x2], $0x1400, $0x38;
	[tilespmem:$0x1F540] =	vst v63  }
0x2f: {  	_ =	swait.ge @!p2 [sflag:s3], $0x1400  }
0x30: {  	[sflag:s3] =	ssyncset.done @!p2 $0x0  }
0x31: {  	[sflag:s3] =	ssyncadd.s32 @!p2 $0xFFFFEC00  }
0x32: {  	s30 =	simm.s32 $0x0;
	s31 =	simm.s32 $0x0;
	[bflag:$0x0] =	sbarrier.arrive $0xFFFF  }
.LBB2_6:
0x33: {  	s0 =	sshll.u32 s31, $0x4  }
0x34: {  	s2 =	sadd.s32 s16, s0  }
0x35: {  	s0 =	smul.u32 $0x5, s2;
	_ =	sdelay $0x1  }
0x36: {  	s3 =	sadd.s32 s8, s0  }
0x37: {  	[tilespmem:s30], [sflag:$0x2] =	stream.linear.gather [hbm4b:s3+s30], $0x28, $0x38;
	[tilespmem:$0x1F540] =	vst v63  }
0x38: {  	_ =	swait.ge [sflag:s21], $0x28  }
0x39: {  	[sflag:s21] =	ssyncset.done $0x0  }
0x3a: {  	s0 =	sadd.s32 s7, s0;
	[sflag:s21] =	ssyncadd.s32 $0xFFFFFFD8  }
0x3b: {  	[tilespmem:s22], [sflag:$0x2] =	stream.linear.gather [hbm4b:s0+s30], $0x28, $0x38;
	[tilespmem:$0x1F540] =	vst v63  }
0x3c: {  	s18 =	smul.u32 $0xF0, s2;
	_ =	swait.ge [sflag:s21], $0x28  }
0x3d: {  	[sflag:s21] =	ssyncset.done $0x0  }
0x3e: {  	s19 =	sadd.s32 s6, s18;
	s0 =	simm.s32 $0x8D00;
	[sflag:s21] =	ssyncadd.s32 $0xFFFFFFD8  }
0x3f: {  	[tilespmem:s0], [sflag:$0x2] =	stream.linear.gather [hbm4b:s19+s30], $0x780, $0x38;
	[tilespmem:$0x1F540] =	vst v63  }
0x40: {  	_ =	swait.ge [sflag:s21], $0x780  }
0x41: {  	[sflag:s21] =	ssyncset.done $0x0  }
0x42: {  	[sflag:s21] =	ssyncadd.s32 $0xFFFFF880  }
0x43: {  	v4 =	vld [tilespmem:$0x0];
	_ =	sdelay $0x4  }
0x44: {  	v5 =	vshll.u32 v4, $0x1  }
0x45: {  	v4 =	vand.u32 $0x7, v4;
	v5 =	vand.u32 $0xFFFFFFF0, v5  }
0x46: {  	v4 =	vor.u32 v4, v5  }
0x47: {  	v5 =	vperm.xlane v4, v1;
	_ =	sdelay $0x1  }
0x48: {  	v4 =	vperm.xlane v4, v3;
	v5 =	vadd.s32 v2, v5;
	_ =	sdelay $0x1  }
0x49: {  	v4 =	vadd.s32 v2, v4;
	_ =	sdelay $0x1  }
0x4a: {  	s20 =	simm.s32 $0x100  }
0x4b: {  	[tilespmem:s20], [sflag:$0x1] =	stream.indirect_vreg.gather [hbm4b:s5+s30], $0x80, v5, vm0, $0xb8;
	[tilespmem:$0x1F540] =	vst v63  }
0x4c: {  	s23 =	simm.s32 $0x900  }
0x4d: {  	[tilespmem:s23], [sflag:$0x1] =	stream.indirect_vreg.gather [hbm4b:s5+s30], $0x80, v4, vm0, $0xb8;
	[tilespmem:$0x1F540] =	vst v63  }
0x4e: {  	v4 =	vld [tilespmem:$0x10];
	_ =	sdelay $0x4  }
0x4f: {  	v5 =	vshll.u32 v4, $0x1  }
0x50: {  	v4 =	vand.u32 $0x7, v4;
	v5 =	vand.u32 $0xFFFFFFF0, v5  }
0x51: {  	v4 =	vor.u32 v4, v5  }
0x52: {  	v5 =	vperm.xlane v4, v1;
	_ =	sdelay $0x1  }
0x53: {  	v4 =	vperm.xlane v4, v3;
	v5 =	vadd.s32 v2, v5;
	_ =	sdelay $0x1  }
0x54: {  	v4 =	vadd.s32 v2, v4;
	_ =	sdelay $0x1  }
0x55: {  	s24 =	simm.s32 $0x1100  }
0x56: {  	[tilespmem:s24], [sflag:$0x1] =	stream.indirect_vreg.gather [hbm4b:s5+s30], $0x80, v5, vm0, $0xb8;
	[tilespmem:$0x1F540] =	vst v63  }
0x57: {  	s4 =	simm.s32 $0x1900  }
0x58: {  	[tilespmem:s4], [sflag:$0x1] =	stream.indirect_vreg.gather [hbm4b:s5+s30], $0x80, v4, vm0, $0xb8;
	[tilespmem:$0x1F540] =	vst v63  }
0x59: {  	v4 =	vld.msk [tilespmem:$0x20], $0xff;
	_ =	sdelay $0x4  }
0x5a: {  	v5 =	vshll.u32 v4, $0x1  }
0x5b: {  	v4 =	vand.u32 $0x7, v4;
	v5 =	vand.u32 $0xFFFFFFF0, v5  }
0x5c: {  	v4 =	vor.u32 v4, v5  }
0x5d: {  	v4 =	vperm.xlane v4, v1;
	_ =	sdelay $0x1  }
0x5e: {  	v4 =	vadd.s32 v2, v4;
	_ =	sdelay $0x3  }
0x5f: {  	s18 =	simm.s32 $0x2100  }
0x60: {  	[tilespmem:s18], [sflag:$0x1] =	stream.indirect_vreg.gather [hbm4b:s5+s30], $0x80, v4, vm0, $0xb8;
	[tilespmem:$0x1F540] =	vst v63  }
0x61: {  	v4 =	vld [tilespmem:$0x0];
	_ =	sdelay $0x4  }
0x62: {  	v5 =	vshrl.u32 v4, $0x3  }
0x63: {  	v5 =	vmul.u32 $0x18, v5  }
0x64: {  	v4 =	vand.u32 $0x7, v4  }
0x65: {  	v4 =	vor.u32 v4, v5  }
0x66: {  	v5 =	vperm.xlane v4, v1;
	_ =	sdelay $0x1  }
0x67: {  	v5 =	vadd.s32 v2, v5;
	_ =	sdelay $0x1  }
0x68: {  	v4 =	vperm.xlane v4, v3;
	_ =	sdelay $0x1  }
0x69: {  	s19 =	simm.s32 $0x2900;
	v4 =	vadd.s32 v2, v4  }
0x6a: {  	[tilespmem:s19], [sflag:$0x1] =	stream.indirect_vreg.gather [hbm4b:s1+s30], $0x80, v5, vm0, $0xb8;
	[tilespmem:$0x1F540] =	vst v63  }
0x6b: {  	s20 =	simm.s32 $0x3100  }
0x6c: {  	[tilespmem:s20], [sflag:$0x1] =	stream.indirect_vreg.gather [hbm4b:s17+s30], $0x80, v5, vm1, $0xb8;
	[tilespmem:$0x1F540] =	vst v63  }
0x6d: {  	s23 =	simm.s32 $0x3500  }
0x6e: {  	[tilespmem:s23], [sflag:$0x1] =	stream.indirect_vreg.gather [hbm4b:s1+s30], $0x80, v4, vm0, $0xb8;
	[tilespmem:$0x1F540] =	vst v63  }
0x6f: {  	s24 =	simm.s32 $0x3D00  }
0x70: {  	[tilespmem:s24], [sflag:$0x1] =	stream.indirect_vreg.gather [hbm4b:s17+s30], $0x80, v4, vm1, $0xb8;
	[tilespmem:$0x1F540] =	vst v63  }
0x71: {  	v4 =	vld [tilespmem:$0x10];
	_ =	sdelay $0x4  }
0x72: {  	v5 =	vshrl.u32 v4, $0x3  }
0x73: {  	v5 =	vmul.u32 $0x18, v5  }
0x74: {  	v4 =	vand.u32 $0x7, v4  }
0x75: {  	v4 =	vor.u32 v4, v5  }
0x76: {  	v5 =	vperm.xlane v4, v1;
	_ =	sdelay $0x1  }
0x77: {  	v5 =	vadd.s32 v2, v5;
	_ =	sdelay $0x1  }
0x78: {  	v4 =	vperm.xlane v4, v3;
	_ =	sdelay $0x1  }
0x79: {  	s4 =	simm.s32 $0x4100;
	v4 =	vadd.s32 v2, v4  }
0x7a: {  	[tilespmem:s4], [sflag:$0x1] =	stream.indirect_vreg.gather [hbm4b:s1+s30], $0x80, v5, vm0, $0xb8;
	[tilespmem:$0x1F540] =	vst v63  }
0x7b: {  	s18 =	simm.s32 $0x4900  }
0x7c: {  	[tilespmem:s18], [sflag:$0x1] =	stream.indirect_vreg.gather [hbm4b:s17+s30], $0x80, v5, vm1, $0xb8;
	[tilespmem:$0x1F540] =	vst v63  }
0x7d: {  	s19 =	simm.s32 $0x4D00  }
0x7e: {  	[tilespmem:s19], [sflag:$0x1] =	stream.indirect_vreg.gather [hbm4b:s1+s30], $0x80, v4, vm0, $0xb8;
	[tilespmem:$0x1F540] =	vst v63  }
0x7f: {  	s20 =	simm.s32 $0x5500  }
0x80: {  	[tilespmem:s20], [sflag:$0x1] =	stream.indirect_vreg.gather [hbm4b:s17+s30], $0x80, v4, vm1, $0xb8;
	[tilespmem:$0x1F540] =	vst v63  }
0x81: {  	v4 =	vld.msk [tilespmem:$0x20], $0xff;
	_ =	sdelay $0x4  }
0x82: {  	v5 =	vshrl.u32 v4, $0x3  }
0x83: {  	v5 =	vmul.u32 $0x18, v5  }
0x84: {  	v4 =	vand.u32 $0x7, v4  }
0x85: {  	v4 =	vor.u32 v4, v5  }
0x86: {  	v4 =	vperm.xlane v4, v1;
	_ =	sdelay $0x1  }
0x87: {  	v4 =	vadd.s32 v2, v4;
	_ =	sdelay $0x1  }
0x88: {  	s2 =	smul.u32 $0x3C00, s2;
	_ =	sdelay $0x1  }
0x89: {  	s2 =	sshrl.u32 s2, $0x3;
	s23 =	simm.s32 $0x5900;
	s4 =	rddreg [dreg:$0x2]  }
0x8a: {  	[tilespmem:s23], [sflag:$0x1] =	stream.indirect_vreg.gather [hbm4b:s1+s30], $0x80, v4, vm0, $0xb8;
	[tilespmem:$0x1F540] =	vst v63  }
0x8b: {  	s24 =	simm.s32 $0x6100;
	s2 =	sadd.s32 s4, s2  }
0x8c: {  	[tilespmem:s24], [sflag:$0x1] =	stream.indirect_vreg.gather [hbm4b:s17+s30], $0x80, v4, vm1, $0xb8;
	[tilespmem:$0x1F540] =	vst v63  }
0x8d: {  	s4 =	simm.s32 $0xC00;
	s2 =	sadd.s32 $0x80, s2;
	s18 =	simm.s32 $0x800  }
0x8e: {  	[tilespmem:s25], [sflag:$0x1] =	stream.strided.gather [hbm4b:s2+s18], $0x2800, s4, s18, $0x38;
	[tilespmem:$0x1F540] =	vst v63  }
0x8f: {  	_ =	swait.ge [sflag:s26], $0x2800  }
0x90: {  	[sflag:s26] =	ssyncset.done $0x0  }
0x91: {  	[sflag:s26] =	ssyncadd.s32 $0xFFFFD800  }
0x92: {  	_ =	swait.ge [sflag:s26], $0x3C00  }
0x93: {  	[sflag:s26] =	ssyncset.done $0x0  }
0x94: {  	[sflag:s26] =	ssyncadd.s32 $0xFFFFC400  }
0x95: {  	_ =	swait.ge [sflag:s26], $0x2800  }
0x96: {  	s19 =	simm.s32 $0x0;
	s20 =	sand.u32 $0x380, s30;
	[sflag:s26] =	ssyncset.done $0x0  }
0x97: {  	s23 =	simm.s32 $0x0;
	s18 =	sor.u32 s20, s19;
	[sflag:s26] =	ssyncadd.s32 $0xFFFFD800  }
0x98: {  	s24 =	smul.u32 $0x3000, s23;
	v4 =	vld [tilespmem:s18+$0x6900]  }
0x99: {  	v5 =	vld [tilespmem:s18+$0x100]  }
0x9a: {  	s2 =	sshra.s32 s24, $0x2;
	v6 =	vld [tilespmem:s18+$0x500]  }
0x9b: {  	s4 =	sor.u32 s20, s2;
	v7 =	vld [tilespmem:s18+$0x6500]  }
0x9c: {  	v8 =	vld [tilespmem:s4+$0x2900]  }
0x9d: {  	v9 =	vld [tilespmem:s0+$0x0];
	_ =	sdelay $0x2  }
0x9e: {  	v4 =	vmul.f32 v4, v6;
	v5 =	vmul.f32 v7, v5;
	_ =	sdelay $0x1  }
0x9f: {  	v4 =	vmul.f32 v8, v4;
	v5 =	vmul.f32 v9, v5;
	_ =	sdelay $0x1  }
0xa0: {  	v4 =	vadd.f32 v4, v5  }
0xa1: {  	s20 =	simm.s32 $0x94C0  }
0xa2: {  	[tilespmem:s20+$0xFFFFFFC0] =	vst v4  }
0xa3: {  	v4 =	vld [tilespmem:s18+$0x510]  }
0xa4: {  	v5 =	vld [tilespmem:s18+$0x6510]  }
0xa5: {  	v6 =	vld [tilespmem:s18+$0x110]  }
0xa6: {  	v7 =	vld [tilespmem:s18+$0x6910]  }
0xa7: {  	v8 =	vld [tilespmem:s4+$0x2910]  }
0xa8: {  	v9 =	vld [tilespmem:s0+$0x0];
	_ =	sdelay $0x2  }
0xa9: {  	v5 =	vmul.f32 v5, v6;
	v4 =	vmul.f32 v7, v4;
	_ =	sdelay $0x1  }
0xaa: {  	v5 =	vmul.f32 v9, v5;
	v4 =	vmul.f32 v8, v4;
	_ =	sdelay $0x1  }
0xab: {  	v4 =	vadd.f32 v4, v5;
	_ =	sdelay $0x1  }
0xac: {  	[tilespmem:s20+$0xFFFFFFD0] =	vst v4  }
0xad: {  	v4 =	vld [tilespmem:s18+$0x520]  }
0xae: {  	v5 =	vld [tilespmem:s18+$0x6520]  }
0xaf: {  	v6 =	vld [tilespmem:s18+$0x120]  }
0xb0: {  	v7 =	vld [tilespmem:s18+$0x6920]  }
0xb1: {  	v8 =	vld [tilespmem:s4+$0x2920]  }
0xb2: {  	v9 =	vld [tilespmem:s0+$0x0];
	_ =	sdelay $0x2  }
0xb3: {  	v5 =	vmul.f32 v5, v6;
	v4 =	vmul.f32 v7, v4;
	_ =	sdelay $0x1  }
0xb4: {  	v5 =	vmul.f32 v9, v5;
	v4 =	vmul.f32 v8, v4;
	_ =	sdelay $0x1  }
0xb5: {  	v4 =	vadd.f32 v4, v5;
	_ =	sdelay $0x1  }
0xb6: {  	[tilespmem:s20+$0xFFFFFFE0] =	vst v4  }
0xb7: {  	v4 =	vld [tilespmem:s18+$0x6930]  }
0xb8: {  	v5 =	vld [tilespmem:s18+$0x130]  }
0xb9: {  	v6 =	vld [tilespmem:s18+$0x6530]  }
0xba: {  	v7 =	vld [tilespmem:s18+$0x530]  }
0xbb: {  	v8 =	vld [tilespmem:s0+$0x0]  }
0xbc: {  	v9 =	vld [tilespmem:s4+$0x2930];
	_ =	sdelay $0x2  }
0xbd: {  	v5 =	vmul.f32 v6, v5;
	v4 =	vmul.f32 v4, v7;
	_ =	sdelay $0x1  }
0xbe: {  	v5 =	vmul.f32 v8, v5;
	v4 =	vmul.f32 v9, v4;
	_ =	sdelay $0x1  }
0xbf: {  	v4 =	vadd.f32 v4, v5;
	_ =	sdelay $0x1  }
0xc0: {  	[tilespmem:s20+$0xFFFFFFF0] =	vst v4  }
0xc1: {  	v4 =	vld [tilespmem:s18+$0x6540]  }
0xc2: {  	v5 =	vld [tilespmem:s18+$0x6940]  }
0xc3: {  	v6 =	vld [tilespmem:s18+$0x540]  }
0xc4: {  	v7 =	vld [tilespmem:s18+$0x140]  }
0xc5: {  	v8 =	vld [tilespmem:s4+$0x2940]  }
0xc6: {  	v9 =	vld [tilespmem:s0+$0x0];
	_ =	sdelay $0x2  }
0xc7: {  	v5 =	vmul.f32 v5, v6;
	v4 =	vmul.f32 v4, v7;
	_ =	sdelay $0x1  }
0xc8: {  	v5 =	vmul.f32 v8, v5;
	v4 =	vmul.f32 v9, v4;
	_ =	sdelay $0x1  }
0xc9: {  	v4 =	vadd.f32 v5, v4;
	_ =	sdelay $0x1  }
0xca: {  	[tilespmem:s20+$0x0] =	vst v4  }
0xcb: {  	v4 =	vld [tilespmem:s18+$0x150]  }
0xcc: {  	v5 =	vld [tilespmem:s18+$0x6950]  }
0xcd: {  	v6 =	vld [tilespmem:s18+$0x6550]  }
0xce: {  	v7 =	vld [tilespmem:s18+$0x550]  }
0xcf: {  	v8 =	vld [tilespmem:s0+$0x0]  }
0xd0: {  	v9 =	vld [tilespmem:s4+$0x2950];
	_ =	sdelay $0x2  }
0xd1: {  	v4 =	vmul.f32 v6, v4;
	v5 =	vmul.f32 v5, v7;
	_ =	sdelay $0x1  }
0xd2: {  	v4 =	vmul.f32 v8, v4;
	v5 =	vmul.f32 v9, v5;
	_ =	sdelay $0x1  }
0xd3: {  	v4 =	vadd.f32 v5, v4;
	_ =	sdelay $0x1  }
0xd4: {  	[tilespmem:s20+$0x10] =	vst v4  }
0xd5: {  	v4 =	vld [tilespmem:s18+$0x6560]  }
0xd6: {  	v5 =	vld [tilespmem:s18+$0x560]  }
0xd7: {  	v6 =	vld [tilespmem:s18+$0x160]  }
0xd8: {  	s3 =	simm.s32 $0x1;
	v8 =	vld [tilespmem:s18+$0x6960]  }
0xd9: {  	s23 =	simm.s32 $0x0;
	s19 =	simm.s32 $0x94C0;
	s2 =	simm.s32 $0x8D00;
	v7 =	vld [tilespmem:s0+$0x0]  }
.LBB2_7:
0xda: {  	v9 =	vld [tilespmem:s4+$0x2960];
	s0 =	sadd.s32 $0x30, s0;
	s23 =	sadd.s32 $0x80, s23;
	s20 =	sadd.s32 $0x80, s20  }
0xdb: {  	p1 =	sne.s32 s3, $0x27;
	s24 =	smov.u32 s3;
	s3 =	sadd.s32 $0x1, s3  }
0xdc: {  	v4 =	vmul.f32 v4, v6  }
0xdd: {  	v5 =	vmul.f32 v8, v5;
	_ =	sdelay $0x1  }
0xde: {  	v4 =	vmul.f32 v7, v4;
	v5 =	vmul.f32 v9, v5;
	_ =	sdelay $0x1  }
0xdf: {  	v4 =	vadd.f32 v5, v4;
	_ =	sdelay $0x1  }
0xe0: {  	[tilespmem:s19+$0x20] =	vst v4  }
0xe1: {  	v4 =	vld [tilespmem:s18+$0x170]  }
0xe2: {  	v5 =	vld [tilespmem:s4+$0x2970]  }
0xe3: {  	v6 =	vld [tilespmem:s18+$0x570]  }
0xe4: {  	v7 =	vld [tilespmem:s18+$0x6970]  }
0xe5: {  	v8 =	vld [tilespmem:s18+$0x6570]  }
0xe6: {  	v9 =	vld [tilespmem:s2+$0x0];
	s2 =	smov.u32 s0;
	_ =	sdelay $0x2  }
0xe7: {  	v6 =	vmul.f32 v7, v6  }
0xe8: {  	v4 =	vmul.f32 v8, v4  }
0xe9: {  	v5 =	vmul.f32 v5, v6  }
0xea: {  	v4 =	vmul.f32 v9, v4;
	_ =	sdelay $0x1  }
0xeb: {  	s4 =	sshrl.u32 s24, $0x3;
	v4 =	vadd.f32 v5, v4  }
0xec: {  	s24 =	sand.u32 $0x380, s23;
	s18 =	sshll.u32 s4, $0xB;
	s4 =	smul.u32 $0x3000, s4  }
0xed: {  	s18 =	sor.u32 s24, s18;
	[tilespmem:s19+$0x30] =	vst v4;
	s19 =	smov.u32 s20  }
0xee: {  	s4 =	sshra.s32 s4, $0x2;
	v4 =	vld [tilespmem:s18+$0x6900]  }
0xef: {  	s4 =	sor.u32 s24, s4;
	v5 =	vld [tilespmem:s18+$0x100]  }
0xf0: {  	v6 =	vld [tilespmem:s18+$0x500]  }
0xf1: {  	v7 =	vld [tilespmem:s18+$0x6500]  }
0xf2: {  	v8 =	vld [tilespmem:s4+$0x2900]  }
0xf3: {  	v9 =	vld [tilespmem:s0+$0x0];
	_ =	sdelay $0x1  }
0xf4: {  	v4 =	vmul.f32 v4, v6  }
0xf5: {  	v5 =	vmul.f32 v7, v5  }
0xf6: {  	v4 =	vmul.f32 v8, v4  }
0xf7: {  	v5 =	vmul.f32 v9, v5;
	_ =	sdelay $0x1  }
0xf8: {  	v4 =	vadd.f32 v4, v5;
	_ =	sdelay $0x1  }
0xf9: {  	[tilespmem:s20+$0xFFFFFFC0] =	vst v4  }
0xfa: {  	v4 =	vld [tilespmem:s18+$0x510]  }
0xfb: {  	v5 =	vld [tilespmem:s18+$0x6510]  }
0xfc: {  	v6 =	vld [tilespmem:s18+$0x110]  }
0xfd: {  	v7 =	vld [tilespmem:s18+$0x6910]  }
0xfe: {  	v8 =	vld [tilespmem:s4+$0x2910]  }
0xff: {  	v9 =	vld [tilespmem:s0+$0x0];
	_ =	sdelay $0x1  }
0x100: {  	v5 =	vmul.f32 v5, v6  }
0x101: {  	v4 =	vmul.f32 v7, v4;
	_ =	sdelay $0x1  }
0x102: {  	v5 =	vmul.f32 v9, v5;
	v4 =	vmul.f32 v8, v4;
	_ =	sdelay $0x1  }
0x103: {  	v4 =	vadd.f32 v4, v5;
	_ =	sdelay $0x1  }
0x104: {  	[tilespmem:s20+$0xFFFFFFD0] =	vst v4  }
0x105: {  	v4 =	vld [tilespmem:s18+$0x520]  }
0x106: {  	v5 =	vld [tilespmem:s18+$0x6520]  }
0x107: {  	v6 =	vld [tilespmem:s18+$0x120]  }
0x108: {  	v7 =	vld [tilespmem:s18+$0x6920]  }
0x109: {  	v8 =	vld [tilespmem:s4+$0x2920]  }
0x10a: {  	v9 =	vld [tilespmem:s0+$0x0];
	_ =	sdelay $0x1  }
0x10b: {  	v5 =	vmul.f32 v5, v6  }
0x10c: {  	v4 =	vmul.f32 v7, v4;
	_ =	sdelay $0x1  }
0x10d: {  	v5 =	vmul.f32 v9, v5;
	v4 =	vmul.f32 v8, v4;
	_ =	sdelay $0x1  }
0x10e: {  	v4 =	vadd.f32 v4, v5;
	_ =	sdelay $0x1  }
0x10f: {  	[tilespmem:s20+$0xFFFFFFE0] =	vst v4  }
0x110: {  	v4 =	vld [tilespmem:s18+$0x6930]  }
0x111: {  	v5 =	vld [tilespmem:s18+$0x130]  }
0x112: {  	v6 =	vld [tilespmem:s18+$0x6530]  }
0x113: {  	v7 =	vld [tilespmem:s18+$0x530]  }
0x114: {  	v8 =	vld [tilespmem:s0+$0x0]  }
0x115: {  	v9 =	vld [tilespmem:s4+$0x2930];
	_ =	sdelay $0x1  }
0x116: {  	v5 =	vmul.f32 v6, v5  }
0x117: {  	v4 =	vmul.f32 v4, v7;
	_ =	sdelay $0x1  }
0x118: {  	v5 =	vmul.f32 v8, v5;
	v4 =	vmul.f32 v9, v4;
	_ =	sdelay $0x1  }
0x119: {  	v4 =	vadd.f32 v4, v5;
	_ =	sdelay $0x1  }
0x11a: {  	[tilespmem:s20+$0xFFFFFFF0] =	vst v4  }
0x11b: {  	v4 =	vld [tilespmem:s18+$0x6540]  }
0x11c: {  	v5 =	vld [tilespmem:s18+$0x6940]  }
0x11d: {  	v6 =	vld [tilespmem:s18+$0x540]  }
0x11e: {  	v7 =	vld [tilespmem:s18+$0x140]  }
0x11f: {  	v8 =	vld [tilespmem:s4+$0x2940]  }
0x120: {  	v9 =	vld [tilespmem:s0+$0x0];
	_ =	sdelay $0x1  }
0x121: {  	v5 =	vmul.f32 v5, v6  }
0x122: {  	v4 =	vmul.f32 v4, v7  }
0x123: {  	v5 =	vmul.f32 v8, v5  }
0x124: {  	v4 =	vmul.f32 v9, v4;
	_ =	sdelay $0x1  }
0x125: {  	v4 =	vadd.f32 v5, v4;
	_ =	sdelay $0x1  }
0x126: {  	[tilespmem:s20+$0x0] =	vst v4  }
0x127: {  	v4 =	vld [tilespmem:s18+$0x150]  }
0x128: {  	v5 =	vld [tilespmem:s18+$0x6950]  }
0x129: {  	v6 =	vld [tilespmem:s18+$0x6550]  }
0x12a: {  	v7 =	vld [tilespmem:s18+$0x550]  }
0x12b: {  	v8 =	vld [tilespmem:s0+$0x0]  }
0x12c: {  	v9 =	vld [tilespmem:s4+$0x2950];
	_ =	sdelay $0x1  }
0x12d: {  	v4 =	vmul.f32 v6, v4  }
0x12e: {  	v5 =	vmul.f32 v5, v7;
	_ =	sdelay $0x1  }
0x12f: {  	v4 =	vmul.f32 v8, v4;
	v5 =	vmul.f32 v9, v5;
	_ =	sdelay $0x1  }
0x130: {  	v4 =	vadd.f32 v5, v4;
	_ =	sdelay $0x1  }
0x131: {  	[tilespmem:s20+$0x10] =	vst v4  }
.Ltmp2:
0x132: {  	v4 =	vld [tilespmem:s18+$0x6560];
	(pc) =	sbr.rel @p1 .LBB2_7-.Ltmp2, $4  }
0x133: {  	v5 =	vld [tilespmem:s18+$0x560]  }
0x134: {  	v6 =	vld [tilespmem:s18+$0x160]  }
0x135: {  	v8 =	vld [tilespmem:s18+$0x6960]  }
0x136: {  	v7 =	vld [tilespmem:s0+$0x0]  }
0x137: {  	v9 =	vld [tilespmem:s4+$0x2960];
	_ =	sdelay $0x2  }
0x138: {  	v4 =	vmul.f32 v4, v6;
	v5 =	vmul.f32 v8, v5;
	_ =	sdelay $0x1  }
0x139: {  	v4 =	vmul.f32 v7, v4;
	v5 =	vmul.f32 v9, v5;
	_ =	sdelay $0x1  }
0x13a: {  	v4 =	vadd.f32 v5, v4;
	_ =	sdelay $0x1  }
0x13b: {  	[tilespmem:s19+$0x20] =	vst v4  }
0x13c: {  	v4 =	vld [tilespmem:s18+$0x170]  }
0x13d: {  	v5 =	vld [tilespmem:s18+$0x570]  }
0x13e: {  	v60 =	vld [tilespmem:s18+$0x6970]  }
0x13f: {  	v61 =	vld [tilespmem:s18+$0x6570]  }
0x140: {  	v62 =	vld [tilespmem:s4+$0x2970]  }
0x141: {  	v63 =	vld [tilespmem:s2+$0x0];
	_ =	sdelay $0x2  }
0x142: {  	v5 =	vmul.f32 v60, v5;
	v4 =	vmul.f32 v61, v4;
	_ =	sdelay $0x1  }
0x143: {  	v5 =	vmul.f32 v62, v5;
	v4 =	vmul.f32 v63, v4;
	_ =	sdelay $0x1  }
0x144: {  	s31 =	sadd.s32 $0x1, s31;
	v4 =	vadd.f32 v5, v4  }
0x145: {  	p1 =	sne.s32 s31, $0xFA  }
.Ltmp3:
0x146: {  	s0 =	rddreg [dreg:$0x3];
	[tilespmem:s19+$0x30] =	vst v4;
	(pc) =	sbr.rel @p1 .LBB2_6-.Ltmp3, $4  }
0x147: {  	[spmem:s0] =	stream.indirect.scatter.add.f32 [tilespmem:s29], [sflag:$0x2], $0x80, s22, s28, $0xb8;
	[tilespmem:$0x1F540] =	vst v63  }
0x148: {  	_ =	swait.ge [sflag:s21], $0x1400  }
0x149: {  	[sflag:s21] =	ssyncset.done $0x0  }
0x14a: {  	[sflag:s21] =	ssyncadd.s32 $0xFFFFEC00  }
0x14b: {  	s0 =	sadd.s32 $0x0, s11  }
0x14c: {  	s3 =	smov.u32 s13;
	p1 =	sgt.u32 s0, $0xF9  }
0x14d: {  	[bflag:$0x0] =	sbarrier.arrive $0xFFFF;
	s0 =	simm.s32 @!p1 $0x2;
	p2 =	por !p0, p1  }
0x14e: {  	s24 =	rddreg [dreg:$0x7];
	s2 =	sshll.u32 @!p1 s11, $0x6;
	s0 =	simm.s32 @p2 $0x3  }
0x14f: {  	s18 =	rddreg [dreg:$0x8];
	s3 =	smov.u32 @p2 s9;
	s2 =	sadd.s32 @!p1 s0, s2  }
0x150: {  	s4 =	sshrl.u32 @!p1 s24, $0x3;
	s3 =	sadd.s32 @!p1 s18, s3;
	s2 =	sadd.s32 @!p1 $0x1C00, s2  }
0x151: {  	[hbm:s3], [sflag:s2] =	dma.local @!p1 [spmem:s4], $0x280  }
0x152: {  	s2 =	simm.s32 $0x10;
	s3 =	smov.u32 s24;
	s4 =	smov.u32 s18  }
.LBB2_10:
0x153: {  	s18 =	sadd.s32 s2, s11  }
0x154: {  	s19 =	smov.u32 s0;
	p2 =	por p1, p1;
	s3 =	sadd.s32 $0x14000, s3  }
0x155: {  	s4 =	sadd.s32 $0x2800, s4;
	s23 =	smov.u32 s13;
	p1 =	sgt.u32 s18, $0xF9  }
0x156: {  	s2 =	sadd.s32 $0x10, s2;
	s18 =	sshll.u32 @!p1 s11, $0x6;
	s20 =	sshrl.u32 @!p1 s3, $0x3  }
0x157: {  	s0 =	simm.s32 @!p1 $0x2;
	p3 =	por !p0, p1;
	_ =	swait.ge @!p2 [sflag:s19], $0x280  }
0x158: {  	s23 =	smov.u32 @p3 s9;
	s0 =	simm.s32 @p3 $0x3;
	[sflag:s19] =	ssyncset.done @!p2 $0x0  }
0x159: {  	[sflag:s19] =	ssyncadd.s32 @!p2 $0xFFFFFD80;
	p2 =	sne.s32 s2, $0x100  }
.Ltmp4:
0x15a: {  	_ = 	snop;
	(pc) =	sbr.rel @p2 .LBB2_10-.Ltmp4, $4  }
0x15b: {  	_ = 	snop  }
0x15c: {  	s18 =	sadd.s32 @!p1 s0, s18  }
0x15d: {  	s19 =	sadd.s32 @!p1 s4, s23;
	s18 =	sadd.s32 @!p1 $0x1C00, s18  }
0x15e: {  	[hbm:s19], [sflag:s18] =	dma.local @!p1 [spmem:s20], $0x280  }
0x15f: {  	p1 =	por p1, p1  }
0x160: {  	_ =	swait.ge @!p1 [sflag:s0], $0x280  }
0x161: {  	s2 =	sadd.s32 $0x0, s11;
	[sflag:s0] =	ssyncset.done @!p1 $0x0  }
0x162: {  	[sflag:s0] =	ssyncadd.s32 @!p1 $0xFFFFFD80;
	p1 =	sgt.u32 s2, $0xF9  }
0x163: {  	[bflag:$0x0] =	sbarrier.arrive $0xFFFF;
	s0 =	simm.s32 @!p1 $0xA880;
	s4 =	simm.s32 @!p1 $0x2  }
0x164: {  	[spmem:s24] =	stream.linear.scatter @!p1 [tilespmem:s0], [sflag:$0x2], $0x1400, $0x38;
	[tilespmem:$0x1F540] =	vst v63  }
0x165: {  	s3 =	simm.s32 $0x20;
	_ =	swait.ge @!p1 [sflag:s4], $0x1400  }
0x166: {  	s2 =	simm.s32 $0x10;
	s0 =	sadd.s32 $0x14000, s24;
	[sflag:s4] =	ssyncset.done @!p1 $0x0  }
.LBB2_12:
0x167: {  	s18 =	sadd.s32 s2, s11;
	s2 =	smov.u32 s3;
	s3 =	sadd.s32 $0x10, s3  }
0x168: {  	[sflag:s4] =	ssyncadd.s32 @!p1 $0xFFFFEC00;
	p2 =	sne.s32 s3, $0x100  }
.Ltmp5:
0x169: {  	p1 =	sgt.u32 s18, $0xF9;
	(pc) =	sbr.rel @p2 .LBB2_12-.Ltmp5, $4  }
0x16a: {  	s18 =	simm.s32 @!p1 $0xA880;
	s4 =	simm.s32 @!p1 $0x2  }
0x16b: {  	[spmem:s0] =	stream.linear.scatter @!p1 [tilespmem:s18], [sflag:$0x2], $0x1400, $0x38;
	[tilespmem:$0x1F540] =	vst v63  }
0x16c: {  	_ =	swait.ge @!p1 [sflag:s4], $0x1400  }
0x16d: {  	s0 =	sadd.s32 $0x14000, s0;
	[sflag:s4] =	ssyncset.done @!p1 $0x0  }
0x16e: {  	s2 =	sadd.s32 s2, s11  }
0x16f: {  	p2 =	sgt.u32 s2, $0xF9  }
0x170: {  	[sflag:s4] =	ssyncadd.s32 @!p1 $0xFFFFEC00;
	s2 =	simm.s32 @!p2 $0xA880;
	s3 =	simm.s32 @!p2 $0x2  }
0x171: {  	[spmem:s0] =	stream.linear.scatter @!p2 [tilespmem:s2], [sflag:$0x2], $0x1400, $0x38;
	[tilespmem:$0x1F540] =	vst v63  }
0x172: {  	_ =	swait.ge @!p2 [sflag:s3], $0x1400  }
0x173: {  	[sflag:s3] =	ssyncset.done @!p2 $0x0  }
0x174: {  	[sflag:s3] =	ssyncadd.s32 @!p2 $0xFFFFEC00  }
0x175: {  	s30 =	simm.s32 $0x0;
	s31 =	simm.s32 $0x0;
	[bflag:$0x0] =	sbarrier.arrive $0xFFFF  }
.LBB2_14:
0x176: {  	s0 =	sshll.u32 s31, $0x4  }
0x177: {  	s0 =	sadd.s32 s16, s0  }
0x178: {  	s2 =	smul.u32 $0x5, s0;
	_ =	sdelay $0x1  }
0x179: {  	s3 =	sadd.s32 s8, s2  }
0x17a: {  	[tilespmem:s30], [sflag:$0x2] =	stream.linear.gather [hbm4b:s3+s30], $0x28, $0x38;
	[tilespmem:$0x1F540] =	vst v63  }
0x17b: {  	_ =	swait.ge [sflag:s21], $0x28  }
0x17c: {  	[sflag:s21] =	ssyncset.done $0x0  }
0x17d: {  	s2 =	sadd.s32 s7, s2;
	[sflag:s21] =	ssyncadd.s32 $0xFFFFFFD8  }
0x17e: {  	[tilespmem:s22], [sflag:$0x2] =	stream.linear.gather [hbm4b:s2+s30], $0x28, $0x38;
	[tilespmem:$0x1F540] =	vst v63  }
0x17f: {  	s20 =	smul.u32 $0xF0, s0;
	_ =	swait.ge [sflag:s21], $0x28  }
0x180: {  	[sflag:s21] =	ssyncset.done $0x0  }
0x181: {  	s23 =	simm.s32 $0x8D00;
	s2 =	sadd.s32 s6, s20;
	[sflag:s21] =	ssyncadd.s32 $0xFFFFFFD8  }
0x182: {  	[tilespmem:s23], [sflag:$0x2] =	stream.linear.gather [hbm4b:s2+s30], $0x780, $0x38;
	[tilespmem:$0x1F540] =	vst v63  }
0x183: {  	_ =	swait.ge [sflag:s21], $0x780  }
0x184: {  	[sflag:s21] =	ssyncset.done $0x0  }
0x185: {  	[sflag:s21] =	ssyncadd.s32 $0xFFFFF880  }
0x186: {  	v4 =	vld [tilespmem:$0x0];
	_ =	sdelay $0x4  }
0x187: {  	v5 =	vshll.u32 v4, $0x1  }
0x188: {  	v4 =	vand.u32 $0x7, v4;
	v5 =	vand.u32 $0xFFFFFFF0, v5  }
0x189: {  	v4 =	vor.u32 v4, v5  }
0x18a: {  	v5 =	vperm.xlane v4, v1;
	_ =	sdelay $0x1  }
0x18b: {  	v4 =	vperm.xlane v4, v3;
	v5 =	vadd.s32 v2, v5;
	_ =	sdelay $0x1  }
0x18c: {  	v4 =	vadd.s32 v2, v4;
	_ =	sdelay $0x1  }
0x18d: {  	s24 =	simm.s32 $0x100  }
0x18e: {  	[tilespmem:s24], [sflag:$0x1] =	stream.indirect_vreg.gather [hbm4b:s5+s30], $0x80, v5, vm0, $0xb8;
	[tilespmem:$0x1F540] =	vst v63  }
0x18f: {  	s3 =	simm.s32 $0x900  }
0x190: {  	[tilespmem:s3], [sflag:$0x1] =	stream.indirect_vreg.gather [hbm4b:s5+s30], $0x80, v4, vm0, $0xb8;
	[tilespmem:$0x1F540] =	vst v63  }
0x191: {  	v4 =	vld [tilespmem:$0x10];
	_ =	sdelay $0x4  }
0x192: {  	v5 =	vshll.u32 v4, $0x1  }
0x193: {  	v4 =	vand.u32 $0x7, v4;
	v5 =	vand.u32 $0xFFFFFFF0, v5  }
0x194: {  	v4 =	vor.u32 v4, v5  }
0x195: {  	v5 =	vperm.xlane v4, v1;
	_ =	sdelay $0x1  }
0x196: {  	v4 =	vperm.xlane v4, v3;
	v5 =	vadd.s32 v2, v5;
	_ =	sdelay $0x1  }
0x197: {  	v4 =	vadd.s32 v2, v4;
	_ =	sdelay $0x1  }
0x198: {  	s4 =	simm.s32 $0x1100  }
0x199: {  	[tilespmem:s4], [sflag:$0x1] =	stream.indirect_vreg.gather [hbm4b:s5+s30], $0x80, v5, vm0, $0xb8;
	[tilespmem:$0x1F540] =	vst v63  }
0x19a: {  	s18 =	simm.s32 $0x1900  }
0x19b: {  	[tilespmem:s18], [sflag:$0x1] =	stream.indirect_vreg.gather [hbm4b:s5+s30], $0x80, v4, vm0, $0xb8;
	[tilespmem:$0x1F540] =	vst v63  }
0x19c: {  	v4 =	vld.msk [tilespmem:$0x20], $0xff;
	_ =	sdelay $0x4  }
0x19d: {  	v5 =	vshll.u32 v4, $0x1  }
0x19e: {  	v4 =	vand.u32 $0x7, v4;
	v5 =	vand.u32 $0xFFFFFFF0, v5  }
0x19f: {  	v4 =	vor.u32 v4, v5  }
0x1a0: {  	v4 =	vperm.xlane v4, v1;
	_ =	sdelay $0x1  }
0x1a1: {  	v4 =	vadd.s32 v2, v4;
	_ =	sdelay $0x3  }
0x1a2: {  	s19 =	simm.s32 $0x2100  }
0x1a3: {  	[tilespmem:s19], [sflag:$0x1] =	stream.indirect_vreg.gather [hbm4b:s5+s30], $0x80, v4, vm0, $0xb8;
	[tilespmem:$0x1F540] =	vst v63  }
0x1a4: {  	v4 =	vld [tilespmem:$0x0];
	_ =	sdelay $0x4  }
0x1a5: {  	v5 =	vshrl.u32 v4, $0x3  }
0x1a6: {  	v5 =	vmul.u32 $0x18, v5  }
0x1a7: {  	v4 =	vand.u32 $0x7, v4  }
0x1a8: {  	v4 =	vor.u32 v4, v5  }
0x1a9: {  	v5 =	vperm.xlane v4, v1;
	_ =	sdelay $0x1  }
0x1aa: {  	v5 =	vadd.s32 v2, v5;
	_ =	sdelay $0x1  }
0x1ab: {  	v4 =	vperm.xlane v4, v3;
	_ =	sdelay $0x1  }
0x1ac: {  	s20 =	simm.s32 $0x2900;
	v4 =	vadd.s32 v2, v4  }
0x1ad: {  	[tilespmem:s20], [sflag:$0x1] =	stream.indirect_vreg.gather [hbm4b:s1+s30], $0x80, v5, vm0, $0xb8;
	[tilespmem:$0x1F540] =	vst v63  }
0x1ae: {  	s23 =	simm.s32 $0x3100  }
0x1af: {  	[tilespmem:s23], [sflag:$0x1] =	stream.indirect_vreg.gather [hbm4b:s17+s30], $0x80, v5, vm1, $0xb8;
	[tilespmem:$0x1F540] =	vst v63  }
0x1b0: {  	s24 =	simm.s32 $0x3500  }
0x1b1: {  	[tilespmem:s24], [sflag:$0x1] =	stream.indirect_vreg.gather [hbm4b:s1+s30], $0x80, v4, vm0, $0xb8;
	[tilespmem:$0x1F540] =	vst v63  }
0x1b2: {  	s3 =	simm.s32 $0x3D00  }
0x1b3: {  	[tilespmem:s3], [sflag:$0x1] =	stream.indirect_vreg.gather [hbm4b:s17+s30], $0x80, v4, vm1, $0xb8;
	[tilespmem:$0x1F540] =	vst v63  }
0x1b4: {  	v4 =	vld [tilespmem:$0x10];
	_ =	sdelay $0x4  }
0x1b5: {  	v5 =	vshrl.u32 v4, $0x3  }
0x1b6: {  	v5 =	vmul.u32 $0x18, v5  }
0x1b7: {  	v4 =	vand.u32 $0x7, v4  }
0x1b8: {  	v4 =	vor.u32 v4, v5  }
0x1b9: {  	v5 =	vperm.xlane v4, v1;
	_ =	sdelay $0x1  }
0x1ba: {  	v5 =	vadd.s32 v2, v5;
	_ =	sdelay $0x1  }
0x1bb: {  	v4 =	vperm.xlane v4, v3;
	_ =	sdelay $0x1  }
0x1bc: {  	s4 =	simm.s32 $0x4100;
	v4 =	vadd.s32 v2, v4  }
0x1bd: {  	[tilespmem:s4], [sflag:$0x1] =	stream.indirect_vreg.gather [hbm4b:s1+s30], $0x80, v5, vm0, $0xb8;
	[tilespmem:$0x1F540] =	vst v63  }
0x1be: {  	s18 =	simm.s32 $0x4900  }
0x1bf: {  	[tilespmem:s18], [sflag:$0x1] =	stream.indirect_vreg.gather [hbm4b:s17+s30], $0x80, v5, vm1, $0xb8;
	[tilespmem:$0x1F540] =	vst v63  }
0x1c0: {  	s19 =	simm.s32 $0x4D00  }
0x1c1: {  	[tilespmem:s19], [sflag:$0x1] =	stream.indirect_vreg.gather [hbm4b:s1+s30], $0x80, v4, vm0, $0xb8;
	[tilespmem:$0x1F540] =	vst v63  }
0x1c2: {  	s20 =	simm.s32 $0x5500  }
0x1c3: {  	[tilespmem:s20], [sflag:$0x1] =	stream.indirect_vreg.gather [hbm4b:s17+s30], $0x80, v4, vm1, $0xb8;
	[tilespmem:$0x1F540] =	vst v63  }
0x1c4: {  	v4 =	vld.msk [tilespmem:$0x20], $0xff;
	_ =	sdelay $0x4  }
0x1c5: {  	v5 =	vshrl.u32 v4, $0x3  }
0x1c6: {  	v5 =	vmul.u32 $0x18, v5  }
0x1c7: {  	v4 =	vand.u32 $0x7, v4  }
0x1c8: {  	v4 =	vor.u32 v4, v5  }
0x1c9: {  	v4 =	vperm.xlane v4, v1;
	_ =	sdelay $0x1  }
0x1ca: {  	v4 =	vadd.s32 v2, v4;
	_ =	sdelay $0x1  }
0x1cb: {  	s0 =	smul.u32 $0x3C00, s0;
	_ =	sdelay $0x1  }
0x1cc: {  	s0 =	sshrl.u32 s0, $0x3;
	s23 =	simm.s32 $0x5900;
	s3 =	rddreg [dreg:$0x2]  }
0x1cd: {  	[tilespmem:s23], [sflag:$0x1] =	stream.indirect_vreg.gather [hbm4b:s1+s30], $0x80, v4, vm0, $0xb8;
	[tilespmem:$0x1F540] =	vst v63  }
0x1ce: {  	s24 =	simm.s32 $0x6100;
	s0 =	sadd.s32 s3, s0  }
0x1cf: {  	[tilespmem:s24], [sflag:$0x1] =	stream.indirect_vreg.gather [hbm4b:s17+s30], $0x80, v4, vm1, $0xb8;
	[tilespmem:$0x1F540] =	vst v63  }
0x1d0: {  	s0 =	sadd.s32 $0x80, s0;
	s4 =	simm.s32 $0x800;
	s18 =	simm.s32 $0xC00  }
0x1d1: {  	[tilespmem:s25], [sflag:$0x1] =	stream.strided.gather [hbm4b:s0+s4], $0x2800, s18, s4, $0x38;
	[tilespmem:$0x1F540] =	vst v63  }
0x1d2: {  	_ =	swait.ge [sflag:s26], $0x2800  }
0x1d3: {  	[sflag:s26] =	ssyncset.done $0x0  }
0x1d4: {  	[sflag:s26] =	ssyncadd.s32 $0xFFFFD800  }
0x1d5: {  	_ =	swait.ge [sflag:s26], $0x3C00  }
0x1d6: {  	[sflag:s26] =	ssyncset.done $0x0  }
0x1d7: {  	[sflag:s26] =	ssyncadd.s32 $0xFFFFC400  }
0x1d8: {  	_ =	swait.ge [sflag:s26], $0x2800  }
0x1d9: {  	s19 =	simm.s32 $0x0;
	s20 =	sand.u32 $0x380, s30;
	[sflag:s26] =	ssyncset.done $0x0  }
0x1da: {  	s23 =	simm.s32 $0x0;
	s18 =	sor.u32 s20, s19;
	[sflag:s26] =	ssyncadd.s32 $0xFFFFD800  }
0x1db: {  	s24 =	smul.u32 $0x3000, s23;
	v4 =	vld [tilespmem:s18+$0x6900]  }
0x1dc: {  	v5 =	vld [tilespmem:s18+$0x100]  }
0x1dd: {  	s0 =	sshra.s32 s24, $0x2;
	v6 =	vld [tilespmem:s18+$0x500]  }
0x1de: {  	s4 =	sor.u32 s20, s0;
	v7 =	vld [tilespmem:s18+$0x6500]  }
0x1df: {  	s0 =	simm.s32 $0x8D10;
	v8 =	vld [tilespmem:s4+$0x2D00]  }
0x1e0: {  	v9 =	vld [tilespmem:s0+$0x0];
	_ =	sdelay $0x2  }
0x1e1: {  	v4 =	vmul.f32 v4, v6;
	v5 =	vmul.f32 v7, v5;
	_ =	sdelay $0x1  }
0x1e2: {  	v4 =	vmul.f32 v8, v4;
	v5 =	vmul.f32 v9, v5;
	_ =	sdelay $0x1  }
0x1e3: {  	v4 =	vadd.f32 v4, v5  }
0x1e4: {  	s20 =	simm.s32 $0x94C0  }
0x1e5: {  	[tilespmem:s20+$0xFFFFFFC0] =	vst v4  }
0x1e6: {  	v4 =	vld [tilespmem:s18+$0x510]  }
0x1e7: {  	v5 =	vld [tilespmem:s18+$0x6510]  }
0x1e8: {  	v6 =	vld [tilespmem:s18+$0x110]  }
0x1e9: {  	v7 =	vld [tilespmem:s18+$0x6910]  }
0x1ea: {  	v8 =	vld [tilespmem:s4+$0x2D10]  }
0x1eb: {  	v9 =	vld [tilespmem:s0+$0x0];
	_ =	sdelay $0x2  }
0x1ec: {  	v5 =	vmul.f32 v5, v6;
	v4 =	vmul.f32 v7, v4;
	_ =	sdelay $0x1  }
0x1ed: {  	v5 =	vmul.f32 v9, v5;
	v4 =	vmul.f32 v8, v4;
	_ =	sdelay $0x1  }
0x1ee: {  	v4 =	vadd.f32 v4, v5;
	_ =	sdelay $0x1  }
0x1ef: {  	[tilespmem:s20+$0xFFFFFFD0] =	vst v4  }
0x1f0: {  	v4 =	vld [tilespmem:s18+$0x520]  }
0x1f1: {  	v5 =	vld [tilespmem:s18+$0x6520]  }
0x1f2: {  	v6 =	vld [tilespmem:s18+$0x120]  }
0x1f3: {  	v7 =	vld [tilespmem:s18+$0x6920]  }
0x1f4: {  	v8 =	vld [tilespmem:s4+$0x2D20]  }
0x1f5: {  	v9 =	vld [tilespmem:s0+$0x0];
	_ =	sdelay $0x2  }
0x1f6: {  	v5 =	vmul.f32 v5, v6;
	v4 =	vmul.f32 v7, v4;
	_ =	sdelay $0x1  }
0x1f7: {  	v5 =	vmul.f32 v9, v5;
	v4 =	vmul.f32 v8, v4;
	_ =	sdelay $0x1  }
0x1f8: {  	v4 =	vadd.f32 v4, v5;
	_ =	sdelay $0x1  }
0x1f9: {  	[tilespmem:s20+$0xFFFFFFE0] =	vst v4  }
0x1fa: {  	v4 =	vld [tilespmem:s18+$0x6930]  }
0x1fb: {  	v5 =	vld [tilespmem:s18+$0x130]  }
0x1fc: {  	v6 =	vld [tilespmem:s18+$0x6530]  }
0x1fd: {  	v7 =	vld [tilespmem:s18+$0x530]  }
0x1fe: {  	v8 =	vld [tilespmem:s0+$0x0]  }
0x1ff: {  	v9 =	vld [tilespmem:s4+$0x2D30];
	_ =	sdelay $0x2  }
0x200: {  	v5 =	vmul.f32 v6, v5;
	v4 =	vmul.f32 v4, v7;
	_ =	sdelay $0x1  }
0x201: {  	v5 =	vmul.f32 v8, v5;
	v4 =	vmul.f32 v9, v4;
	_ =	sdelay $0x1  }
0x202: {  	v4 =	vadd.f32 v4, v5;
	_ =	sdelay $0x1  }
0x203: {  	[tilespmem:s20+$0xFFFFFFF0] =	vst v4  }
0x204: {  	v4 =	vld [tilespmem:s18+$0x6540]  }
0x205: {  	v5 =	vld [tilespmem:s18+$0x6940]  }
0x206: {  	v6 =	vld [tilespmem:s18+$0x540]  }
0x207: {  	v7 =	vld [tilespmem:s18+$0x140]  }
0x208: {  	v8 =	vld [tilespmem:s4+$0x2D40]  }
0x209: {  	v9 =	vld [tilespmem:s0+$0x0];
	_ =	sdelay $0x2  }
0x20a: {  	v5 =	vmul.f32 v5, v6;
	v4 =	vmul.f32 v4, v7;
	_ =	sdelay $0x1  }
0x20b: {  	v5 =	vmul.f32 v8, v5;
	v4 =	vmul.f32 v9, v4;
	_ =	sdelay $0x1  }
0x20c: {  	v4 =	vadd.f32 v5, v4;
	_ =	sdelay $0x1  }
0x20d: {  	[tilespmem:s20+$0x0] =	vst v4  }
0x20e: {  	v4 =	vld [tilespmem:s18+$0x150]  }
0x20f: {  	v5 =	vld [tilespmem:s18+$0x6950]  }
0x210: {  	v6 =	vld [tilespmem:s18+$0x6550]  }
0x211: {  	v7 =	vld [tilespmem:s18+$0x550]  }
0x212: {  	v8 =	vld [tilespmem:s0+$0x0]  }
0x213: {  	v9 =	vld [tilespmem:s4+$0x2D50];
	_ =	sdelay $0x2  }
0x214: {  	v4 =	vmul.f32 v6, v4;
	v5 =	vmul.f32 v5, v7;
	_ =	sdelay $0x1  }
0x215: {  	v4 =	vmul.f32 v8, v4;
	v5 =	vmul.f32 v9, v5;
	_ =	sdelay $0x1  }
0x216: {  	v4 =	vadd.f32 v5, v4;
	_ =	sdelay $0x1  }
0x217: {  	[tilespmem:s20+$0x10] =	vst v4  }
0x218: {  	v4 =	vld [tilespmem:s18+$0x6560]  }
0x219: {  	v5 =	vld [tilespmem:s18+$0x560]  }
0x21a: {  	v6 =	vld [tilespmem:s18+$0x160]  }
0x21b: {  	s2 =	simm.s32 $0x8D10;
	v8 =	vld [tilespmem:s18+$0x6960]  }
0x21c: {  	s3 =	simm.s32 $0x1;
	s23 =	simm.s32 $0x0;
	s19 =	simm.s32 $0x94C0;
	v7 =	vld [tilespmem:s0+$0x0]  }
.LBB2_15:
0x21d: {  	v9 =	vld [tilespmem:s4+$0x2D60];
	s0 =	sadd.s32 $0x30, s0;
	s23 =	sadd.s32 $0x80, s23;
	s20 =	sadd.s32 $0x80, s20  }
0x21e: {  	p1 =	sne.s32 s3, $0x27;
	s24 =	smov.u32 s3;
	s3 =	sadd.s32 $0x1, s3  }
0x21f: {  	v4 =	vmul.f32 v4, v6  }
0x220: {  	v5 =	vmul.f32 v8, v5;
	_ =	sdelay $0x1  }
0x221: {  	v4 =	vmul.f32 v7, v4;
	v5 =	vmul.f32 v9, v5;
	_ =	sdelay $0x1  }
0x222: {  	v4 =	vadd.f32 v5, v4;
	_ =	sdelay $0x1  }
0x223: {  	[tilespmem:s19+$0x20] =	vst v4  }
0x224: {  	v4 =	vld [tilespmem:s18+$0x170]  }
0x225: {  	v5 =	vld [tilespmem:s4+$0x2D70]  }
0x226: {  	v6 =	vld [tilespmem:s18+$0x570]  }
0x227: {  	v7 =	vld [tilespmem:s18+$0x6970]  }
0x228: {  	v8 =	vld [tilespmem:s18+$0x6570]  }
0x229: {  	v9 =	vld [tilespmem:s2+$0x0];
	s2 =	smov.u32 s0;
	_ =	sdelay $0x2  }
0x22a: {  	v6 =	vmul.f32 v7, v6  }
0x22b: {  	v4 =	vmul.f32 v8, v4  }
0x22c: {  	v5 =	vmul.f32 v5, v6  }
0x22d: {  	v4 =	vmul.f32 v9, v4;
	_ =	sdelay $0x1  }
0x22e: {  	s4 =	sshrl.u32 s24, $0x3;
	v4 =	vadd.f32 v5, v4  }
0x22f: {  	s24 =	sand.u32 $0x380, s23;
	s18 =	sshll.u32 s4, $0xB;
	s4 =	smul.u32 $0x3000, s4  }
0x230: {  	s18 =	sor.u32 s24, s18;
	[tilespmem:s19+$0x30] =	vst v4;
	s19 =	smov.u32 s20  }
0x231: {  	s4 =	sshra.s32 s4, $0x2;
	v4 =	vld [tilespmem:s18+$0x6900]  }
0x232: {  	s4 =	sor.u32 s24, s4;
	v5 =	vld [tilespmem:s18+$0x100]  }
0x233: {  	v6 =	vld [tilespmem:s18+$0x500]  }
0x234: {  	v7 =	vld [tilespmem:s18+$0x6500]  }
0x235: {  	v8 =	vld [tilespmem:s4+$0x2D00]  }
0x236: {  	v9 =	vld [tilespmem:s0+$0x0];
	_ =	sdelay $0x1  }
0x237: {  	v4 =	vmul.f32 v4, v6  }
0x238: {  	v5 =	vmul.f32 v7, v5  }
0x239: {  	v4 =	vmul.f32 v8, v4  }
0x23a: {  	v5 =	vmul.f32 v9, v5;
	_ =	sdelay $0x1  }
0x23b: {  	v4 =	vadd.f32 v4, v5;
	_ =	sdelay $0x1  }
0x23c: {  	[tilespmem:s20+$0xFFFFFFC0] =	vst v4  }
0x23d: {  	v4 =	vld [tilespmem:s18+$0x510]  }
0x23e: {  	v5 =	vld [tilespmem:s18+$0x6510]  }
0x23f: {  	v6 =	vld [tilespmem:s18+$0x110]  }
0x240: {  	v7 =	vld [tilespmem:s18+$0x6910]  }
0x241: {  	v8 =	vld [tilespmem:s4+$0x2D10]  }
0x242: {  	v9 =	vld [tilespmem:s0+$0x0];
	_ =	sdelay $0x1  }
0x243: {  	v5 =	vmul.f32 v5, v6  }
0x244: {  	v4 =	vmul.f32 v7, v4;
	_ =	sdelay $0x1  }
0x245: {  	v5 =	vmul.f32 v9, v5;
	v4 =	vmul.f32 v8, v4;
	_ =	sdelay $0x1  }
0x246: {  	v4 =	vadd.f32 v4, v5;
	_ =	sdelay $0x1  }
0x247: {  	[tilespmem:s20+$0xFFFFFFD0] =	vst v4  }
0x248: {  	v4 =	vld [tilespmem:s18+$0x520]  }
0x249: {  	v5 =	vld [tilespmem:s18+$0x6520]  }
0x24a: {  	v6 =	vld [tilespmem:s18+$0x120]  }
0x24b: {  	v7 =	vld [tilespmem:s18+$0x6920]  }
0x24c: {  	v8 =	vld [tilespmem:s4+$0x2D20]  }
0x24d: {  	v9 =	vld [tilespmem:s0+$0x0];
	_ =	sdelay $0x1  }
0x24e: {  	v5 =	vmul.f32 v5, v6  }
0x24f: {  	v4 =	vmul.f32 v7, v4;
	_ =	sdelay $0x1  }
0x250: {  	v5 =	vmul.f32 v9, v5;
	v4 =	vmul.f32 v8, v4;
	_ =	sdelay $0x1  }
0x251: {  	v4 =	vadd.f32 v4, v5;
	_ =	sdelay $0x1  }
0x252: {  	[tilespmem:s20+$0xFFFFFFE0] =	vst v4  }
0x253: {  	v4 =	vld [tilespmem:s18+$0x6930]  }
0x254: {  	v5 =	vld [tilespmem:s18+$0x130]  }
0x255: {  	v6 =	vld [tilespmem:s18+$0x6530]  }
0x256: {  	v7 =	vld [tilespmem:s18+$0x530]  }
0x257: {  	v8 =	vld [tilespmem:s0+$0x0]  }
0x258: {  	v9 =	vld [tilespmem:s4+$0x2D30];
	_ =	sdelay $0x1  }
0x259: {  	v5 =	vmul.f32 v6, v5  }
0x25a: {  	v4 =	vmul.f32 v4, v7;
	_ =	sdelay $0x1  }
0x25b: {  	v5 =	vmul.f32 v8, v5;
	v4 =	vmul.f32 v9, v4;
	_ =	sdelay $0x1  }
0x25c: {  	v4 =	vadd.f32 v4, v5;
	_ =	sdelay $0x1  }
0x25d: {  	[tilespmem:s20+$0xFFFFFFF0] =	vst v4  }
0x25e: {  	v4 =	vld [tilespmem:s18+$0x6540]  }
0x25f: {  	v5 =	vld [tilespmem:s18+$0x6940]  }
0x260: {  	v6 =	vld [tilespmem:s18+$0x540]  }
0x261: {  	v7 =	vld [tilespmem:s18+$0x140]  }
0x262: {  	v8 =	vld [tilespmem:s4+$0x2D40]  }
0x263: {  	v9 =	vld [tilespmem:s0+$0x0];
	_ =	sdelay $0x1  }
0x264: {  	v5 =	vmul.f32 v5, v6  }
0x265: {  	v4 =	vmul.f32 v4, v7  }
0x266: {  	v5 =	vmul.f32 v8, v5  }
0x267: {  	v4 =	vmul.f32 v9, v4;
	_ =	sdelay $0x1  }
0x268: {  	v4 =	vadd.f32 v5, v4;
	_ =	sdelay $0x1  }
0x269: {  	[tilespmem:s20+$0x0] =	vst v4  }
0x26a: {  	v4 =	vld [tilespmem:s18+$0x150]  }
0x26b: {  	v5 =	vld [tilespmem:s18+$0x6950]  }
0x26c: {  	v6 =	vld [tilespmem:s18+$0x6550]  }
0x26d: {  	v7 =	vld [tilespmem:s18+$0x550]  }
0x26e: {  	v8 =	vld [tilespmem:s0+$0x0]  }
0x26f: {  	v9 =	vld [tilespmem:s4+$0x2D50];
	_ =	sdelay $0x1  }
0x270: {  	v4 =	vmul.f32 v6, v4  }
0x271: {  	v5 =	vmul.f32 v5, v7;
	_ =	sdelay $0x1  }
0x272: {  	v4 =	vmul.f32 v8, v4;
	v5 =	vmul.f32 v9, v5;
	_ =	sdelay $0x1  }
0x273: {  	v4 =	vadd.f32 v5, v4;
	_ =	sdelay $0x1  }
0x274: {  	[tilespmem:s20+$0x10] =	vst v4  }
.Ltmp6:
0x275: {  	v4 =	vld [tilespmem:s18+$0x6560];
	(pc) =	sbr.rel @p1 .LBB2_15-.Ltmp6, $4  }
0x276: {  	v5 =	vld [tilespmem:s18+$0x560]  }
0x277: {  	v6 =	vld [tilespmem:s18+$0x160]  }
0x278: {  	v8 =	vld [tilespmem:s18+$0x6960]  }
0x279: {  	v7 =	vld [tilespmem:s0+$0x0]  }
0x27a: {  	v9 =	vld [tilespmem:s4+$0x2D60];
	_ =	sdelay $0x2  }
0x27b: {  	v4 =	vmul.f32 v4, v6;
	v5 =	vmul.f32 v8, v5;
	_ =	sdelay $0x1  }
0x27c: {  	v4 =	vmul.f32 v7, v4;
	v5 =	vmul.f32 v9, v5;
	_ =	sdelay $0x1  }
0x27d: {  	v4 =	vadd.f32 v5, v4;
	_ =	sdelay $0x1  }
0x27e: {  	[tilespmem:s19+$0x20] =	vst v4  }
0x27f: {  	v4 =	vld [tilespmem:s18+$0x170]  }
0x280: {  	v5 =	vld [tilespmem:s18+$0x570]  }
0x281: {  	v60 =	vld [tilespmem:s18+$0x6970]  }
0x282: {  	v61 =	vld [tilespmem:s18+$0x6570]  }
0x283: {  	v62 =	vld [tilespmem:s4+$0x2D70]  }
0x284: {  	v63 =	vld [tilespmem:s2+$0x0];
	_ =	sdelay $0x2  }
0x285: {  	v5 =	vmul.f32 v60, v5;
	v4 =	vmul.f32 v61, v4;
	_ =	sdelay $0x1  }
0x286: {  	v5 =	vmul.f32 v62, v5;
	v4 =	vmul.f32 v63, v4;
	_ =	sdelay $0x1  }
0x287: {  	s31 =	sadd.s32 $0x1, s31;
	v4 =	vadd.f32 v5, v4  }
0x288: {  	p1 =	sne.s32 s31, $0xFA  }
.Ltmp7:
0x289: {  	s0 =	rddreg [dreg:$0x3];
	[tilespmem:s19+$0x30] =	vst v4;
	(pc) =	sbr.rel @p1 .LBB2_14-.Ltmp7, $4  }
0x28a: {  	[spmem:s0] =	stream.indirect.scatter.add.f32 [tilespmem:s29], [sflag:$0x2], $0x80, s22, s28, $0xb8;
	[tilespmem:$0x1F540] =	vst v63  }
0x28b: {  	_ =	swait.ge [sflag:s21], $0x1400  }
0x28c: {  	[sflag:s21] =	ssyncset.done $0x0  }
0x28d: {  	[sflag:s21] =	ssyncadd.s32 $0xFFFFEC00  }
0x28e: {  	s0 =	sadd.s32 $0x0, s11  }
0x28f: {  	s3 =	smov.u32 s14;
	p1 =	sgt.u32 s0, $0xF9  }
0x290: {  	[bflag:$0x0] =	sbarrier.arrive $0xFFFF;
	s0 =	simm.s32 @!p1 $0x2;
	p2 =	por !p0, p1  }
0x291: {  	s24 =	rddreg [dreg:$0x7];
	s2 =	sshll.u32 @!p1 s11, $0x6;
	s0 =	simm.s32 @p2 $0x3  }
0x292: {  	s18 =	rddreg [dreg:$0x8];
	s3 =	smov.u32 @p2 s10;
	s2 =	sadd.s32 @!p1 s0, s2  }
0x293: {  	s4 =	sshrl.u32 @!p1 s24, $0x3;
	s3 =	sadd.s32 @!p1 s18, s3;
	s2 =	sadd.s32 @!p1 $0x1C00, s2  }
0x294: {  	[hbm:s3], [sflag:s2] =	dma.local @!p1 [spmem:s4], $0x280  }
0x295: {  	s2 =	simm.s32 $0x10;
	s3 =	smov.u32 s24;
	s4 =	smov.u32 s18  }
.LBB2_18:
0x296: {  	s18 =	sadd.s32 s2, s11  }
0x297: {  	s19 =	smov.u32 s0;
	p2 =	por p1, p1;
	s3 =	sadd.s32 $0x14000, s3  }
0x298: {  	s4 =	sadd.s32 $0x2800, s4;
	s23 =	smov.u32 s14;
	p1 =	sgt.u32 s18, $0xF9  }
0x299: {  	s2 =	sadd.s32 $0x10, s2;
	s18 =	sshll.u32 @!p1 s11, $0x6;
	s20 =	sshrl.u32 @!p1 s3, $0x3  }
0x29a: {  	s0 =	simm.s32 @!p1 $0x2;
	p3 =	por !p0, p1;
	_ =	swait.ge @!p2 [sflag:s19], $0x280  }
0x29b: {  	s23 =	smov.u32 @p3 s10;
	s0 =	simm.s32 @p3 $0x3;
	[sflag:s19] =	ssyncset.done @!p2 $0x0  }
0x29c: {  	[sflag:s19] =	ssyncadd.s32 @!p2 $0xFFFFFD80;
	p2 =	sne.s32 s2, $0x100  }
.Ltmp8:
0x29d: {  	_ = 	snop;
	(pc) =	sbr.rel @p2 .LBB2_18-.Ltmp8, $4  }
0x29e: {  	_ = 	snop  }
0x29f: {  	s18 =	sadd.s32 @!p1 s0, s18  }
0x2a0: {  	s19 =	sadd.s32 @!p1 s4, s23;
	s18 =	sadd.s32 @!p1 $0x1C00, s18  }
0x2a1: {  	[hbm:s19], [sflag:s18] =	dma.local @!p1 [spmem:s20], $0x280  }
0x2a2: {  	p1 =	por p1, p1  }
0x2a3: {  	_ =	swait.ge @!p1 [sflag:s0], $0x280  }
0x2a4: {  	s2 =	sadd.s32 $0x0, s11;
	[sflag:s0] =	ssyncset.done @!p1 $0x0  }
0x2a5: {  	[sflag:s0] =	ssyncadd.s32 @!p1 $0xFFFFFD80;
	p1 =	sgt.u32 s2, $0xF9  }
0x2a6: {  	[bflag:$0x0] =	sbarrier.arrive $0xFFFF;
	s0 =	simm.s32 @!p1 $0xA880;
	s4 =	simm.s32 @!p1 $0x2  }
0x2a7: {  	[spmem:s24] =	stream.linear.scatter @!p1 [tilespmem:s0], [sflag:$0x2], $0x1400, $0x38;
	[tilespmem:$0x1F540] =	vst v63  }
0x2a8: {  	s3 =	simm.s32 $0x20;
	_ =	swait.ge @!p1 [sflag:s4], $0x1400  }
0x2a9: {  	s2 =	simm.s32 $0x10;
	s0 =	sadd.s32 $0x14000, s24;
	[sflag:s4] =	ssyncset.done @!p1 $0x0  }
.LBB2_20:
0x2aa: {  	s18 =	sadd.s32 s2, s11;
	s2 =	smov.u32 s3;
	s3 =	sadd.s32 $0x10, s3  }
0x2ab: {  	[sflag:s4] =	ssyncadd.s32 @!p1 $0xFFFFEC00;
	p2 =	sne.s32 s3, $0x100  }
.Ltmp9:
0x2ac: {  	p1 =	sgt.u32 s18, $0xF9;
	(pc) =	sbr.rel @p2 .LBB2_20-.Ltmp9, $4  }
0x2ad: {  	s18 =	simm.s32 @!p1 $0xA880;
	s4 =	simm.s32 @!p1 $0x2  }
0x2ae: {  	[spmem:s0] =	stream.linear.scatter @!p1 [tilespmem:s18], [sflag:$0x2], $0x1400, $0x38;
	[tilespmem:$0x1F540] =	vst v63  }
0x2af: {  	_ =	swait.ge @!p1 [sflag:s4], $0x1400  }
0x2b0: {  	s0 =	sadd.s32 $0x14000, s0;
	[sflag:s4] =	ssyncset.done @!p1 $0x0  }
0x2b1: {  	s2 =	sadd.s32 s2, s11  }
0x2b2: {  	p2 =	sgt.u32 s2, $0xF9  }
0x2b3: {  	[sflag:s4] =	ssyncadd.s32 @!p1 $0xFFFFEC00;
	s2 =	simm.s32 @!p2 $0xA880;
	s3 =	simm.s32 @!p2 $0x2  }
0x2b4: {  	[spmem:s0] =	stream.linear.scatter @!p2 [tilespmem:s2], [sflag:$0x2], $0x1400, $0x38;
	[tilespmem:$0x1F540] =	vst v63  }
0x2b5: {  	_ =	swait.ge @!p2 [sflag:s3], $0x1400  }
0x2b6: {  	[sflag:s3] =	ssyncset.done @!p2 $0x0  }
0x2b7: {  	[sflag:s3] =	ssyncadd.s32 @!p2 $0xFFFFEC00  }
0x2b8: {  	s30 =	simm.s32 $0x0;
	s31 =	simm.s32 $0x0;
	[bflag:$0x0] =	sbarrier.arrive $0xFFFF  }
.LBB2_22:
0x2b9: {  	s0 =	sshll.u32 s31, $0x4  }
0x2ba: {  	s0 =	sadd.s32 s16, s0  }
0x2bb: {  	s2 =	smul.u32 $0x5, s0;
	_ =	sdelay $0x1  }
0x2bc: {  	s3 =	sadd.s32 s8, s2  }
0x2bd: {  	[tilespmem:s30], [sflag:$0x2] =	stream.linear.gather [hbm4b:s3+s30], $0x28, $0x38;
	[tilespmem:$0x1F540] =	vst v63  }
0x2be: {  	_ =	swait.ge [sflag:s21], $0x28  }
0x2bf: {  	[sflag:s21] =	ssyncset.done $0x0  }
0x2c0: {  	s2 =	sadd.s32 s7, s2;
	[sflag:s21] =	ssyncadd.s32 $0xFFFFFFD8  }
0x2c1: {  	[tilespmem:s22], [sflag:$0x2] =	stream.linear.gather [hbm4b:s2+s30], $0x28, $0x38;
	[tilespmem:$0x1F540] =	vst v63  }
0x2c2: {  	s20 =	smul.u32 $0xF0, s0;
	_ =	swait.ge [sflag:s21], $0x28  }
0x2c3: {  	[sflag:s21] =	ssyncset.done $0x0  }
0x2c4: {  	s23 =	simm.s32 $0x8D00;
	s2 =	sadd.s32 s6, s20;
	[sflag:s21] =	ssyncadd.s32 $0xFFFFFFD8  }
0x2c5: {  	[tilespmem:s23], [sflag:$0x2] =	stream.linear.gather [hbm4b:s2+s30], $0x780, $0x38;
	[tilespmem:$0x1F540] =	vst v63  }
0x2c6: {  	_ =	swait.ge [sflag:s21], $0x780  }
0x2c7: {  	[sflag:s21] =	ssyncset.done $0x0  }
0x2c8: {  	[sflag:s21] =	ssyncadd.s32 $0xFFFFF880  }
0x2c9: {  	v4 =	vld [tilespmem:$0x0];
	_ =	sdelay $0x4  }
0x2ca: {  	v5 =	vshll.u32 v4, $0x1  }
0x2cb: {  	v4 =	vand.u32 $0x7, v4;
	v5 =	vand.u32 $0xFFFFFFF0, v5  }
0x2cc: {  	v4 =	vor.u32 v4, v5  }
0x2cd: {  	v5 =	vperm.xlane v4, v1;
	_ =	sdelay $0x1  }
0x2ce: {  	v4 =	vperm.xlane v4, v3;
	v5 =	vadd.s32 v2, v5;
	_ =	sdelay $0x1  }
0x2cf: {  	v4 =	vadd.s32 v2, v4;
	_ =	sdelay $0x1  }
0x2d0: {  	s24 =	simm.s32 $0x100  }
0x2d1: {  	[tilespmem:s24], [sflag:$0x1] =	stream.indirect_vreg.gather [hbm4b:s5+s30], $0x80, v5, vm0, $0xb8;
	[tilespmem:$0x1F540] =	vst v63  }
0x2d2: {  	s3 =	simm.s32 $0x900  }
0x2d3: {  	[tilespmem:s3], [sflag:$0x1] =	stream.indirect_vreg.gather [hbm4b:s5+s30], $0x80, v4, vm0, $0xb8;
	[tilespmem:$0x1F540] =	vst v63  }
0x2d4: {  	v4 =	vld [tilespmem:$0x10];
	_ =	sdelay $0x4  }
0x2d5: {  	v5 =	vshll.u32 v4, $0x1  }
0x2d6: {  	v4 =	vand.u32 $0x7, v4;
	v5 =	vand.u32 $0xFFFFFFF0, v5  }
0x2d7: {  	v4 =	vor.u32 v4, v5  }
0x2d8: {  	v5 =	vperm.xlane v4, v1;
	_ =	sdelay $0x1  }
0x2d9: {  	v4 =	vperm.xlane v4, v3;
	v5 =	vadd.s32 v2, v5;
	_ =	sdelay $0x1  }
0x2da: {  	v4 =	vadd.s32 v2, v4;
	_ =	sdelay $0x1  }
0x2db: {  	s4 =	simm.s32 $0x1100  }
0x2dc: {  	[tilespmem:s4], [sflag:$0x1] =	stream.indirect_vreg.gather [hbm4b:s5+s30], $0x80, v5, vm0, $0xb8;
	[tilespmem:$0x1F540] =	vst v63  }
0x2dd: {  	s18 =	simm.s32 $0x1900  }
0x2de: {  	[tilespmem:s18], [sflag:$0x1] =	stream.indirect_vreg.gather [hbm4b:s5+s30], $0x80, v4, vm0, $0xb8;
	[tilespmem:$0x1F540] =	vst v63  }
0x2df: {  	v4 =	vld.msk [tilespmem:$0x20], $0xff;
	_ =	sdelay $0x4  }
0x2e0: {  	v5 =	vshll.u32 v4, $0x1  }
0x2e1: {  	v4 =	vand.u32 $0x7, v4;
	v5 =	vand.u32 $0xFFFFFFF0, v5  }
0x2e2: {  	v4 =	vor.u32 v4, v5  }
0x2e3: {  	v4 =	vperm.xlane v4, v1;
	_ =	sdelay $0x1  }
0x2e4: {  	v4 =	vadd.s32 v2, v4;
	_ =	sdelay $0x3  }
0x2e5: {  	s19 =	simm.s32 $0x2100  }
0x2e6: {  	[tilespmem:s19], [sflag:$0x1] =	stream.indirect_vreg.gather [hbm4b:s5+s30], $0x80, v4, vm0, $0xb8;
	[tilespmem:$0x1F540] =	vst v63  }
0x2e7: {  	v4 =	vld [tilespmem:$0x0];
	_ =	sdelay $0x4  }
0x2e8: {  	v5 =	vshrl.u32 v4, $0x3  }
0x2e9: {  	v5 =	vmul.u32 $0x18, v5  }
0x2ea: {  	v4 =	vand.u32 $0x7, v4  }
0x2eb: {  	v4 =	vor.u32 v4, v5  }
0x2ec: {  	v5 =	vperm.xlane v4, v1;
	_ =	sdelay $0x1  }
0x2ed: {  	v5 =	vadd.s32 v2, v5;
	_ =	sdelay $0x1  }
0x2ee: {  	v4 =	vperm.xlane v4, v3;
	_ =	sdelay $0x1  }
0x2ef: {  	s20 =	simm.s32 $0x2900;
	v4 =	vadd.s32 v2, v4  }
0x2f0: {  	[tilespmem:s20], [sflag:$0x1] =	stream.indirect_vreg.gather [hbm4b:s1+s30], $0x80, v5, vm0, $0xb8;
	[tilespmem:$0x1F540] =	vst v63  }
0x2f1: {  	s23 =	simm.s32 $0x3100  }
0x2f2: {  	[tilespmem:s23], [sflag:$0x1] =	stream.indirect_vreg.gather [hbm4b:s17+s30], $0x80, v5, vm1, $0xb8;
	[tilespmem:$0x1F540] =	vst v63  }
0x2f3: {  	s24 =	simm.s32 $0x3500  }
0x2f4: {  	[tilespmem:s24], [sflag:$0x1] =	stream.indirect_vreg.gather [hbm4b:s1+s30], $0x80, v4, vm0, $0xb8;
	[tilespmem:$0x1F540] =	vst v63  }
0x2f5: {  	s3 =	simm.s32 $0x3D00  }
0x2f6: {  	[tilespmem:s3], [sflag:$0x1] =	stream.indirect_vreg.gather [hbm4b:s17+s30], $0x80, v4, vm1, $0xb8;
	[tilespmem:$0x1F540] =	vst v63  }
0x2f7: {  	v4 =	vld [tilespmem:$0x10];
	_ =	sdelay $0x4  }
0x2f8: {  	v5 =	vshrl.u32 v4, $0x3  }
0x2f9: {  	v5 =	vmul.u32 $0x18, v5  }
0x2fa: {  	v4 =	vand.u32 $0x7, v4  }
0x2fb: {  	v4 =	vor.u32 v4, v5  }
0x2fc: {  	v5 =	vperm.xlane v4, v1;
	_ =	sdelay $0x1  }
0x2fd: {  	v5 =	vadd.s32 v2, v5;
	_ =	sdelay $0x1  }
0x2fe: {  	v4 =	vperm.xlane v4, v3;
	_ =	sdelay $0x1  }
0x2ff: {  	s4 =	simm.s32 $0x4100;
	v4 =	vadd.s32 v2, v4  }
0x300: {  	[tilespmem:s4], [sflag:$0x1] =	stream.indirect_vreg.gather [hbm4b:s1+s30], $0x80, v5, vm0, $0xb8;
	[tilespmem:$0x1F540] =	vst v63  }
0x301: {  	s18 =	simm.s32 $0x4900  }
0x302: {  	[tilespmem:s18], [sflag:$0x1] =	stream.indirect_vreg.gather [hbm4b:s17+s30], $0x80, v5, vm1, $0xb8;
	[tilespmem:$0x1F540] =	vst v63  }
0x303: {  	s19 =	simm.s32 $0x4D00  }
0x304: {  	[tilespmem:s19], [sflag:$0x1] =	stream.indirect_vreg.gather [hbm4b:s1+s30], $0x80, v4, vm0, $0xb8;
	[tilespmem:$0x1F540] =	vst v63  }
0x305: {  	s20 =	simm.s32 $0x5500  }
0x306: {  	[tilespmem:s20], [sflag:$0x1] =	stream.indirect_vreg.gather [hbm4b:s17+s30], $0x80, v4, vm1, $0xb8;
	[tilespmem:$0x1F540] =	vst v63  }
0x307: {  	v4 =	vld.msk [tilespmem:$0x20], $0xff;
	_ =	sdelay $0x4  }
0x308: {  	v5 =	vshrl.u32 v4, $0x3  }
0x309: {  	v5 =	vmul.u32 $0x18, v5  }
0x30a: {  	v4 =	vand.u32 $0x7, v4  }
0x30b: {  	v4 =	vor.u32 v4, v5  }
0x30c: {  	v4 =	vperm.xlane v4, v1;
	_ =	sdelay $0x1  }
0x30d: {  	v4 =	vadd.s32 v2, v4;
	_ =	sdelay $0x1  }
0x30e: {  	s0 =	smul.u32 $0x3C00, s0;
	_ =	sdelay $0x1  }
0x30f: {  	s0 =	sshrl.u32 s0, $0x3;
	s23 =	simm.s32 $0x5900;
	s3 =	rddreg [dreg:$0x2]  }
0x310: {  	[tilespmem:s23], [sflag:$0x1] =	stream.indirect_vreg.gather [hbm4b:s1+s30], $0x80, v4, vm0, $0xb8;
	[tilespmem:$0x1F540] =	vst v63  }
0x311: {  	s24 =	simm.s32 $0x6100;
	s0 =	sadd.s32 s3, s0  }
0x312: {  	[tilespmem:s24], [sflag:$0x1] =	stream.indirect_vreg.gather [hbm4b:s17+s30], $0x80, v4, vm1, $0xb8;
	[tilespmem:$0x1F540] =	vst v63  }
0x313: {  	s0 =	sadd.s32 $0x80, s0;
	s4 =	simm.s32 $0x800;
	s18 =	simm.s32 $0xC00  }
0x314: {  	[tilespmem:s25], [sflag:$0x1] =	stream.strided.gather [hbm4b:s0+s4], $0x2800, s18, s4, $0x38;
	[tilespmem:$0x1F540] =	vst v63  }
0x315: {  	_ =	swait.ge [sflag:s26], $0x2800  }
0x316: {  	[sflag:s26] =	ssyncset.done $0x0  }
0x317: {  	[sflag:s26] =	ssyncadd.s32 $0xFFFFD800  }
0x318: {  	_ =	swait.ge [sflag:s26], $0x3C00  }
0x319: {  	[sflag:s26] =	ssyncset.done $0x0  }
0x31a: {  	[sflag:s26] =	ssyncadd.s32 $0xFFFFC400  }
0x31b: {  	_ =	swait.ge [sflag:s26], $0x2800  }
0x31c: {  	s19 =	simm.s32 $0x0;
	s20 =	sand.u32 $0x380, s30;
	[sflag:s26] =	ssyncset.done $0x0  }
0x31d: {  	s23 =	simm.s32 $0x0;
	s18 =	sor.u32 s20, s19;
	[sflag:s26] =	ssyncadd.s32 $0xFFFFD800  }
0x31e: {  	s24 =	smul.u32 $0x3000, s23;
	v4 =	vld [tilespmem:s18+$0x6900]  }
0x31f: {  	v5 =	vld [tilespmem:s18+$0x100]  }
0x320: {  	s0 =	sshra.s32 s24, $0x2;
	v6 =	vld [tilespmem:s18+$0x500]  }
0x321: {  	s4 =	sor.u32 s20, s0;
	v7 =	vld [tilespmem:s18+$0x6500]  }
0x322: {  	s0 =	simm.s32 $0x8D20;
	v8 =	vld [tilespmem:s4+$0x3100]  }
0x323: {  	v9 =	vld [tilespmem:s0+$0x0];
	_ =	sdelay $0x2  }
0x324: {  	v4 =	vmul.f32 v4, v6;
	v5 =	vmul.f32 v7, v5;
	_ =	sdelay $0x1  }
0x325: {  	v4 =	vmul.f32 v8, v4;
	v5 =	vmul.f32 v9, v5;
	_ =	sdelay $0x1  }
0x326: {  	v4 =	vadd.f32 v4, v5  }
0x327: {  	s20 =	simm.s32 $0x94C0  }
0x328: {  	[tilespmem:s20+$0xFFFFFFC0] =	vst v4  }
0x329: {  	v4 =	vld [tilespmem:s18+$0x510]  }
0x32a: {  	v5 =	vld [tilespmem:s18+$0x6510]  }
0x32b: {  	v6 =	vld [tilespmem:s18+$0x110]  }
0x32c: {  	v7 =	vld [tilespmem:s18+$0x6910]  }
0x32d: {  	v8 =	vld [tilespmem:s4+$0x3110]  }
0x32e: {  	v9 =	vld [tilespmem:s0+$0x0];
	_ =	sdelay $0x2  }
0x32f: {  	v5 =	vmul.f32 v5, v6;
	v4 =	vmul.f32 v7, v4;
	_ =	sdelay $0x1  }
0x330: {  	v5 =	vmul.f32 v9, v5;
	v4 =	vmul.f32 v8, v4;
	_ =	sdelay $0x1  }
0x331: {  	v4 =	vadd.f32 v4, v5;
	_ =	sdelay $0x1  }
0x332: {  	[tilespmem:s20+$0xFFFFFFD0] =	vst v4  }
0x333: {  	v4 =	vld [tilespmem:s18+$0x520]  }
0x334: {  	v5 =	vld [tilespmem:s18+$0x6520]  }
0x335: {  	v6 =	vld [tilespmem:s18+$0x120]  }
0x336: {  	v7 =	vld [tilespmem:s18+$0x6920]  }
0x337: {  	v8 =	vld [tilespmem:s4+$0x3120]  }
0x338: {  	v9 =	vld [tilespmem:s0+$0x0];
	_ =	sdelay $0x2  }
0x339: {  	v5 =	vmul.f32 v5, v6;
	v4 =	vmul.f32 v7, v4;
	_ =	sdelay $0x1  }
0x33a: {  	v5 =	vmul.f32 v9, v5;
	v4 =	vmul.f32 v8, v4;
	_ =	sdelay $0x1  }
0x33b: {  	v4 =	vadd.f32 v4, v5;
	_ =	sdelay $0x1  }
0x33c: {  	[tilespmem:s20+$0xFFFFFFE0] =	vst v4  }
0x33d: {  	v4 =	vld [tilespmem:s18+$0x6930]  }
0x33e: {  	v5 =	vld [tilespmem:s18+$0x130]  }
0x33f: {  	v6 =	vld [tilespmem:s18+$0x6530]  }
0x340: {  	v7 =	vld [tilespmem:s18+$0x530]  }
0x341: {  	v8 =	vld [tilespmem:s0+$0x0]  }
0x342: {  	v9 =	vld [tilespmem:s4+$0x3130];
	_ =	sdelay $0x2  }
0x343: {  	v5 =	vmul.f32 v6, v5;
	v4 =	vmul.f32 v4, v7;
	_ =	sdelay $0x1  }
0x344: {  	v5 =	vmul.f32 v8, v5;
	v4 =	vmul.f32 v9, v4;
	_ =	sdelay $0x1  }
0x345: {  	v4 =	vadd.f32 v4, v5;
	_ =	sdelay $0x1  }
0x346: {  	[tilespmem:s20+$0xFFFFFFF0] =	vst v4  }
0x347: {  	v4 =	vld [tilespmem:s18+$0x6540]  }
0x348: {  	v5 =	vld [tilespmem:s18+$0x6940]  }
0x349: {  	v6 =	vld [tilespmem:s18+$0x540]  }
0x34a: {  	v7 =	vld [tilespmem:s18+$0x140]  }
0x34b: {  	v8 =	vld [tilespmem:s4+$0x3140]  }
0x34c: {  	v9 =	vld [tilespmem:s0+$0x0];
	_ =	sdelay $0x2  }
0x34d: {  	v5 =	vmul.f32 v5, v6;
	v4 =	vmul.f32 v4, v7;
	_ =	sdelay $0x1  }
0x34e: {  	v5 =	vmul.f32 v8, v5;
	v4 =	vmul.f32 v9, v4;
	_ =	sdelay $0x1  }
0x34f: {  	v4 =	vadd.f32 v5, v4;
	_ =	sdelay $0x1  }
0x350: {  	[tilespmem:s20+$0x0] =	vst v4  }
0x351: {  	v4 =	vld [tilespmem:s18+$0x150]  }
0x352: {  	v5 =	vld [tilespmem:s18+$0x6950]  }
0x353: {  	v6 =	vld [tilespmem:s18+$0x6550]  }
0x354: {  	v7 =	vld [tilespmem:s18+$0x550]  }
0x355: {  	v8 =	vld [tilespmem:s0+$0x0]  }
0x356: {  	v9 =	vld [tilespmem:s4+$0x3150];
	_ =	sdelay $0x2  }
0x357: {  	v4 =	vmul.f32 v6, v4;
	v5 =	vmul.f32 v5, v7;
	_ =	sdelay $0x1  }
0x358: {  	v4 =	vmul.f32 v8, v4;
	v5 =	vmul.f32 v9, v5;
	_ =	sdelay $0x1  }
0x359: {  	v4 =	vadd.f32 v5, v4;
	_ =	sdelay $0x1  }
0x35a: {  	[tilespmem:s20+$0x10] =	vst v4  }
0x35b: {  	v4 =	vld [tilespmem:s18+$0x6560]  }
0x35c: {  	v5 =	vld [tilespmem:s18+$0x560]  }
0x35d: {  	v6 =	vld [tilespmem:s18+$0x160]  }
0x35e: {  	s2 =	simm.s32 $0x8D20;
	v8 =	vld [tilespmem:s18+$0x6960]  }
0x35f: {  	s3 =	simm.s32 $0x1;
	s23 =	simm.s32 $0x0;
	s19 =	simm.s32 $0x94C0;
	v7 =	vld [tilespmem:s0+$0x0]  }
.LBB2_23:
0x360: {  	v9 =	vld [tilespmem:s4+$0x3160];
	s0 =	sadd.s32 $0x30, s0;
	s23 =	sadd.s32 $0x80, s23;
	s20 =	sadd.s32 $0x80, s20  }
0x361: {  	p1 =	sne.s32 s3, $0x27;
	s24 =	smov.u32 s3;
	s3 =	sadd.s32 $0x1, s3  }
0x362: {  	v4 =	vmul.f32 v4, v6  }
0x363: {  	v5 =	vmul.f32 v8, v5;
	_ =	sdelay $0x1  }
0x364: {  	v4 =	vmul.f32 v7, v4;
	v5 =	vmul.f32 v9, v5;
	_ =	sdelay $0x1  }
0x365: {  	v4 =	vadd.f32 v5, v4;
	_ =	sdelay $0x1  }
0x366: {  	[tilespmem:s19+$0x20] =	vst v4  }
0x367: {  	v4 =	vld [tilespmem:s18+$0x170]  }
0x368: {  	v5 =	vld [tilespmem:s4+$0x3170]  }
0x369: {  	v6 =	vld [tilespmem:s18+$0x570]  }
0x36a: {  	v7 =	vld [tilespmem:s18+$0x6970]  }
0x36b: {  	v8 =	vld [tilespmem:s18+$0x6570]  }
0x36c: {  	v9 =	vld [tilespmem:s2+$0x0];
	s2 =	smov.u32 s0;
	_ =	sdelay $0x2  }
0x36d: {  	v6 =	vmul.f32 v7, v6  }
0x36e: {  	v4 =	vmul.f32 v8, v4  }
0x36f: {  	v5 =	vmul.f32 v5, v6  }
0x370: {  	v4 =	vmul.f32 v9, v4;
	_ =	sdelay $0x1  }
0x371: {  	s4 =	sshrl.u32 s24, $0x3;
	v4 =	vadd.f32 v5, v4  }
0x372: {  	s24 =	sand.u32 $0x380, s23;
	s18 =	sshll.u32 s4, $0xB;
	s4 =	smul.u32 $0x3000, s4  }
0x373: {  	s18 =	sor.u32 s24, s18;
	[tilespmem:s19+$0x30] =	vst v4;
	s19 =	smov.u32 s20  }
0x374: {  	s4 =	sshra.s32 s4, $0x2;
	v4 =	vld [tilespmem:s18+$0x6900]  }
0x375: {  	s4 =	sor.u32 s24, s4;
	v5 =	vld [tilespmem:s18+$0x100]  }
0x376: {  	v6 =	vld [tilespmem:s18+$0x500]  }
0x377: {  	v7 =	vld [tilespmem:s18+$0x6500]  }
0x378: {  	v8 =	vld [tilespmem:s4+$0x3100]  }
0x379: {  	v9 =	vld [tilespmem:s0+$0x0];
	_ =	sdelay $0x1  }
0x37a: {  	v4 =	vmul.f32 v4, v6  }
0x37b: {  	v5 =	vmul.f32 v7, v5  }
0x37c: {  	v4 =	vmul.f32 v8, v4  }
0x37d: {  	v5 =	vmul.f32 v9, v5;
	_ =	sdelay $0x1  }
0x37e: {  	v4 =	vadd.f32 v4, v5;
	_ =	sdelay $0x1  }
0x37f: {  	[tilespmem:s20+$0xFFFFFFC0] =	vst v4  }
0x380: {  	v4 =	vld [tilespmem:s18+$0x510]  }
0x381: {  	v5 =	vld [tilespmem:s18+$0x6510]  }
0x382: {  	v6 =	vld [tilespmem:s18+$0x110]  }
0x383: {  	v7 =	vld [tilespmem:s18+$0x6910]  }
0x384: {  	v8 =	vld [tilespmem:s4+$0x3110]  }
0x385: {  	v9 =	vld [tilespmem:s0+$0x0];
	_ =	sdelay $0x1  }
0x386: {  	v5 =	vmul.f32 v5, v6  }
0x387: {  	v4 =	vmul.f32 v7, v4;
	_ =	sdelay $0x1  }
0x388: {  	v5 =	vmul.f32 v9, v5;
	v4 =	vmul.f32 v8, v4;
	_ =	sdelay $0x1  }
0x389: {  	v4 =	vadd.f32 v4, v5;
	_ =	sdelay $0x1  }
0x38a: {  	[tilespmem:s20+$0xFFFFFFD0] =	vst v4  }
0x38b: {  	v4 =	vld [tilespmem:s18+$0x520]  }
0x38c: {  	v5 =	vld [tilespmem:s18+$0x6520]  }
0x38d: {  	v6 =	vld [tilespmem:s18+$0x120]  }
0x38e: {  	v7 =	vld [tilespmem:s18+$0x6920]  }
0x38f: {  	v8 =	vld [tilespmem:s4+$0x3120]  }
0x390: {  	v9 =	vld [tilespmem:s0+$0x0];
	_ =	sdelay $0x1  }
0x391: {  	v5 =	vmul.f32 v5, v6  }
0x392: {  	v4 =	vmul.f32 v7, v4;
	_ =	sdelay $0x1  }
0x393: {  	v5 =	vmul.f32 v9, v5;
	v4 =	vmul.f32 v8, v4;
	_ =	sdelay $0x1  }
0x394: {  	v4 =	vadd.f32 v4, v5;
	_ =	sdelay $0x1  }
0x395: {  	[tilespmem:s20+$0xFFFFFFE0] =	vst v4  }
0x396: {  	v4 =	vld [tilespmem:s18+$0x6930]  }
0x397: {  	v5 =	vld [tilespmem:s18+$0x130]  }
0x398: {  	v6 =	vld [tilespmem:s18+$0x6530]  }
0x399: {  	v7 =	vld [tilespmem:s18+$0x530]  }
0x39a: {  	v8 =	vld [tilespmem:s0+$0x0]  }
0x39b: {  	v9 =	vld [tilespmem:s4+$0x3130];
	_ =	sdelay $0x1  }
0x39c: {  	v5 =	vmul.f32 v6, v5  }
0x39d: {  	v4 =	vmul.f32 v4, v7;
	_ =	sdelay $0x1  }
0x39e: {  	v5 =	vmul.f32 v8, v5;
	v4 =	vmul.f32 v9, v4;
	_ =	sdelay $0x1  }
0x39f: {  	v4 =	vadd.f32 v4, v5;
	_ =	sdelay $0x1  }
0x3a0: {  	[tilespmem:s20+$0xFFFFFFF0] =	vst v4  }
0x3a1: {  	v4 =	vld [tilespmem:s18+$0x6540]  }
0x3a2: {  	v5 =	vld [tilespmem:s18+$0x6940]  }
0x3a3: {  	v6 =	vld [tilespmem:s18+$0x540]  }
0x3a4: {  	v7 =	vld [tilespmem:s18+$0x140]  }
0x3a5: {  	v8 =	vld [tilespmem:s4+$0x3140]  }
0x3a6: {  	v9 =	vld [tilespmem:s0+$0x0];
	_ =	sdelay $0x1  }
0x3a7: {  	v5 =	vmul.f32 v5, v6  }
0x3a8: {  	v4 =	vmul.f32 v4, v7  }
0x3a9: {  	v5 =	vmul.f32 v8, v5  }
0x3aa: {  	v4 =	vmul.f32 v9, v4;
	_ =	sdelay $0x1  }
0x3ab: {  	v4 =	vadd.f32 v5, v4;
	_ =	sdelay $0x1  }
0x3ac: {  	[tilespmem:s20+$0x0] =	vst v4  }
0x3ad: {  	v4 =	vld [tilespmem:s18+$0x150]  }
0x3ae: {  	v5 =	vld [tilespmem:s18+$0x6950]  }
0x3af: {  	v6 =	vld [tilespmem:s18+$0x6550]  }
0x3b0: {  	v7 =	vld [tilespmem:s18+$0x550]  }
0x3b1: {  	v8 =	vld [tilespmem:s0+$0x0]  }
0x3b2: {  	v9 =	vld [tilespmem:s4+$0x3150];
	_ =	sdelay $0x1  }
0x3b3: {  	v4 =	vmul.f32 v6, v4  }
0x3b4: {  	v5 =	vmul.f32 v5, v7;
	_ =	sdelay $0x1  }
0x3b5: {  	v4 =	vmul.f32 v8, v4;
	v5 =	vmul.f32 v9, v5;
	_ =	sdelay $0x1  }
0x3b6: {  	v4 =	vadd.f32 v5, v4;
	_ =	sdelay $0x1  }
0x3b7: {  	[tilespmem:s20+$0x10] =	vst v4  }
.Ltmp10:
0x3b8: {  	v4 =	vld [tilespmem:s18+$0x6560];
	(pc) =	sbr.rel @p1 .LBB2_23-.Ltmp10, $4  }
0x3b9: {  	v5 =	vld [tilespmem:s18+$0x560]  }
0x3ba: {  	v6 =	vld [tilespmem:s18+$0x160]  }
0x3bb: {  	v8 =	vld [tilespmem:s18+$0x6960]  }
0x3bc: {  	v7 =	vld [tilespmem:s0+$0x0]  }
0x3bd: {  	v9 =	vld [tilespmem:s4+$0x3160];
	_ =	sdelay $0x2  }
0x3be: {  	v4 =	vmul.f32 v4, v6;
	v5 =	vmul.f32 v8, v5;
	_ =	sdelay $0x1  }
0x3bf: {  	v4 =	vmul.f32 v7, v4;
	v5 =	vmul.f32 v9, v5;
	_ =	sdelay $0x1  }
0x3c0: {  	v4 =	vadd.f32 v5, v4;
	_ =	sdelay $0x1  }
0x3c1: {  	[tilespmem:s19+$0x20] =	vst v4  }
0x3c2: {  	v4 =	vld [tilespmem:s18+$0x170]  }
0x3c3: {  	v5 =	vld [tilespmem:s18+$0x570]  }
0x3c4: {  	v60 =	vld [tilespmem:s18+$0x6970]  }
0x3c5: {  	v61 =	vld [tilespmem:s18+$0x6570]  }
0x3c6: {  	v62 =	vld [tilespmem:s4+$0x3170]  }
0x3c7: {  	v63 =	vld [tilespmem:s2+$0x0];
	_ =	sdelay $0x2  }
0x3c8: {  	v5 =	vmul.f32 v60, v5;
	v4 =	vmul.f32 v61, v4;
	_ =	sdelay $0x1  }
0x3c9: {  	v5 =	vmul.f32 v62, v5;
	v4 =	vmul.f32 v63, v4;
	_ =	sdelay $0x1  }
0x3ca: {  	s31 =	sadd.s32 $0x1, s31;
	v4 =	vadd.f32 v5, v4  }
0x3cb: {  	p1 =	sne.s32 s31, $0xFA  }
.Ltmp11:
0x3cc: {  	s0 =	rddreg [dreg:$0x3];
	[tilespmem:s19+$0x30] =	vst v4;
	(pc) =	sbr.rel @p1 .LBB2_22-.Ltmp11, $4  }
0x3cd: {  	[spmem:s0] =	stream.indirect.scatter.add.f32 [tilespmem:s29], [sflag:$0x2], $0x80, s22, s28, $0xb8;
	[tilespmem:$0x1F540] =	vst v63  }
0x3ce: {  	_ =	swait.ge [sflag:s21], $0x1400  }
0x3cf: {  	[sflag:s21] =	ssyncset.done $0x0  }
0x3d0: {  	[sflag:s21] =	ssyncadd.s32 $0xFFFFEC00  }
0x3d1: {  	s0 =	sadd.s32 $0x0, s11  }
0x3d2: {  	s3 =	smov.u32 s15;
	p1 =	sgt.u32 s0, $0xF9  }
0x3d3: {  	[bflag:$0x0] =	sbarrier.arrive $0xFFFF;
	s0 =	simm.s32 @!p1 $0x2;
	p2 =	por !p0, p1  }
0x3d4: {  	s24 =	rddreg [dreg:$0x7];
	s2 =	sshll.u32 @!p1 s11, $0x6;
	s0 =	simm.s32 @p2 $0x3  }
0x3d5: {  	s18 =	rddreg [dreg:$0x8];
	s3 =	smov.u32 @p2 s12;
	s2 =	sadd.s32 @!p1 s0, s2  }
0x3d6: {  	s4 =	sshrl.u32 @!p1 s24, $0x3;
	s3 =	sadd.s32 @!p1 s18, s3;
	s2 =	sadd.s32 @!p1 $0x1C00, s2  }
0x3d7: {  	[hbm:s3], [sflag:s2] =	dma.local @!p1 [spmem:s4], $0x280  }
0x3d8: {  	s2 =	simm.s32 $0x10;
	s3 =	smov.u32 s24;
	s4 =	smov.u32 s18  }
.LBB2_26:
0x3d9: {  	s18 =	sadd.s32 s2, s11  }
0x3da: {  	s19 =	smov.u32 s0;
	p2 =	por p1, p1;
	s3 =	sadd.s32 $0x14000, s3  }
0x3db: {  	s4 =	sadd.s32 $0x2800, s4;
	s23 =	smov.u32 s15;
	p1 =	sgt.u32 s18, $0xF9  }
0x3dc: {  	s2 =	sadd.s32 $0x10, s2;
	s18 =	sshll.u32 @!p1 s11, $0x6;
	s20 =	sshrl.u32 @!p1 s3, $0x3  }
0x3dd: {  	s0 =	simm.s32 @!p1 $0x2;
	p3 =	por !p0, p1;
	_ =	swait.ge @!p2 [sflag:s19], $0x280  }
0x3de: {  	s23 =	smov.u32 @p3 s12;
	s0 =	simm.s32 @p3 $0x3;
	[sflag:s19] =	ssyncset.done @!p2 $0x0  }
0x3df: {  	[sflag:s19] =	ssyncadd.s32 @!p2 $0xFFFFFD80;
	p2 =	sne.s32 s2, $0x100  }
.Ltmp12:
0x3e0: {  	_ = 	snop;
	(pc) =	sbr.rel @p2 .LBB2_26-.Ltmp12, $4  }
0x3e1: {  	_ = 	snop  }
0x3e2: {  	s18 =	sadd.s32 @!p1 s0, s18  }
0x3e3: {  	s19 =	sadd.s32 @!p1 s4, s23;
	s18 =	sadd.s32 @!p1 $0x1C00, s18  }
0x3e4: {  	[hbm:s19], [sflag:s18] =	dma.local @!p1 [spmem:s20], $0x280  }
0x3e5: {  	p1 =	por p1, p1  }
0x3e6: {  	_ =	swait.ge @!p1 [sflag:s0], $0x280  }
0x3e7: {  	s20 =	rddreg [dreg:$0x5]  }
0x3e8: {  	[sflag:s0] =	ssyncset.done @!p1 $0x0;
	s31 =	rddreg [dreg:$0x6];
	s20 =	sadd.s32 $0x1, s20  }
0x3e9: {  	[sflag:s0] =	ssyncadd.s32 @!p1 $0xFFFFFD80;
	p1 =	sne.s32 s20, s31  }
.Ltmp13:
0x3ea: {  	_ = 	snop;
	(pc) =	sbr.rel @p1 .LBB2_1-.Ltmp13, $2  }
0x3eb: {  	_ =	sdelay $0x1  }
0x3ec: {  	[bflag:$0x0] =	sbarrier.arrive $0xFFFF;
	_ =	sdelay $0x1  }
0x3ed: {  	_ =	sfence.sel $0x180000  }
0x3ee: {  	[bflag:$0x0] =	sbarrier.arrive $0xFFFF  }
0x3ef: {  	_ =	strace $0x90000047  }
0x3f0: {  	[bflag:$0x2] =	sbarrier.arrive $0xFFFF  }
0x3f1: {  	p0 =	sne.s32 s11, $0x0;
	s0 =	rddreg [dreg:$0x4]  }
0x3f2: {  	s0 =	sadd.s32 @!p0 $0x100000, s0  }
0x3f3: {  	[sflag:s0] =	ssyncadd.tile.s32 @!p0 $0x1;
	_ =	shalt  }
.Lfunc_end2:
_tile_overlayer_lowered:
.L_overlay_start_2:
0x3f4: {  	(tag) =	ssettag $0x2  }
0x3f5: {  	s0 =	rddreg [dreg:$0x0];
	s2 =	stileid.u32  }
0x3f6: {  	s1 =	rddreg [dreg:$0x1];
	p0 =	sne.s32 s2, $0x0  }
0x3f7: {  	s3 =	rddreg [dreg:$0x2];
	[bflag:$0x3] =	sbarrier.arrive $0xFFFF;
	s2 =	simm.s32 @!p0 $0x1C02  }
0x3f8: {  	[timem:s3], [sflag:s2] =	dma.local @!p0 [hbm:s0], s1  }
0x3f9: {  	s0 =	simm.s32 @!p0 $0x2  }
0x3fa: {  	_ =	swait.ge @!p0 [sflag:s0], s1  }
0x3fb: {  	s1 =	ssub.s32 @!p0 $0x0, s1;
	[sflag:s0] =	ssyncset.done @!p0 $0x0  }
0x3fc: {  	[sflag:s0] =	ssyncadd.s32 @!p0 s1  }
0x3fd: {  	[bflag:$0x3] =	sbarrier.arrive $0xFFFF  }
0x3fe: {  	_ =	shalt  }

</sc_bundles>
